<compile_context>
chip_gen: v7x
topology: tpu7x:2x2x1
jax: 0.10.2.dev20260603
libtpu: 0.0.44.dev20260713+nightly
codegen_flags: <defaults>
</compile_context>

<pallas_src>
import functools

import jax
import jax.numpy as jnp
from jax import lax
from jax.experimental import pallas as pl
from jax.experimental.pallas import tpu as pltpu
from jax.experimental.pallas import tpu_sc as plsc

B = 8
N = 8192
BN = B * N
H = 3
MC = 32
N_REFL = 100000
D_META = 5
HID = 32
N_OPS = 2
NSTREAM = N_OPS * H
DTAB = 48
ZROW = N_REFL
TROWS = N_REFL + 8

NC = 2
NS = 16
NW = NC * NS
OBS_PER_W = BN // NW
CH = 128
NCHUNK = OBS_PER_W // CH
LANES = 16

BLK = 512
GRID = BN // BLK
STEPS_PER_B = N // BLK
KLR, KLC = 100, 1000

_HALF_LOG_2PI = 0.9189385332046727



NT = NCHUNK * NSTREAM
RING = 8


def _sc_gather_body(comps_hbm, tab_hbm, out_hbm, comp_v, idx_v, rows_v, sems):
    wid = lax.axis_index("s") * NC + lax.axis_index("c")
    wbase = wid * OBS_PER_W

    pltpu.sync_copy(comps_hbm.at[:, pl.ds(wbase, OBS_PER_W)], comp_v)

    def grp(g, c2):
        sl = pl.ds(g * LANES, LANES)
        h0 = comp_v[0, sl]
        h1 = comp_v[1, sl]
        h2 = comp_v[2, sl]
        a337 = comp_v[3, sl] * 337
        bh = h0 * 911 + h1 * 1237 + h2 * 2003
        ci = g // (CH // LANES)
        gl = g % (CH // LANES)
        for op in range(N_OPS):
            sb = bh if op == 0 else -bh
            for h in range(H):
                hh = jnp.abs(sb * (h + 1) + a337)
                rid = hh % N_REFL
                if h > 0:
                    rid = jnp.where(hh % 3 == 0, rid, ZROW)
                idx_v[ci * NSTREAM + op * H + h, pl.ds(gl * LANES, LANES)] = rid
        return c2

    lax.fori_loop(0, OBS_PER_W // LANES, grp, 0)

    def fire(t, r):
        return pltpu.async_copy(tab_hbm.at[idx_v.at[t]], rows_v.at[r], sems[r])

    for r in range(RING):
        fire(r, r)

    def rnd(q, c2):
        for r in range(RING):
            t = q * RING + r
            pltpu.make_async_copy(
                tab_hbm.at[idx_v.at[t]], rows_v.at[r], sems[r]).wait()
            ci = t // NSTREAM
            j = t % NSTREAM
            pltpu.sync_copy(rows_v.at[r],
                            out_hbm.at[j, pl.ds(wbase + ci * CH, CH)])

            @pl.when(t + RING < NT)
            def _next():
                fire(t + RING, r)

        return c2

    lax.fori_loop(0, NT // RING, rnd, 0)


@functools.cache
def _get_sc_gather():
    return pl.kernel(
        _sc_gather_body,
        out_type=jax.ShapeDtypeStruct((NSTREAM, BN, DTAB), jnp.float32),
        mesh=plsc.VectorSubcoreMesh(core_axis_name="c", subcore_axis_name="s"),
        scratch_types=[
            pltpu.VMEM((4, OBS_PER_W), jnp.int32),
            pltpu.VMEM((NT, CH), jnp.int32),
            pltpu.VMEM((RING, CH, DTAB), jnp.float32),
            [pltpu.SemaphoreType.DMA for _ in range(RING)],
        ],
        compiler_params=pltpu.CompilerParams(use_tc_tiling_on_sc=False),
    )



def _softplus(x):
    return jnp.maximum(x, 0.0) + jnp.log(1.0 + jnp.exp(-jnp.abs(x)))


def _dense_body(g_ref, i_ref, sig_ref, meta_ref, wl_ref, loc_ref, raw_ref,
                w1_ref, b1_ref, w2_ref, b2_ref, acc_ref, kl_ref):
    i = pl.program_id(0)
    b = i // STEPS_PER_B

    @pl.when(i == 0)
    def _init():
        acc_ref[...] = jnp.zeros_like(acc_ref)
        locv = loc_ref[...]
        qs = _softplus(raw_ref[...]) + 1e-6
        kl = jnp.mean(-jnp.log(qs) + 0.5 * (qs * qs + locv * locv) - 0.5)
        kl_ref[...] = jnp.full((1, 1), kl, jnp.float32)

    iv = i_ref[...]
    sg = sig_ref[...]
    meta = meta_ref[...]
    wl = wl_ref[...]
    w1 = w1_ref[...]
    b1 = b1_ref[...]
    w2 = w2_ref[...]
    b2 = b2_ref[...]

    w1b = w1.astype(jnp.bfloat16)
    w2b = w2.astype(jnp.bfloat16)
    zero_col = jnp.zeros((BLK, 1), jnp.float32)

    ipreds = []
    for op in range(N_OPS):
        ipred = jnp.zeros((BLK, MC), jnp.float32)
        for h in range(H):
            g = g_ref[op * H + h]
            eps = g[:, 0:MC]
            qm = g[:, MC:MC + 1]
            qs = _softplus(g[:, MC + 1:MC + 2]) + 1e-6
            wlm = wl / jnp.float32(h + 1)
            feat = jnp.concatenate(
                [qm, qs, iv, sg, meta, zero_col, wlm], axis=1)
            hdd = jnp.dot(feat.astype(jnp.bfloat16), w1b,
                          preferred_element_type=jnp.float32) + b1[None, :]
            hdd = jnp.maximum(hdd, 0.0)
            scale = jnp.dot(hdd.astype(jnp.bfloat16), w2b,
                            preferred_element_type=jnp.float32) + b2[None, :]
            z_g = qm + qs * eps
            ipred = ipred + z_g * scale
        ipreds.append(ipred)

    w = 1.0 / (sg * sg)
    s_w = jnp.sum(w)
    s_wx = jnp.sum(w * iv)
    s_wxx = jnp.sum(w * iv * iv)

    vals = [s_w, s_wx, s_wxx]
    lls = []
    for op in range(N_OPS):
        ipred = ipreds[op]
        y = jnp.mean(ipred, axis=1, keepdims=True)
        vals.extend([jnp.sum(w * y), jnp.sum(w * iv * y), jnp.sum(w * y * y)])
        dev = (ipred - iv) / sg
        msq = jnp.mean(dev * dev, axis=1, keepdims=True)
        lls.append(jnp.sum(-0.5 * msq - jnp.log(sg) - _HALF_LOG_2PI))
    vals.extend(lls)

    iota16 = lax.broadcasted_iota(jnp.int32, (1, 16), 1)
    row = jnp.zeros((1, 16), jnp.float32)
    for k, v in enumerate(vals):
        row = row + v * (iota16 == k).astype(jnp.float32)
    onehot_b = (lax.broadcasted_iota(jnp.int32, (B, 1), 0) == b).astype(jnp.float32)
    acc_ref[...] += onehot_b * row


_DENSE_KW = dict(
    grid=(GRID,),
    in_specs=[
        pl.BlockSpec((NSTREAM, BLK, DTAB), lambda i: (0, i, 0)),
        pl.BlockSpec((BLK, 1), lambda i: (i, 0)),
        pl.BlockSpec((BLK, 1), lambda i: (i, 0)),
        pl.BlockSpec((BLK, D_META), lambda i: (i, 0)),
        pl.BlockSpec((BLK, 1), lambda i: (i, 0)),
        pl.BlockSpec((KLR, KLC), lambda i: (0, 0)),
        pl.BlockSpec((KLR, KLC), lambda i: (0, 0)),
        pl.BlockSpec((11, HID), lambda i: (0, 0)),
        pl.BlockSpec((HID,), lambda i: (0,)),
        pl.BlockSpec((HID, MC), lambda i: (0, 0)),
        pl.BlockSpec((MC,), lambda i: (0,)),
    ],
    out_specs=[
        pl.BlockSpec((B, 16), lambda i: (0, 0)),
        pl.BlockSpec((1, 1), lambda i: (0, 0)),
    ],
    out_shape=[
        jax.ShapeDtypeStruct((B, 16), jnp.float32),
        jax.ShapeDtypeStruct((1, 1), jnp.float32),
    ],
)

_dense_call = pl.pallas_call(_dense_body, **_DENSE_KW)



def kernel(asu_id, hkl, I, SigI, metadata, wavelength, loc, raw_scale,
           W1, b1, W2, b2, z_eps):
    hkl_f = hkl.reshape(BN, 3).astype(jnp.int32)
    comps = jnp.concatenate(
        [hkl_f.T, asu_id.reshape(1, BN).astype(jnp.int32)], axis=0)

    tab = jnp.concatenate(
        [z_eps.T, loc[:, None], raw_scale[:, None],
         jnp.zeros((N_REFL, DTAB - MC - 2), jnp.float32)], axis=1)
    tab = jnp.concatenate(
        [tab, jnp.zeros((TROWS - N_REFL, DTAB), jnp.float32)], axis=0)

    g = _get_sc_gather()(comps, tab)

    acc, klv = _dense_call(
        g, I.reshape(BN, 1), SigI.reshape(BN, 1), metadata.reshape(BN, D_META),
        wavelength.reshape(BN, 1), loc.reshape(KLR, KLC),
        raw_scale.reshape(KLR, KLC), W1, b1, W2, b2)

    kl = klv[0, 0]
    ll = acc[:, 9:11] / jnp.float32(N)
    op_idx = jnp.argmax(ll, axis=-1)
    elbo = -jnp.mean(jnp.max(ll, axis=-1)) + kl

    s_w = jnp.sum(acc[:, 0])
    s_wx = jnp.sum(acc[:, 1])
    s_wxx = jnp.sum(acc[:, 2])
    per_op = acc[:, 3:9].reshape(B, N_OPS, 3)
    sel = jnp.take_along_axis(per_op, op_idx[:, None, None], axis=1)[:, 0, :]
    s_wy = jnp.sum(sel[:, 0])
    s_wxy = jnp.sum(sel[:, 1])
    s_wyy = jnp.sum(sel[:, 2])
    z = 1.0 / s_w
    mx = z * s_wx
    my = z * s_wy
    cxy = z * s_wxy - mx * my
    cx = z * s_wxx - mx * mx
    cy = z * s_wyy - my * my
    cc = cxy / jnp.sqrt(cx * cy)
    return elbo, kl, cc, op_idx

# --- scband reference (transcript-rebuilt; emitter-appended) ---
"""Pipeline reference for scband-merging-model-45672682226372 (READ-ONLY COPY).

The authoritative reference and input builder live on the scoring server;
editing this copy changes nothing except your own understanding.
"""

import jax, jax.numpy as jnp
import numpy as np

B, N, H, MC = 8, 8192, 3, 32
N_REFL = 100000
D_META = 5
HID = 32
N_OPS = 2
KL_WEIGHT = 1.0


def _hash(hkl, asu_id):
    h = (hkl[..., 0] * 911 + hkl[..., 1] * 1237 + hkl[..., 2] * 2003 + asu_id[..., 0] * 337)
    return jnp.abs(h)


def expand_harmonics(asu_id, hkl, wavelength):
    # Deterministic stand-in for the ExpandHarmonics module: maps each observation
    # to H candidate reflection ids (with -1 = invalid) plus per-harmonic wavelength/dHKL.
    refl_ids, wls, dhkls = [], [], []
    for h in range(H):
        m = h + 1
        hkl_h = hkl * m
        hh = _hash(hkl_h, asu_id)
        rid = hh % N_REFL
        if h == 0:
            valid = jnp.ones(rid.shape, dtype=bool)
        else:
            valid = (hh % 3) == 0
        rid = jnp.where(valid, rid, -1)
        refl_ids.append(rid)
        wls.append(wavelength[..., 0] / m)
        norm = jnp.sqrt(jnp.sum(jnp.square(hkl_h.astype(jnp.float32)), axis=-1))
        dhkls.append(10.0 / (norm + 1e-3))
    refl_id = jnp.stack(refl_ids, axis=-1)[..., None]
    wl = jnp.stack(wls, axis=-1)[..., None]
    dhkl = jnp.stack(dhkls, axis=-1)[..., None]
    return refl_id, wl, dhkl


def weighted_pearson(x, y, w):
    z = jnp.reciprocal(w.sum(-1))
    mx = z * (w * x).sum(-1)
    my = z * (w * y).sum(-1)
    dx = x - mx[..., None]
    dy = y - my[..., None]
    cxy = z * (w * dx * dy).sum(-1)
    cx = z * (w * dx * dx).sum(-1)
    cy = z * (w * dy * dy).sum(-1)
    return cxy / jnp.sqrt(cx * cy)


def _scaling_model(Imodel_g, Iscale_b, meta, W1, b1, W2, b2):
    feat = jnp.concatenate([Imodel_g, Iscale_b, meta], axis=-1)
    hdd = jax.nn.relu(feat @ W1 + b1)
    return hdd @ W2 + b2


def _likelihood(Ipred, I, SigI):
    return -0.5 * jnp.square((Ipred - I) / SigI) - jnp.log(SigI) - 0.5 * jnp.log(2.0 * jnp.pi)


def setup_inputs(seed: int = 0):
    key = jax.random.key(seed)
    ks = jax.random.split(key, 12)
    asu_id = jax.random.randint(ks[0], (B, N, 1), 0, 16)
    hkl = jax.random.randint(ks[1], (B, N, 3), -50, 50)
    I = jax.random.normal(ks[2], (B, N, 1), dtype=jnp.float32) * 2.0 + 1.0
    SigI = jax.random.uniform(ks[3], (B, N, 1), dtype=jnp.float32) + 0.1
    metadata = jax.random.normal(ks[4], (B, N, D_META), dtype=jnp.float32)
    wavelength = jax.random.uniform(ks[5], (B, N, 1), dtype=jnp.float32) + 0.8
    loc = jax.random.normal(ks[6], (N_REFL,), dtype=jnp.float32) * 0.1 + 1.0
    raw_scale = jnp.zeros((N_REFL,), dtype=jnp.float32) - 1.0
    d_in = 2 + 2 + D_META + 2
    W1 = jax.random.normal(ks[7], (d_in, HID), dtype=jnp.float32) * 0.1
    b1 = jnp.zeros((HID,), dtype=jnp.float32)
    W2 = jax.random.normal(ks[8], (HID, MC), dtype=jnp.float32) * 0.1
    b2 = jnp.zeros((MC,), dtype=jnp.float32)
    z_eps = jax.random.normal(ks[9], (MC, N_REFL), dtype=jnp.float32)
    return {"asu_id": asu_id, "hkl": hkl, "I": I, "SigI": SigI, "metadata": metadata,
            "wavelength": wavelength, "loc": loc, "raw_scale": raw_scale,
            "W1": W1, "b1": b1, "W2": W2, "b2": b2, "z_eps": z_eps}


def _forward(asu_id, hkl, I, SigI, metadata, wavelength, loc, raw_scale, W1, b1, W2, b2, z_eps):
    q_mean = loc
    q_std = jax.nn.softplus(raw_scale) + 1e-6
    z = q_mean[None, :] + q_std[None, :] * z_eps  # rsample, [MC, N_REFL]
    kl = jnp.mean(-jnp.log(q_std) + 0.5 * (jnp.square(q_std) + jnp.square(q_mean)) - 0.5)
    Imodel = jnp.concatenate([q_mean[:, None], q_std[:, None]], axis=-1)  # [N_REFL, 2]
    Iscale = jnp.concatenate([I, SigI], axis=-1)  # [B,N,2]
    zT = z.T  # [N_REFL, MC]
    lls, Ipreds = [], []
    mask_any_last = None
    for op in range(N_OPS):
        hkl_op = hkl if op == 0 else -hkl  # reindexing ops: identity, Friedel
        refl_id, wl, dhkl = expand_harmonics(asu_id, hkl_op, wavelength)
        mask = refl_id >= 0  # [B,N,H,1]
        d_inv = jnp.zeros_like(dhkl)  # faithful: original computes pos on zeros -> stays zero
        meta_exp = jnp.concatenate([metadata[..., None, :] * jnp.ones_like(dhkl), d_inv, wl], axis=-1)
        rid_c = jnp.maximum(refl_id[..., 0], 0)  # [B,N,H]
        Imodel_g = Imodel[rid_c]  # gather, [B,N,H,2]
        Iscale_b = Iscale[..., None, :] * jnp.ones_like(dhkl)
        scale = _scaling_model(Imodel_g, Iscale_b, meta_exp, W1, b1, W2, b2)  # [B,N,H,MC]
        z_g = zT[rid_c]  # gather, [B,N,H,MC]
        contrib = jnp.where(mask, z_g * scale, 0.0)
        Ipred_s = contrib.sum(axis=-2)  # segment-style reduce over harmonics -> [B,N,MC]
        mask_any = jnp.any(mask, axis=-2)[..., 0]  # [B,N]
        ll_full = jnp.where(mask_any[..., None], _likelihood(Ipred_s, I, SigI), 0.0)
        ll = ll_full.mean(-1)
        ll = ll.sum(-1) / mask_any.sum(-1).astype(jnp.float32)  # [B]
        lls.append(ll)
        Ipreds.append(Ipred_s.mean(-1))  # [B,N]
        mask_any_last = mask_any
    ll_stack = jnp.stack(lls, axis=-1)  # [B, N_OPS]
    ll_max = ll_stack.max(-1)
    op_idx = jnp.argmax(ll_stack, axis=-1)  # [B]
    elbo = -ll_max.mean() + KL_WEIGHT * kl
    Ipred_stack = jnp.stack(Ipreds, axis=-1)  # [B,N,N_OPS]
    Ipred_sel = jnp.take_along_axis(Ipred_stack, op_idx[:, None, None], axis=2)[..., 0]
    w = jnp.where(mask_any_last[..., None], jnp.reciprocal(jnp.square(SigI)), 0.0)
    cc = weighted_pearson(I.reshape(-1), Ipred_sel.reshape(-1), w.reshape(-1))
    return elbo, kl, cc, op_idx


def reference(asu_id, hkl, I, SigI, metadata, wavelength, loc, raw_scale, W1, b1, W2, b2, z_eps):
    return _forward(asu_id, hkl, I, SigI, metadata, wavelength, loc, raw_scale, W1, b1, W2, b2, z_eps)

if __name__ == "__main__":
    import jax
    _d = setup_inputs()
    print(jax.jit(kernel)(*tuple(_d.values())))

</pallas_src>

<mosaic_0001>
#map = affine_map<(d0, d1) -> (0, 0)>
#map1 = affine_map<(d0, d1) -> (0, 0, 0)>
module attributes {stable_mosaic.version = 14 : i64} {
  func.func @_sc_gather_body(%arg0: i32, %arg1: i32, %arg2: memref<4x65536xi32, #tpu.memory_space<hbm>>, %arg3: memref<100008x48xf32, #tpu.memory_space<hbm>>, %arg4: memref<6x65536x48xf32, #tpu.memory_space<hbm>>, %arg5: memref<4x2048xi32, #tpu.memory_space<vmem>>, %arg6: memref<96x128xi32, #tpu.memory_space<vmem>>, %arg7: memref<8x128x48xf32, #tpu.memory_space<vmem>>, %arg8: memref<!tpu.dma_semaphore, #tpu.memory_space<semaphore_mem>>, %arg9: memref<!tpu.dma_semaphore, #tpu.memory_space<semaphore_mem>>, %arg10: memref<!tpu.dma_semaphore, #tpu.memory_space<semaphore_mem>>, %arg11: memref<!tpu.dma_semaphore, #tpu.memory_space<semaphore_mem>>, %arg12: memref<!tpu.dma_semaphore, #tpu.memory_space<semaphore_mem>>, %arg13: memref<!tpu.dma_semaphore, #tpu.memory_space<semaphore_mem>>, %arg14: memref<!tpu.dma_semaphore, #tpu.memory_space<semaphore_mem>>, %arg15: memref<!tpu.dma_semaphore, #tpu.memory_space<semaphore_mem>>) attributes {dimension_semantics = [#tpu.dimension_semantics<core_parallel>, #tpu.dimension_semantics<subcore_parallel>], iteration_bounds = array<i64: 2, 16>, scalar_prefetch = 0 : i64, scratch_operands = 11 : i64, tpu.core_type = #tpu.core_type<sc_vector_subcore>, window_params = [{transform_indices = #map}, {transform_indices = #map}, {transform_indices = #map1}]} {
    %mul3A = arith.constant 2 : i32
    %mul3A_0 = arith.muli %arg1, %mul3A : i32
    %add3A = arith.addi %mul3A_0, %arg0 : i32
    %mul3A_1 = arith.constant 2048 : i32
    %mul3A_2 = arith.muli %add3A, %mul3A_1 : i32
    "tpu.region"() ({
      %run_scoped3A = tpu.sem_alloc : memref<!tpu.dma_semaphore, #tpu.memory_space<semaphore_mem>>
      %dma_start3A_109 = arith.constant 0 : i32
      %dma_start3A_110 = tpu.memref_slice %arg2[%dma_start3A_109, %mul3A_2] : memref<4x65536xi32, #tpu.memory_space<hbm>> -> memref<4x2048xi32, #tpu.memory_space<hbm>>
      %dma_start3A_111 = arith.constant 0 : i32
      %dma_start3A_112 = tpu.memref_slice %arg2[%dma_start3A_111, %mul3A_2] : memref<4x65536xi32, #tpu.memory_space<hbm>> -> memref<4x2048xi32, #tpu.memory_space<hbm>>
      tpu.enqueue_dma source(%dma_start3A_112 : memref<4x2048xi32, #tpu.memory_space<hbm>>) target(%arg5 : memref<4x2048xi32, #tpu.memory_space<vmem>>) target_semaphore(%run_scoped3A : memref<!tpu.dma_semaphore, #tpu.memory_space<semaphore_mem>>)
      %dma_wait3A = arith.constant 0 : i32
      %dma_wait3A_113 = tpu.memref_slice %arg2[%dma_wait3A, %mul3A_2] : memref<4x65536xi32, #tpu.memory_space<hbm>> -> memref<4x2048xi32, #tpu.memory_space<hbm>>
      %dma_wait3A_114 = arith.constant 0 : i32
      %dma_wait3A_115 = tpu.memref_slice %arg2[%dma_wait3A_114, %mul3A_2] : memref<4x65536xi32, #tpu.memory_space<hbm>> -> memref<4x2048xi32, #tpu.memory_space<hbm>>
      tpu.wait_dma2 semaphore(%run_scoped3A : memref<!tpu.dma_semaphore, #tpu.memory_space<semaphore_mem>>) src(%dma_wait3A_115 : memref<4x2048xi32, #tpu.memory_space<hbm>>) dst(%arg5 : memref<4x2048xi32, #tpu.memory_space<vmem>>)
      tpu.yield
    }) : () -> ()
    %scan3A = arith.constant 0 : i32
    %scan3A_3 = arith.constant 0 : i32
    %scan3A_4 = arith.constant 128 : i32
    %scan3A_5 = arith.addi %scan3A_3, %scan3A_4 : i32
    %scan3A_6 = arith.constant 1 : i32
    scf.for %scan3A_109 = %scan3A_3 to %scan3A_5 step %scan3A_6  : i32 {
      %mul3A_110 = arith.constant 16 : i32
      %mul3A_111 = arith.muli %scan3A_109, %mul3A_110 : i32
      %get3A = arith.constant 0 : i32
      %get3A_112 = arith.index_cast %get3A : i32 to index
      %get3A_113 = arith.index_cast %mul3A_111 : i32 to index
      %get3A_114 = tpu.vector_load %arg5[%get3A_112, %get3A_113] {strides = array<i32>} : memref<4x2048xi32, #tpu.memory_space<vmem>>, vector<1x16xi32>,
      %get3A_115 = vector.shape_cast %get3A_114 : vector<1x16xi32> to vector<16xi32>
      %get3A_116 = arith.constant 1 : i32
      %get3A_117 = arith.index_cast %get3A_116 : i32 to index
      %get3A_118 = arith.index_cast %mul3A_111 : i32 to index
      %get3A_119 = tpu.vector_load %arg5[%get3A_117, %get3A_118] {strides = array<i32>} : memref<4x2048xi32, #tpu.memory_space<vmem>>, vector<1x16xi32>,
      %get3A_120 = vector.shape_cast %get3A_119 : vector<1x16xi32> to vector<16xi32>
      %get3A_121 = arith.constant 2 : i32
      %get3A_122 = arith.index_cast %get3A_121 : i32 to index
      %get3A_123 = arith.index_cast %mul3A_111 : i32 to index
      %get3A_124 = tpu.vector_load %arg5[%get3A_122, %get3A_123] {strides = array<i32>} : memref<4x2048xi32, #tpu.memory_space<vmem>>, vector<1x16xi32>,
      %get3A_125 = vector.shape_cast %get3A_124 : vector<1x16xi32> to vector<16xi32>
      %get3A_126 = arith.constant 3 : i32
      %get3A_127 = arith.index_cast %get3A_126 : i32 to index
      %get3A_128 = arith.index_cast %mul3A_111 : i32 to index
      %get3A_129 = tpu.vector_load %arg5[%get3A_127, %get3A_128] {strides = array<i32>} : memref<4x2048xi32, #tpu.memory_space<vmem>>, vector<1x16xi32>,
      %get3A_130 = vector.shape_cast %get3A_129 : vector<1x16xi32> to vector<16xi32>
      %mul3A_131 = arith.constant 337 : i32
      %mul3A_132 = vector.broadcast %mul3A_131 : i32 to vector<16xi32>
      %mul3A_133 = arith.muli %get3A_130, %mul3A_132 : vector<16xi32>
      %mul3A_134 = arith.constant 911 : i32
      %mul3A_135 = vector.broadcast %mul3A_134 : i32 to vector<16xi32>
      %mul3A_136 = arith.muli %get3A_115, %mul3A_135 : vector<16xi32>
      %mul3A_137 = arith.constant 1237 : i32
      %mul3A_138 = vector.broadcast %mul3A_137 : i32 to vector<16xi32>
      %mul3A_139 = arith.muli %get3A_120, %mul3A_138 : vector<16xi32>
      %add3A_140 = arith.addi %mul3A_136, %mul3A_139 : vector<16xi32>
      %mul3A_141 = arith.constant 2003 : i32
      %mul3A_142 = vector.broadcast %mul3A_141 : i32 to vector<16xi32>
      %mul3A_143 = arith.muli %get3A_125, %mul3A_142 : vector<16xi32>
      %add3A_144 = arith.addi %add3A_140, %mul3A_143 : vector<16xi32>
      %jit3A = arith.constant 8 : i32
      %div3A = arith.divsi %scan3A_109, %jit3A : i32
      %sign3A = arith.constant 0 : i32
      %sign3A_145 = arith.cmpi sgt, %scan3A_109, %sign3A : i32
      %sign3A_146 = arith.extui %sign3A_145 : i1 to i32
      %sign3A_147 = arith.constant 0 : i32
      %sign3A_148 = arith.cmpi slt, %scan3A_109, %sign3A_147 : i32
      %sign3A_149 = arith.extui %sign3A_148 : i1 to i32
      %sign3A_150 = arith.subi %sign3A_146, %sign3A_149 : i32
      %sign3A_151 = arith.constant 0 : i32
      %sign3A_152 = arith.cmpi sgt, %jit3A, %sign3A_151 : i32
      %sign3A_153 = arith.extui %sign3A_152 : i1 to i32
      %sign3A_154 = arith.constant 0 : i32
      %sign3A_155 = arith.cmpi slt, %jit3A, %sign3A_154 : i32
      %sign3A_156 = arith.extui %sign3A_155 : i1 to i32
      %sign3A_157 = arith.subi %sign3A_153, %sign3A_156 : i32
      %ne3A = arith.cmpi ne, %sign3A_150, %sign3A_157 : i32
      %rem3A = arith.remsi %scan3A_109, %jit3A : i32
      %ne3A_158 = arith.constant 0 : i32
      %ne3A_159 = arith.cmpi ne, %rem3A, %ne3A_158 : i32
      %and3A = arith.andi %ne3A, %ne3A_159 : i1
      %sub3A = arith.constant 1 : i32
      %sub3A_160 = arith.subi %div3A, %sub3A : i32
      %select_n3A = arith.select %and3A, %sub3A_160, %div3A : i32
      %jit3A_161 = arith.constant 8 : i32
      %eq3A = arith.constant 0 : i32
      %eq3A_162 = arith.cmpi eq, %jit3A_161, %eq3A : i32
      %jit3A_163 = arith.constant 1 : i32
      %select_n3A_164 = arith.select %eq3A_162, %jit3A_163, %jit3A_161 : i32
      %rem3A_165 = arith.remsi %scan3A_109, %select_n3A_164 : i32
      %ne3A_166 = arith.constant 0 : i32
      %ne3A_167 = arith.cmpi ne, %rem3A_165, %ne3A_166 : i32
      %lt3A = arith.constant 0 : i32
      %lt3A_168 = arith.cmpi slt, %rem3A_165, %lt3A : i32
      %lt3A_169 = arith.constant 0 : i32
      %lt3A_170 = arith.cmpi slt, %select_n3A_164, %lt3A_169 : i32
      %ne3A_171 = arith.xori %lt3A_168, %lt3A_170 : i1
      %and3A_172 = arith.andi %ne3A_171, %ne3A_167 : i1
      %add3A_173 = arith.addi %rem3A_165, %select_n3A_164 : i32
      %select_n3A_174 = arith.select %and3A_172, %add3A_173, %rem3A_165 : i32
      %mul3A_175 = arith.constant 1 : i32
      %mul3A_176 = vector.broadcast %mul3A_175 : i32 to vector<16xi32>
      %mul3A_177 = arith.muli %add3A_144, %mul3A_176 : vector<16xi32>
      %add3A_178 = arith.addi %mul3A_177, %mul3A_133 : vector<16xi32>
      %abs3A = math.absi %add3A_178 : vector<16xi32>
      %jit3A_179 = arith.constant 100000 : i32
      %eq3A_180 = arith.constant 0 : i32
      %eq3A_181 = arith.cmpi eq, %jit3A_179, %eq3A_180 : i32
      %jit3A_182 = arith.constant 1 : i32
      %select_n3A_183 = arith.select %eq3A_181, %jit3A_182, %jit3A_179 : i32
      %rem3A_184 = vector.broadcast %select_n3A_183 : i32 to vector<16xi32>
      %rem3A_185 = arith.remsi %abs3A, %rem3A_184 : vector<16xi32>
      %ne3A_186 = arith.constant 0 : i32
      %ne3A_187 = vector.broadcast %ne3A_186 : i32 to vector<16xi32>
      %ne3A_188 = arith.cmpi ne, %rem3A_185, %ne3A_187 : vector<16xi32>
      %lt3A_189 = arith.constant 0 : i32
      %lt3A_190 = vector.broadcast %lt3A_189 : i32 to vector<16xi32>
      %lt3A_191 = arith.cmpi slt, %rem3A_185, %lt3A_190 : vector<16xi32>
      %lt3A_192 = arith.constant 0 : i32
      %lt3A_193 = arith.cmpi slt, %select_n3A_183, %lt3A_192 : i32
      %ne3A_194 = vector.broadcast %lt3A_193 : i1 to vector<16xi1>
      %ne3A_195 = vector.broadcast %ne3A_194 : vector<16xi1> to vector<16xi1>
      %ne3A_196 = arith.xori %lt3A_191, %ne3A_195 : vector<16xi1>
      %and3A_197 = arith.andi %ne3A_196, %ne3A_188 : vector<16xi1>
      %add3A_198 = vector.broadcast %select_n3A_183 : i32 to vector<16xi32>
      %add3A_199 = arith.addi %rem3A_185, %add3A_198 : vector<16xi32>
      %select_n3A_200 = arith.select %and3A_197, %add3A_199, %rem3A_185 : vector<16xi1>, vector<16xi32>
      %mul3A_201 = arith.constant 6 : i32
      %mul3A_202 = arith.muli %select_n3A, %mul3A_201 : i32
      %add3A_203 = arith.constant 0 : i32
      %add3A_204 = arith.addi %mul3A_202, %add3A_203 : i32
      %add3A_205 = arith.constant 0 : i32
      %add3A_206 = arith.addi %add3A_204, %add3A_205 : i32
      %mul3A_207 = arith.constant 16 : i32
      %mul3A_208 = arith.muli %select_n3A_174, %mul3A_207 : i32
      %swap3A = arith.index_cast %add3A_206 : i32 to index
      %swap3A_209 = arith.index_cast %mul3A_208 : i32 to index
      %swap3A_210 = tpu.vector_load %arg6[%swap3A, %swap3A_209] {strides = array<i32>} : memref<96x128xi32, #tpu.memory_space<vmem>>, vector<1x16xi32>,
      %swap3A_211 = vector.shape_cast %swap3A_210 : vector<1x16xi32> to vector<16xi32>
      %swap3A_212 = vector.shape_cast %select_n3A_200 : vector<16xi32> to vector<1x16xi32>
      tpu.vector_store %arg6[%swap3A, %swap3A_209], %swap3A_212 {strides = array<i32>} : memref<96x128xi32, #tpu.memory_space<vmem>>, vector<1x16xi32>,
      %mul3A_213 = arith.constant 2 : i32
      %mul3A_214 = vector.broadcast %mul3A_213 : i32 to vector<16xi32>
      %mul3A_215 = arith.muli %add3A_144, %mul3A_214 : vector<16xi32>
      %add3A_216 = arith.addi %mul3A_215, %mul3A_133 : vector<16xi32>
      %abs3A_217 = math.absi %add3A_216 : vector<16xi32>
      %jit3A_218 = arith.constant 100000 : i32
      %eq3A_219 = arith.constant 0 : i32
      %eq3A_220 = arith.cmpi eq, %jit3A_218, %eq3A_219 : i32
      %jit3A_221 = arith.constant 1 : i32
      %select_n3A_222 = arith.select %eq3A_220, %jit3A_221, %jit3A_218 : i32
      %rem3A_223 = vector.broadcast %select_n3A_222 : i32 to vector<16xi32>
      %rem3A_224 = arith.remsi %abs3A_217, %rem3A_223 : vector<16xi32>
      %ne3A_225 = arith.constant 0 : i32
      %ne3A_226 = vector.broadcast %ne3A_225 : i32 to vector<16xi32>
      %ne3A_227 = arith.cmpi ne, %rem3A_224, %ne3A_226 : vector<16xi32>
      %lt3A_228 = arith.constant 0 : i32
      %lt3A_229 = vector.broadcast %lt3A_228 : i32 to vector<16xi32>
      %lt3A_230 = arith.cmpi slt, %rem3A_224, %lt3A_229 : vector<16xi32>
      %lt3A_231 = arith.constant 0 : i32
      %lt3A_232 = arith.cmpi slt, %select_n3A_222, %lt3A_231 : i32
      %ne3A_233 = vector.broadcast %lt3A_232 : i1 to vector<16xi1>
      %ne3A_234 = vector.broadcast %ne3A_233 : vector<16xi1> to vector<16xi1>
      %ne3A_235 = arith.xori %lt3A_230, %ne3A_234 : vector<16xi1>
      %and3A_236 = arith.andi %ne3A_235, %ne3A_227 : vector<16xi1>
      %add3A_237 = vector.broadcast %select_n3A_222 : i32 to vector<16xi32>
      %add3A_238 = arith.addi %rem3A_224, %add3A_237 : vector<16xi32>
      %select_n3A_239 = arith.select %and3A_236, %add3A_238, %rem3A_224 : vector<16xi1>, vector<16xi32>
      %jit3A_240 = arith.constant 3 : i32
      %eq3A_241 = arith.constant 0 : i32
      %eq3A_242 = arith.cmpi eq, %jit3A_240, %eq3A_241 : i32
      %jit3A_243 = arith.constant 1 : i32
      %select_n3A_244 = arith.select %eq3A_242, %jit3A_243, %jit3A_240 : i32
      %rem3A_245 = vector.broadcast %select_n3A_244 : i32 to vector<16xi32>
      %rem3A_246 = arith.remsi %abs3A_217, %rem3A_245 : vector<16xi32>
      %ne3A_247 = arith.constant 0 : i32
      %ne3A_248 = vector.broadcast %ne3A_247 : i32 to vector<16xi32>
      %ne3A_249 = arith.cmpi ne, %rem3A_246, %ne3A_248 : vector<16xi32>
      %lt3A_250 = arith.constant 0 : i32
      %lt3A_251 = vector.broadcast %lt3A_250 : i32 to vector<16xi32>
      %lt3A_252 = arith.cmpi slt, %rem3A_246, %lt3A_251 : vector<16xi32>
      %lt3A_253 = arith.constant 0 : i32
      %lt3A_254 = arith.cmpi slt, %select_n3A_244, %lt3A_253 : i32
      %ne3A_255 = vector.broadcast %lt3A_254 : i1 to vector<16xi1>
      %ne3A_256 = vector.broadcast %ne3A_255 : vector<16xi1> to vector<16xi1>
      %ne3A_257 = arith.xori %lt3A_252, %ne3A_256 : vector<16xi1>
      %and3A_258 = arith.andi %ne3A_257, %ne3A_249 : vector<16xi1>
      %add3A_259 = vector.broadcast %select_n3A_244 : i32 to vector<16xi32>
      %add3A_260 = arith.addi %rem3A_246, %add3A_259 : vector<16xi32>
      %select_n3A_261 = arith.select %and3A_258, %add3A_260, %rem3A_246 : vector<16xi1>, vector<16xi32>
      %eq3A_262 = arith.constant 0 : i32
      %eq3A_263 = vector.broadcast %eq3A_262 : i32 to vector<16xi32>
      %eq3A_264 = arith.cmpi eq, %select_n3A_261, %eq3A_263 : vector<16xi32>
      %jit3A_265 = arith.constant 100000 : i32
      %broadcast_in_dim3A = vector.broadcast %jit3A_265 : i32 to vector<16xi32>
      %select_n3A_266 = arith.select %eq3A_264, %select_n3A_239, %broadcast_in_dim3A : vector<16xi1>, vector<16xi32>
      %mul3A_267 = arith.constant 6 : i32
      %mul3A_268 = arith.muli %select_n3A, %mul3A_267 : i32
      %add3A_269 = arith.constant 0 : i32
      %add3A_270 = arith.addi %mul3A_268, %add3A_269 : i32
      %add3A_271 = arith.constant 1 : i32
      %add3A_272 = arith.addi %add3A_270, %add3A_271 : i32
      %mul3A_273 = arith.constant 16 : i32
      %mul3A_274 = arith.muli %select_n3A_174, %mul3A_273 : i32
      %swap3A_275 = arith.index_cast %add3A_272 : i32 to index
      %swap3A_276 = arith.index_cast %mul3A_274 : i32 to index
      %swap3A_277 = tpu.vector_load %arg6[%swap3A_275, %swap3A_276] {strides = array<i32>} : memref<96x128xi32, #tpu.memory_space<vmem>>, vector<1x16xi32>,
      %swap3A_278 = vector.shape_cast %swap3A_277 : vector<1x16xi32> to vector<16xi32>
      %swap3A_279 = vector.shape_cast %select_n3A_266 : vector<16xi32> to vector<1x16xi32>
      tpu.vector_store %arg6[%swap3A_275, %swap3A_276], %swap3A_279 {strides = array<i32>} : memref<96x128xi32, #tpu.memory_space<vmem>>, vector<1x16xi32>,
      %mul3A_280 = arith.constant 3 : i32
      %mul3A_281 = vector.broadcast %mul3A_280 : i32 to vector<16xi32>
      %mul3A_282 = arith.muli %add3A_144, %mul3A_281 : vector<16xi32>
      %add3A_283 = arith.addi %mul3A_282, %mul3A_133 : vector<16xi32>
      %abs3A_284 = math.absi %add3A_283 : vector<16xi32>
      %jit3A_285 = arith.constant 100000 : i32
      %eq3A_286 = arith.constant 0 : i32
      %eq3A_287 = arith.cmpi eq, %jit3A_285, %eq3A_286 : i32
      %jit3A_288 = arith.constant 1 : i32
      %select_n3A_289 = arith.select %eq3A_287, %jit3A_288, %jit3A_285 : i32
      %rem3A_290 = vector.broadcast %select_n3A_289 : i32 to vector<16xi32>
      %rem3A_291 = arith.remsi %abs3A_284, %rem3A_290 : vector<16xi32>
      %ne3A_292 = arith.constant 0 : i32
      %ne3A_293 = vector.broadcast %ne3A_292 : i32 to vector<16xi32>
      %ne3A_294 = arith.cmpi ne, %rem3A_291, %ne3A_293 : vector<16xi32>
      %lt3A_295 = arith.constant 0 : i32
      %lt3A_296 = vector.broadcast %lt3A_295 : i32 to vector<16xi32>
      %lt3A_297 = arith.cmpi slt, %rem3A_291, %lt3A_296 : vector<16xi32>
      %lt3A_298 = arith.constant 0 : i32
      %lt3A_299 = arith.cmpi slt, %select_n3A_289, %lt3A_298 : i32
      %ne3A_300 = vector.broadcast %lt3A_299 : i1 to vector<16xi1>
      %ne3A_301 = vector.broadcast %ne3A_300 : vector<16xi1> to vector<16xi1>
      %ne3A_302 = arith.xori %lt3A_297, %ne3A_301 : vector<16xi1>
      %and3A_303 = arith.andi %ne3A_302, %ne3A_294 : vector<16xi1>
      %add3A_304 = vector.broadcast %select_n3A_289 : i32 to vector<16xi32>
      %add3A_305 = arith.addi %rem3A_291, %add3A_304 : vector<16xi32>
      %select_n3A_306 = arith.select %and3A_303, %add3A_305, %rem3A_291 : vector<16xi1>, vector<16xi32>
      %jit3A_307 = arith.constant 3 : i32
      %eq3A_308 = arith.constant 0 : i32
      %eq3A_309 = arith.cmpi eq, %jit3A_307, %eq3A_308 : i32
      %jit3A_310 = arith.constant 1 : i32
      %select_n3A_311 = arith.select %eq3A_309, %jit3A_310, %jit3A_307 : i32
      %rem3A_312 = vector.broadcast %select_n3A_311 : i32 to vector<16xi32>
      %rem3A_313 = arith.remsi %abs3A_284, %rem3A_312 : vector<16xi32>
      %ne3A_314 = arith.constant 0 : i32
      %ne3A_315 = vector.broadcast %ne3A_314 : i32 to vector<16xi32>
      %ne3A_316 = arith.cmpi ne, %rem3A_313, %ne3A_315 : vector<16xi32>
      %lt3A_317 = arith.constant 0 : i32
      %lt3A_318 = vector.broadcast %lt3A_317 : i32 to vector<16xi32>
      %lt3A_319 = arith.cmpi slt, %rem3A_313, %lt3A_318 : vector<16xi32>
      %lt3A_320 = arith.constant 0 : i32
      %lt3A_321 = arith.cmpi slt, %select_n3A_311, %lt3A_320 : i32
      %ne3A_322 = vector.broadcast %lt3A_321 : i1 to vector<16xi1>
      %ne3A_323 = vector.broadcast %ne3A_322 : vector<16xi1> to vector<16xi1>
      %ne3A_324 = arith.xori %lt3A_319, %ne3A_323 : vector<16xi1>
      %and3A_325 = arith.andi %ne3A_324, %ne3A_316 : vector<16xi1>
      %add3A_326 = vector.broadcast %select_n3A_311 : i32 to vector<16xi32>
      %add3A_327 = arith.addi %rem3A_313, %add3A_326 : vector<16xi32>
      %select_n3A_328 = arith.select %and3A_325, %add3A_327, %rem3A_313 : vector<16xi1>, vector<16xi32>
      %eq3A_329 = arith.constant 0 : i32
      %eq3A_330 = vector.broadcast %eq3A_329 : i32 to vector<16xi32>
      %eq3A_331 = arith.cmpi eq, %select_n3A_328, %eq3A_330 : vector<16xi32>
      %jit3A_332 = arith.constant 100000 : i32
      %broadcast_in_dim3A_333 = vector.broadcast %jit3A_332 : i32 to vector<16xi32>
      %select_n3A_334 = arith.select %eq3A_331, %select_n3A_306, %broadcast_in_dim3A_333 : vector<16xi1>, vector<16xi32>
      %mul3A_335 = arith.constant 6 : i32
      %mul3A_336 = arith.muli %select_n3A, %mul3A_335 : i32
      %add3A_337 = arith.constant 0 : i32
      %add3A_338 = arith.addi %mul3A_336, %add3A_337 : i32
      %add3A_339 = arith.constant 2 : i32
      %add3A_340 = arith.addi %add3A_338, %add3A_339 : i32
      %mul3A_341 = arith.constant 16 : i32
      %mul3A_342 = arith.muli %select_n3A_174, %mul3A_341 : i32
      %swap3A_343 = arith.index_cast %add3A_340 : i32 to index
      %swap3A_344 = arith.index_cast %mul3A_342 : i32 to index
      %swap3A_345 = tpu.vector_load %arg6[%swap3A_343, %swap3A_344] {strides = array<i32>} : memref<96x128xi32, #tpu.memory_space<vmem>>, vector<1x16xi32>,
      %swap3A_346 = vector.shape_cast %swap3A_345 : vector<1x16xi32> to vector<16xi32>
      %swap3A_347 = vector.shape_cast %select_n3A_334 : vector<16xi32> to vector<1x16xi32>
      tpu.vector_store %arg6[%swap3A_343, %swap3A_344], %swap3A_347 {strides = array<i32>} : memref<96x128xi32, #tpu.memory_space<vmem>>, vector<1x16xi32>,
      %neg3A = arith.constant 0 : i32
      %neg3A_348 = vector.broadcast %neg3A : i32 to vector<16xi32>
      %neg3A_349 = arith.subi %neg3A_348, %add3A_144 : vector<16xi32>
      %mul3A_350 = arith.constant 1 : i32
      %mul3A_351 = vector.broadcast %mul3A_350 : i32 to vector<16xi32>
      %mul3A_352 = arith.muli %neg3A_349, %mul3A_351 : vector<16xi32>
      %add3A_353 = arith.addi %mul3A_352, %mul3A_133 : vector<16xi32>
      %abs3A_354 = math.absi %add3A_353 : vector<16xi32>
      %jit3A_355 = arith.constant 100000 : i32
      %eq3A_356 = arith.constant 0 : i32
      %eq3A_357 = arith.cmpi eq, %jit3A_355, %eq3A_356 : i32
      %jit3A_358 = arith.constant 1 : i32
      %select_n3A_359 = arith.select %eq3A_357, %jit3A_358, %jit3A_355 : i32
      %rem3A_360 = vector.broadcast %select_n3A_359 : i32 to vector<16xi32>
      %rem3A_361 = arith.remsi %abs3A_354, %rem3A_360 : vector<16xi32>
      %ne3A_362 = arith.constant 0 : i32
      %ne3A_363 = vector.broadcast %ne3A_362 : i32 to vector<16xi32>
      %ne3A_364 = arith.cmpi ne, %rem3A_361, %ne3A_363 : vector<16xi32>
      %lt3A_365 = arith.constant 0 : i32
      %lt3A_366 = vector.broadcast %lt3A_365 : i32 to vector<16xi32>
      %lt3A_367 = arith.cmpi slt, %rem3A_361, %lt3A_366 : vector<16xi32>
      %lt3A_368 = arith.constant 0 : i32
      %lt3A_369 = arith.cmpi slt, %select_n3A_359, %lt3A_368 : i32
      %ne3A_370 = vector.broadcast %lt3A_369 : i1 to vector<16xi1>
      %ne3A_371 = vector.broadcast %ne3A_370 : vector<16xi1> to vector<16xi1>
      %ne3A_372 = arith.xori %lt3A_367, %ne3A_371 : vector<16xi1>
      %and3A_373 = arith.andi %ne3A_372, %ne3A_364 : vector<16xi1>
      %add3A_374 = vector.broadcast %select_n3A_359 : i32 to vector<16xi32>
      %add3A_375 = arith.addi %rem3A_361, %add3A_374 : vector<16xi32>
      %select_n3A_376 = arith.select %and3A_373, %add3A_375, %rem3A_361 : vector<16xi1>, vector<16xi32>
      %mul3A_377 = arith.constant 6 : i32
      %mul3A_378 = arith.muli %select_n3A, %mul3A_377 : i32
      %add3A_379 = arith.constant 3 : i32
      %add3A_380 = arith.addi %mul3A_378, %add3A_379 : i32
      %add3A_381 = arith.constant 0 : i32
      %add3A_382 = arith.addi %add3A_380, %add3A_381 : i32
      %mul3A_383 = arith.constant 16 : i32
      %mul3A_384 = arith.muli %select_n3A_174, %mul3A_383 : i32
      %swap3A_385 = arith.index_cast %add3A_382 : i32 to index
      %swap3A_386 = arith.index_cast %mul3A_384 : i32 to index
      %swap3A_387 = tpu.vector_load %arg6[%swap3A_385, %swap3A_386] {strides = array<i32>} : memref<96x128xi32, #tpu.memory_space<vmem>>, vector<1x16xi32>,
      %swap3A_388 = vector.shape_cast %swap3A_387 : vector<1x16xi32> to vector<16xi32>
      %swap3A_389 = vector.shape_cast %select_n3A_376 : vector<16xi32> to vector<1x16xi32>
      tpu.vector_store %arg6[%swap3A_385, %swap3A_386], %swap3A_389 {strides = array<i32>} : memref<96x128xi32, #tpu.memory_space<vmem>>, vector<1x16xi32>,
      %mul3A_390 = arith.constant 2 : i32
      %mul3A_391 = vector.broadcast %mul3A_390 : i32 to vector<16xi32>
      %mul3A_392 = arith.muli %neg3A_349, %mul3A_391 : vector<16xi32>
      %add3A_393 = arith.addi %mul3A_392, %mul3A_133 : vector<16xi32>
      %abs3A_394 = math.absi %add3A_393 : vector<16xi32>
      %jit3A_395 = arith.constant 100000 : i32
      %eq3A_396 = arith.constant 0 : i32
      %eq3A_397 = arith.cmpi eq, %jit3A_395, %eq3A_396 : i32
      %jit3A_398 = arith.constant 1 : i32
      %select_n3A_399 = arith.select %eq3A_397, %jit3A_398, %jit3A_395 : i32
      %rem3A_400 = vector.broadcast %select_n3A_399 : i32 to vector<16xi32>
      %rem3A_401 = arith.remsi %abs3A_394, %rem3A_400 : vector<16xi32>
      %ne3A_402 = arith.constant 0 : i32
      %ne3A_403 = vector.broadcast %ne3A_402 : i32 to vector<16xi32>
      %ne3A_404 = arith.cmpi ne, %rem3A_401, %ne3A_403 : vector<16xi32>
      %lt3A_405 = arith.constant 0 : i32
      %lt3A_406 = vector.broadcast %lt3A_405 : i32 to vector<16xi32>
      %lt3A_407 = arith.cmpi slt, %rem3A_401, %lt3A_406 : vector<16xi32>
      %lt3A_408 = arith.constant 0 : i32
      %lt3A_409 = arith.cmpi slt, %select_n3A_399, %lt3A_408 : i32
      %ne3A_410 = vector.broadcast %lt3A_409 : i1 to vector<16xi1>
      %ne3A_411 = vector.broadcast %ne3A_410 : vector<16xi1> to vector<16xi1>
      %ne3A_412 = arith.xori %lt3A_407, %ne3A_411 : vector<16xi1>
      %and3A_413 = arith.andi %ne3A_412, %ne3A_404 : vector<16xi1>
      %add3A_414 = vector.broadcast %select_n3A_399 : i32 to vector<16xi32>
      %add3A_415 = arith.addi %rem3A_401, %add3A_414 : vector<16xi32>
      %select_n3A_416 = arith.select %and3A_413, %add3A_415, %rem3A_401 : vector<16xi1>, vector<16xi32>
      %jit3A_417 = arith.constant 3 : i32
      %eq3A_418 = arith.constant 0 : i32
      %eq3A_419 = arith.cmpi eq, %jit3A_417, %eq3A_418 : i32
      %jit3A_420 = arith.constant 1 : i32
      %select_n3A_421 = arith.select %eq3A_419, %jit3A_420, %jit3A_417 : i32
      %rem3A_422 = vector.broadcast %select_n3A_421 : i32 to vector<16xi32>
      %rem3A_423 = arith.remsi %abs3A_394, %rem3A_422 : vector<16xi32>
      %ne3A_424 = arith.constant 0 : i32
      %ne3A_425 = vector.broadcast %ne3A_424 : i32 to vector<16xi32>
      %ne3A_426 = arith.cmpi ne, %rem3A_423, %ne3A_425 : vector<16xi32>
      %lt3A_427 = arith.constant 0 : i32
      %lt3A_428 = vector.broadcast %lt3A_427 : i32 to vector<16xi32>
      %lt3A_429 = arith.cmpi slt, %rem3A_423, %lt3A_428 : vector<16xi32>
      %lt3A_430 = arith.constant 0 : i32
      %lt3A_431 = arith.cmpi slt, %select_n3A_421, %lt3A_430 : i32
      %ne3A_432 = vector.broadcast %lt3A_431 : i1 to vector<16xi1>
      %ne3A_433 = vector.broadcast %ne3A_432 : vector<16xi1> to vector<16xi1>
      %ne3A_434 = arith.xori %lt3A_429, %ne3A_433 : vector<16xi1>
      %and3A_435 = arith.andi %ne3A_434, %ne3A_426 : vector<16xi1>
      %add3A_436 = vector.broadcast %select_n3A_421 : i32 to vector<16xi32>
      %add3A_437 = arith.addi %rem3A_423, %add3A_436 : vector<16xi32>
      %select_n3A_438 = arith.select %and3A_435, %add3A_437, %rem3A_423 : vector<16xi1>, vector<16xi32>
      %eq3A_439 = arith.constant 0 : i32
      %eq3A_440 = vector.broadcast %eq3A_439 : i32 to vector<16xi32>
      %eq3A_441 = arith.cmpi eq, %select_n3A_438, %eq3A_440 : vector<16xi32>
      %jit3A_442 = arith.constant 100000 : i32
      %broadcast_in_dim3A_443 = vector.broadcast %jit3A_442 : i32 to vector<16xi32>
      %select_n3A_444 = arith.select %eq3A_441, %select_n3A_416, %broadcast_in_dim3A_443 : vector<16xi1>, vector<16xi32>
      %mul3A_445 = arith.constant 6 : i32
      %mul3A_446 = arith.muli %select_n3A, %mul3A_445 : i32
      %add3A_447 = arith.constant 3 : i32
      %add3A_448 = arith.addi %mul3A_446, %add3A_447 : i32
      %add3A_449 = arith.constant 1 : i32
      %add3A_450 = arith.addi %add3A_448, %add3A_449 : i32
      %mul3A_451 = arith.constant 16 : i32
      %mul3A_452 = arith.muli %select_n3A_174, %mul3A_451 : i32
      %swap3A_453 = arith.index_cast %add3A_450 : i32 to index
      %swap3A_454 = arith.index_cast %mul3A_452 : i32 to index
      %swap3A_455 = tpu.vector_load %arg6[%swap3A_453, %swap3A_454] {strides = array<i32>} : memref<96x128xi32, #tpu.memory_space<vmem>>, vector<1x16xi32>,
      %swap3A_456 = vector.shape_cast %swap3A_455 : vector<1x16xi32> to vector<16xi32>
      %swap3A_457 = vector.shape_cast %select_n3A_444 : vector<16xi32> to vector<1x16xi32>
      tpu.vector_store %arg6[%swap3A_453, %swap3A_454], %swap3A_457 {strides = array<i32>} : memref<96x128xi32, #tpu.memory_space<vmem>>, vector<1x16xi32>,
      %mul3A_458 = arith.constant 3 : i32
      %mul3A_459 = vector.broadcast %mul3A_458 : i32 to vector<16xi32>
      %mul3A_460 = arith.muli %neg3A_349, %mul3A_459 : vector<16xi32>
      %add3A_461 = arith.addi %mul3A_460, %mul3A_133 : vector<16xi32>
      %abs3A_462 = math.absi %add3A_461 : vector<16xi32>
      %jit3A_463 = arith.constant 100000 : i32
      %eq3A_464 = arith.constant 0 : i32
      %eq3A_465 = arith.cmpi eq, %jit3A_463, %eq3A_464 : i32
      %jit3A_466 = arith.constant 1 : i32
      %select_n3A_467 = arith.select %eq3A_465, %jit3A_466, %jit3A_463 : i32
      %rem3A_468 = vector.broadcast %select_n3A_467 : i32 to vector<16xi32>
      %rem3A_469 = arith.remsi %abs3A_462, %rem3A_468 : vector<16xi32>
      %ne3A_470 = arith.constant 0 : i32
      %ne3A_471 = vector.broadcast %ne3A_470 : i32 to vector<16xi32>
      %ne3A_472 = arith.cmpi ne, %rem3A_469, %ne3A_471 : vector<16xi32>
      %lt3A_473 = arith.constant 0 : i32
      %lt3A_474 = vector.broadcast %lt3A_473 : i32 to vector<16xi32>
      %lt3A_475 = arith.cmpi slt, %rem3A_469, %lt3A_474 : vector<16xi32>
      %lt3A_476 = arith.constant 0 : i32
      %lt3A_477 = arith.cmpi slt, %select_n3A_467, %lt3A_476 : i32
      %ne3A_478 = vector.broadcast %lt3A_477 : i1 to vector<16xi1>
      %ne3A_479 = vector.broadcast %ne3A_478 : vector<16xi1> to vector<16xi1>
      %ne3A_480 = arith.xori %lt3A_475, %ne3A_479 : vector<16xi1>
      %and3A_481 = arith.andi %ne3A_480, %ne3A_472 : vector<16xi1>
      %add3A_482 = vector.broadcast %select_n3A_467 : i32 to vector<16xi32>
      %add3A_483 = arith.addi %rem3A_469, %add3A_482 : vector<16xi32>
      %select_n3A_484 = arith.select %and3A_481, %add3A_483, %rem3A_469 : vector<16xi1>, vector<16xi32>
      %jit3A_485 = arith.constant 3 : i32
      %eq3A_486 = arith.constant 0 : i32
      %eq3A_487 = arith.cmpi eq, %jit3A_485, %eq3A_486 : i32
      %jit3A_488 = arith.constant 1 : i32
      %select_n3A_489 = arith.select %eq3A_487, %jit3A_488, %jit3A_485 : i32
      %rem3A_490 = vector.broadcast %select_n3A_489 : i32 to vector<16xi32>
      %rem3A_491 = arith.remsi %abs3A_462, %rem3A_490 : vector<16xi32>
      %ne3A_492 = arith.constant 0 : i32
      %ne3A_493 = vector.broadcast %ne3A_492 : i32 to vector<16xi32>
      %ne3A_494 = arith.cmpi ne, %rem3A_491, %ne3A_493 : vector<16xi32>
      %lt3A_495 = arith.constant 0 : i32
      %lt3A_496 = vector.broadcast %lt3A_495 : i32 to vector<16xi32>
      %lt3A_497 = arith.cmpi slt, %rem3A_491, %lt3A_496 : vector<16xi32>
      %lt3A_498 = arith.constant 0 : i32
      %lt3A_499 = arith.cmpi slt, %select_n3A_489, %lt3A_498 : i32
      %ne3A_500 = vector.broadcast %lt3A_499 : i1 to vector<16xi1>
      %ne3A_501 = vector.broadcast %ne3A_500 : vector<16xi1> to vector<16xi1>
      %ne3A_502 = arith.xori %lt3A_497, %ne3A_501 : vector<16xi1>
      %and3A_503 = arith.andi %ne3A_502, %ne3A_494 : vector<16xi1>
      %add3A_504 = vector.broadcast %select_n3A_489 : i32 to vector<16xi32>
      %add3A_505 = arith.addi %rem3A_491, %add3A_504 : vector<16xi32>
      %select_n3A_506 = arith.select %and3A_503, %add3A_505, %rem3A_491 : vector<16xi1>, vector<16xi32>
      %eq3A_507 = arith.constant 0 : i32
      %eq3A_508 = vector.broadcast %eq3A_507 : i32 to vector<16xi32>
      %eq3A_509 = arith.cmpi eq, %select_n3A_506, %eq3A_508 : vector<16xi32>
      %jit3A_510 = arith.constant 100000 : i32
      %broadcast_in_dim3A_511 = vector.broadcast %jit3A_510 : i32 to vector<16xi32>
      %select_n3A_512 = arith.select %eq3A_509, %select_n3A_484, %broadcast_in_dim3A_511 : vector<16xi1>, vector<16xi32>
      %mul3A_513 = arith.constant 6 : i32
      %mul3A_514 = arith.muli %select_n3A, %mul3A_513 : i32
      %add3A_515 = arith.constant 3 : i32
      %add3A_516 = arith.addi %mul3A_514, %add3A_515 : i32
      %add3A_517 = arith.constant 2 : i32
      %add3A_518 = arith.addi %add3A_516, %add3A_517 : i32
      %mul3A_519 = arith.constant 16 : i32
      %mul3A_520 = arith.muli %select_n3A_174, %mul3A_519 : i32
      %swap3A_521 = arith.index_cast %add3A_518 : i32 to index
      %swap3A_522 = arith.index_cast %mul3A_520 : i32 to index
      %swap3A_523 = tpu.vector_load %arg6[%swap3A_521, %swap3A_522] {strides = array<i32>} : memref<96x128xi32, #tpu.memory_space<vmem>>, vector<1x16xi32>,
      %swap3A_524 = vector.shape_cast %swap3A_523 : vector<1x16xi32> to vector<16xi32>
      %swap3A_525 = vector.shape_cast %select_n3A_512 : vector<16xi32> to vector<1x16xi32>
      tpu.vector_store %arg6[%swap3A_521, %swap3A_522], %swap3A_525 {strides = array<i32>} : memref<96x128xi32, #tpu.memory_space<vmem>>, vector<1x16xi32>,
    }
    %scan3A_7 = arith.constant 128 : i32
    %dma_start3A = arith.constant 0 : i32
    %dma_start3A_8 = arith.constant 0 : i32
    %dma_start3A_9 = arith.constant 0 : i32
    %dma_start3A_10 = arith.constant 0 : i32
    %dma_start3A_11 = tpu.memref_slice %arg7[%dma_start3A_8, %dma_start3A_9, %dma_start3A_10] : memref<8x128x48xf32, #tpu.memory_space<vmem>> -> memref<1x128x48xf32, #tpu.memory_space<vmem>>
    %dma_start3A_12 = tpu.memref_squeeze %dma_start3A_11 : memref<1x128x48xf32, #tpu.memory_space<vmem>> -> memref<128x48xf32, #tpu.memory_space<vmem>>
    %dma_start3A_13 = arith.constant 0 : i32
    %dma_start3A_14 = tpu.memref_slice %arg6[%dma_start3A, %dma_start3A_13] : memref<96x128xi32, #tpu.memory_space<vmem>> -> memref<1x128xi32, #tpu.memory_space<vmem>>
    %dma_start3A_15 = tpu.memref_squeeze %dma_start3A_14 : memref<1x128xi32, #tpu.memory_space<vmem>> -> memref<128xi32, #tpu.memory_space<vmem>>
    %dma_start3A_16 = arith.constant 0 : i32
    %dma_start3A_17 = arith.constant 0 : i32
    %dma_start3A_18 = tpu.memref_slice %arg3[%dma_start3A_16, %dma_start3A_17] : memref<100008x48xf32, #tpu.memory_space<hbm>> -> memref<100008x48xf32, #tpu.memory_space<hbm>>
    tpu.enqueue_indirect_dma source(%dma_start3A_18 : memref<100008x48xf32, #tpu.memory_space<hbm>>) target(%dma_start3A_12 : memref<128x48xf32, #tpu.memory_space<vmem>>) offsets(%dma_start3A_15 : memref<128xi32, #tpu.memory_space<vmem>>) semaphore(%arg8 : memref<!tpu.dma_semaphore, #tpu.memory_space<semaphore_mem>>)
    %dma_start3A_19 = arith.constant 1 : i32
    %dma_start3A_20 = arith.constant 1 : i32
    %dma_start3A_21 = arith.constant 0 : i32
    %dma_start3A_22 = arith.constant 0 : i32
    %dma_start3A_23 = tpu.memref_slice %arg7[%dma_start3A_20, %dma_start3A_21, %dma_start3A_22] : memref<8x128x48xf32, #tpu.memory_space<vmem>> -> memref<1x128x48xf32, #tpu.memory_space<vmem>>
    %dma_start3A_24 = tpu.memref_squeeze %dma_start3A_23 : memref<1x128x48xf32, #tpu.memory_space<vmem>> -> memref<128x48xf32, #tpu.memory_space<vmem>>
    %dma_start3A_25 = arith.constant 0 : i32
    %dma_start3A_26 = tpu.memref_slice %arg6[%dma_start3A_19, %dma_start3A_25] : memref<96x128xi32, #tpu.memory_space<vmem>> -> memref<1x128xi32, #tpu.memory_space<vmem>>
    %dma_start3A_27 = tpu.memref_squeeze %dma_start3A_26 : memref<1x128xi32, #tpu.memory_space<vmem>> -> memref<128xi32, #tpu.memory_space<vmem>>
    %dma_start3A_28 = arith.constant 0 : i32
    %dma_start3A_29 = arith.constant 0 : i32
    %dma_start3A_30 = tpu.memref_slice %arg3[%dma_start3A_28, %dma_start3A_29] : memref<100008x48xf32, #tpu.memory_space<hbm>> -> memref<100008x48xf32, #tpu.memory_space<hbm>>
    tpu.enqueue_indirect_dma source(%dma_start3A_30 : memref<100008x48xf32, #tpu.memory_space<hbm>>) target(%dma_start3A_24 : memref<128x48xf32, #tpu.memory_space<vmem>>) offsets(%dma_start3A_27 : memref<128xi32, #tpu.memory_space<vmem>>) semaphore(%arg9 : memref<!tpu.dma_semaphore, #tpu.memory_space<semaphore_mem>>)
    %dma_start3A_31 = arith.constant 2 : i32
    %dma_start3A_32 = arith.constant 2 : i32
    %dma_start3A_33 = arith.constant 0 : i32
    %dma_start3A_34 = arith.constant 0 : i32
    %dma_start3A_35 = tpu.memref_slice %arg7[%dma_start3A_32, %dma_start3A_33, %dma_start3A_34] : memref<8x128x48xf32, #tpu.memory_space<vmem>> -> memref<1x128x48xf32, #tpu.memory_space<vmem>>
    %dma_start3A_36 = tpu.memref_squeeze %dma_start3A_35 : memref<1x128x48xf32, #tpu.memory_space<vmem>> -> memref<128x48xf32, #tpu.memory_space<vmem>>
    %dma_start3A_37 = arith.constant 0 : i32
    %dma_start3A_38 = tpu.memref_slice %arg6[%dma_start3A_31, %dma_start3A_37] : memref<96x128xi32, #tpu.memory_space<vmem>> -> memref<1x128xi32, #tpu.memory_space<vmem>>
    %dma_start3A_39 = tpu.memref_squeeze %dma_start3A_38 : memref<1x128xi32, #tpu.memory_space<vmem>> -> memref<128xi32, #tpu.memory_space<vmem>>
    %dma_start3A_40 = arith.constant 0 : i32
    %dma_start3A_41 = arith.constant 0 : i32
    %dma_start3A_42 = tpu.memref_slice %arg3[%dma_start3A_40, %dma_start3A_41] : memref<100008x48xf32, #tpu.memory_space<hbm>> -> memref<100008x48xf32, #tpu.memory_space<hbm>>
    tpu.enqueue_indirect_dma source(%dma_start3A_42 : memref<100008x48xf32, #tpu.memory_space<hbm>>) target(%dma_start3A_36 : memref<128x48xf32, #tpu.memory_space<vmem>>) offsets(%dma_start3A_39 : memref<128xi32, #tpu.memory_space<vmem>>) semaphore(%arg10 : memref<!tpu.dma_semaphore, #tpu.memory_space<semaphore_mem>>)
    %dma_start3A_43 = arith.constant 3 : i32
    %dma_start3A_44 = arith.constant 3 : i32
    %dma_start3A_45 = arith.constant 0 : i32
    %dma_start3A_46 = arith.constant 0 : i32
    %dma_start3A_47 = tpu.memref_slice %arg7[%dma_start3A_44, %dma_start3A_45, %dma_start3A_46] : memref<8x128x48xf32, #tpu.memory_space<vmem>> -> memref<1x128x48xf32, #tpu.memory_space<vmem>>
    %dma_start3A_48 = tpu.memref_squeeze %dma_start3A_47 : memref<1x128x48xf32, #tpu.memory_space<vmem>> -> memref<128x48xf32, #tpu.memory_space<vmem>>
    %dma_start3A_49 = arith.constant 0 : i32
    %dma_start3A_50 = tpu.memref_slice %arg6[%dma_start3A_43, %dma_start3A_49] : memref<96x128xi32, #tpu.memory_space<vmem>> -> memref<1x128xi32, #tpu.memory_space<vmem>>
    %dma_start3A_51 = tpu.memref_squeeze %dma_start3A_50 : memref<1x128xi32, #tpu.memory_space<vmem>> -> memref<128xi32, #tpu.memory_space<vmem>>
    %dma_start3A_52 = arith.constant 0 : i32
    %dma_start3A_53 = arith.constant 0 : i32
    %dma_start3A_54 = tpu.memref_slice %arg3[%dma_start3A_52, %dma_start3A_53] : memref<100008x48xf32, #tpu.memory_space<hbm>> -> memref<100008x48xf32, #tpu.memory_space<hbm>>
    tpu.enqueue_indirect_dma source(%dma_start3A_54 : memref<100008x48xf32, #tpu.memory_space<hbm>>) target(%dma_start3A_48 : memref<128x48xf32, #tpu.memory_space<vmem>>) offsets(%dma_start3A_51 : memref<128xi32, #tpu.memory_space<vmem>>) semaphore(%arg11 : memref<!tpu.dma_semaphore, #tpu.memory_space<semaphore_mem>>)
    %dma_start3A_55 = arith.constant 4 : i32
    %dma_start3A_56 = arith.constant 4 : i32
    %dma_start3A_57 = arith.constant 0 : i32
    %dma_start3A_58 = arith.constant 0 : i32
    %dma_start3A_59 = tpu.memref_slice %arg7[%dma_start3A_56, %dma_start3A_57, %dma_start3A_58] : memref<8x128x48xf32, #tpu.memory_space<vmem>> -> memref<1x128x48xf32, #tpu.memory_space<vmem>>
    %dma_start3A_60 = tpu.memref_squeeze %dma_start3A_59 : memref<1x128x48xf32, #tpu.memory_space<vmem>> -> memref<128x48xf32, #tpu.memory_space<vmem>>
    %dma_start3A_61 = arith.constant 0 : i32
    %dma_start3A_62 = tpu.memref_slice %arg6[%dma_start3A_55, %dma_start3A_61] : memref<96x128xi32, #tpu.memory_space<vmem>> -> memref<1x128xi32, #tpu.memory_space<vmem>>
    %dma_start3A_63 = tpu.memref_squeeze %dma_start3A_62 : memref<1x128xi32, #tpu.memory_space<vmem>> -> memref<128xi32, #tpu.memory_space<vmem>>
    %dma_start3A_64 = arith.constant 0 : i32
    %dma_start3A_65 = arith.constant 0 : i32
    %dma_start3A_66 = tpu.memref_slice %arg3[%dma_start3A_64, %dma_start3A_65] : memref<100008x48xf32, #tpu.memory_space<hbm>> -> memref<100008x48xf32, #tpu.memory_space<hbm>>
    tpu.enqueue_indirect_dma source(%dma_start3A_66 : memref<100008x48xf32, #tpu.memory_space<hbm>>) target(%dma_start3A_60 : memref<128x48xf32, #tpu.memory_space<vmem>>) offsets(%dma_start3A_63 : memref<128xi32, #tpu.memory_space<vmem>>) semaphore(%arg12 : memref<!tpu.dma_semaphore, #tpu.memory_space<semaphore_mem>>)
    %dma_start3A_67 = arith.constant 5 : i32
    %dma_start3A_68 = arith.constant 5 : i32
    %dma_start3A_69 = arith.constant 0 : i32
    %dma_start3A_70 = arith.constant 0 : i32
    %dma_start3A_71 = tpu.memref_slice %arg7[%dma_start3A_68, %dma_start3A_69, %dma_start3A_70] : memref<8x128x48xf32, #tpu.memory_space<vmem>> -> memref<1x128x48xf32, #tpu.memory_space<vmem>>
    %dma_start3A_72 = tpu.memref_squeeze %dma_start3A_71 : memref<1x128x48xf32, #tpu.memory_space<vmem>> -> memref<128x48xf32, #tpu.memory_space<vmem>>
    %dma_start3A_73 = arith.constant 0 : i32
    %dma_start3A_74 = tpu.memref_slice %arg6[%dma_start3A_67, %dma_start3A_73] : memref<96x128xi32, #tpu.memory_space<vmem>> -> memref<1x128xi32, #tpu.memory_space<vmem>>
    %dma_start3A_75 = tpu.memref_squeeze %dma_start3A_74 : memref<1x128xi32, #tpu.memory_space<vmem>> -> memref<128xi32, #tpu.memory_space<vmem>>
    %dma_start3A_76 = arith.constant 0 : i32
    %dma_start3A_77 = arith.constant 0 : i32
    %dma_start3A_78 = tpu.memref_slice %arg3[%dma_start3A_76, %dma_start3A_77] : memref<100008x48xf32, #tpu.memory_space<hbm>> -> memref<100008x48xf32, #tpu.memory_space<hbm>>
    tpu.enqueue_indirect_dma source(%dma_start3A_78 : memref<100008x48xf32, #tpu.memory_space<hbm>>) target(%dma_start3A_72 : memref<128x48xf32, #tpu.memory_space<vmem>>) offsets(%dma_start3A_75 : memref<128xi32, #tpu.memory_space<vmem>>) semaphore(%arg13 : memref<!tpu.dma_semaphore, #tpu.memory_space<semaphore_mem>>)
    %dma_start3A_79 = arith.constant 6 : i32
    %dma_start3A_80 = arith.constant 6 : i32
    %dma_start3A_81 = arith.constant 0 : i32
    %dma_start3A_82 = arith.constant 0 : i32
    %dma_start3A_83 = tpu.memref_slice %arg7[%dma_start3A_80, %dma_start3A_81, %dma_start3A_82] : memref<8x128x48xf32, #tpu.memory_space<vmem>> -> memref<1x128x48xf32, #tpu.memory_space<vmem>>
    %dma_start3A_84 = tpu.memref_squeeze %dma_start3A_83 : memref<1x128x48xf32, #tpu.memory_space<vmem>> -> memref<128x48xf32, #tpu.memory_space<vmem>>
    %dma_start3A_85 = arith.constant 0 : i32
    %dma_start3A_86 = tpu.memref_slice %arg6[%dma_start3A_79, %dma_start3A_85] : memref<96x128xi32, #tpu.memory_space<vmem>> -> memref<1x128xi32, #tpu.memory_space<vmem>>
    %dma_start3A_87 = tpu.memref_squeeze %dma_start3A_86 : memref<1x128xi32, #tpu.memory_space<vmem>> -> memref<128xi32, #tpu.memory_space<vmem>>
    %dma_start3A_88 = arith.constant 0 : i32
    %dma_start3A_89 = arith.constant 0 : i32
    %dma_start3A_90 = tpu.memref_slice %arg3[%dma_start3A_88, %dma_start3A_89] : memref<100008x48xf32, #tpu.memory_space<hbm>> -> memref<100008x48xf32, #tpu.memory_space<hbm>>
    tpu.enqueue_indirect_dma source(%dma_start3A_90 : memref<100008x48xf32, #tpu.memory_space<hbm>>) target(%dma_start3A_84 : memref<128x48xf32, #tpu.memory_space<vmem>>) offsets(%dma_start3A_87 : memref<128xi32, #tpu.memory_space<vmem>>) semaphore(%arg14 : memref<!tpu.dma_semaphore, #tpu.memory_space<semaphore_mem>>)
    %dma_start3A_91 = arith.constant 7 : i32
    %dma_start3A_92 = arith.constant 7 : i32
    %dma_start3A_93 = arith.constant 0 : i32
    %dma_start3A_94 = arith.constant 0 : i32
    %dma_start3A_95 = tpu.memref_slice %arg7[%dma_start3A_92, %dma_start3A_93, %dma_start3A_94] : memref<8x128x48xf32, #tpu.memory_space<vmem>> -> memref<1x128x48xf32, #tpu.memory_space<vmem>>
    %dma_start3A_96 = tpu.memref_squeeze %dma_start3A_95 : memref<1x128x48xf32, #tpu.memory_space<vmem>> -> memref<128x48xf32, #tpu.memory_space<vmem>>
    %dma_start3A_97 = arith.constant 0 : i32
    %dma_start3A_98 = tpu.memref_slice %arg6[%dma_start3A_91, %dma_start3A_97] : memref<96x128xi32, #tpu.memory_space<vmem>> -> memref<1x128xi32, #tpu.memory_space<vmem>>
    %dma_start3A_99 = tpu.memref_squeeze %dma_start3A_98 : memref<1x128xi32, #tpu.memory_space<vmem>> -> memref<128xi32, #tpu.memory_space<vmem>>
    %dma_start3A_100 = arith.constant 0 : i32
    %dma_start3A_101 = arith.constant 0 : i32
    %dma_start3A_102 = tpu.memref_slice %arg3[%dma_start3A_100, %dma_start3A_101] : memref<100008x48xf32, #tpu.memory_space<hbm>> -> memref<100008x48xf32, #tpu.memory_space<hbm>>
    tpu.enqueue_indirect_dma source(%dma_start3A_102 : memref<100008x48xf32, #tpu.memory_space<hbm>>) target(%dma_start3A_96 : memref<128x48xf32, #tpu.memory_space<vmem>>) offsets(%dma_start3A_99 : memref<128xi32, #tpu.memory_space<vmem>>) semaphore(%arg15 : memref<!tpu.dma_semaphore, #tpu.memory_space<semaphore_mem>>)
    %scan3A_103 = arith.constant 0 : i32
    %scan3A_104 = arith.constant 0 : i32
    %scan3A_105 = arith.constant 12 : i32
    %scan3A_106 = arith.addi %scan3A_104, %scan3A_105 : i32
    %scan3A_107 = arith.constant 1 : i32
    scf.for %scan3A_109 = %scan3A_104 to %scan3A_106 step %scan3A_107  : i32 {
      %mul3A_110 = arith.constant 8 : i32
      %mul3A_111 = arith.muli %scan3A_109, %mul3A_110 : i32
      %add3A_112 = arith.constant 0 : i32
      %add3A_113 = arith.addi %mul3A_111, %add3A_112 : i32
      %dma_wait3A = arith.constant 0 : i32
      %dma_wait3A_114 = arith.constant 0 : i32
      %dma_wait3A_115 = arith.constant 0 : i32
      %dma_wait3A_116 = tpu.memref_slice %arg7[%dma_wait3A, %dma_wait3A_114, %dma_wait3A_115] : memref<8x128x48xf32, #tpu.memory_space<vmem>> -> memref<1x128x48xf32, #tpu.memory_space<vmem>>
      %dma_wait3A_117 = tpu.memref_squeeze %dma_wait3A_116 : memref<1x128x48xf32, #tpu.memory_space<vmem>> -> memref<128x48xf32, #tpu.memory_space<vmem>>
      %dma_wait3A_118 = arith.constant 0 : i32
      %dma_wait3A_119 = tpu.memref_slice %arg6[%add3A_113, %dma_wait3A_118] : memref<96x128xi32, #tpu.memory_space<vmem>> -> memref<1x128xi32, #tpu.memory_space<vmem>>
      %dma_wait3A_120 = tpu.memref_squeeze %dma_wait3A_119 : memref<1x128xi32, #tpu.memory_space<vmem>> -> memref<128xi32, #tpu.memory_space<vmem>>
      %dma_wait3A_121 = arith.constant 0 : i32
      %dma_wait3A_122 = arith.constant 0 : i32
      %dma_wait3A_123 = tpu.memref_slice %arg3[%dma_wait3A_121, %dma_wait3A_122] : memref<100008x48xf32, #tpu.memory_space<hbm>> -> memref<100008x48xf32, #tpu.memory_space<hbm>>
      tpu.wait_indirect_dma semaphore(%arg8 : memref<!tpu.dma_semaphore, #tpu.memory_space<semaphore_mem>>) src(%dma_wait3A_123 : memref<100008x48xf32, #tpu.memory_space<hbm>>) dst(%dma_wait3A_117 : memref<128x48xf32, #tpu.memory_space<vmem>>)
      %jit3A = arith.constant 6 : i32
      %div3A = arith.divsi %add3A_113, %jit3A : i32
      %sign3A = arith.constant 0 : i32
      %sign3A_124 = arith.cmpi sgt, %add3A_113, %sign3A : i32
      %sign3A_125 = arith.extui %sign3A_124 : i1 to i32
      %sign3A_126 = arith.constant 0 : i32
      %sign3A_127 = arith.cmpi slt, %add3A_113, %sign3A_126 : i32
      %sign3A_128 = arith.extui %sign3A_127 : i1 to i32
      %sign3A_129 = arith.subi %sign3A_125, %sign3A_128 : i32
      %sign3A_130 = arith.constant 0 : i32
      %sign3A_131 = arith.cmpi sgt, %jit3A, %sign3A_130 : i32
      %sign3A_132 = arith.extui %sign3A_131 : i1 to i32
      %sign3A_133 = arith.constant 0 : i32
      %sign3A_134 = arith.cmpi slt, %jit3A, %sign3A_133 : i32
      %sign3A_135 = arith.extui %sign3A_134 : i1 to i32
      %sign3A_136 = arith.subi %sign3A_132, %sign3A_135 : i32
      %ne3A = arith.cmpi ne, %sign3A_129, %sign3A_136 : i32
      %rem3A = arith.remsi %add3A_113, %jit3A : i32
      %ne3A_137 = arith.constant 0 : i32
      %ne3A_138 = arith.cmpi ne, %rem3A, %ne3A_137 : i32
      %and3A = arith.andi %ne3A, %ne3A_138 : i1
      %sub3A = arith.constant 1 : i32
      %sub3A_139 = arith.subi %div3A, %sub3A : i32
      %select_n3A = arith.select %and3A, %sub3A_139, %div3A : i32
      %jit3A_140 = arith.constant 6 : i32
      %eq3A = arith.constant 0 : i32
      %eq3A_141 = arith.cmpi eq, %jit3A_140, %eq3A : i32
      %jit3A_142 = arith.constant 1 : i32
      %select_n3A_143 = arith.select %eq3A_141, %jit3A_142, %jit3A_140 : i32
      %rem3A_144 = arith.remsi %add3A_113, %select_n3A_143 : i32
      %ne3A_145 = arith.constant 0 : i32
      %ne3A_146 = arith.cmpi ne, %rem3A_144, %ne3A_145 : i32
      %lt3A = arith.constant 0 : i32
      %lt3A_147 = arith.cmpi slt, %rem3A_144, %lt3A : i32
      %lt3A_148 = arith.constant 0 : i32
      %lt3A_149 = arith.cmpi slt, %select_n3A_143, %lt3A_148 : i32
      %ne3A_150 = arith.xori %lt3A_147, %lt3A_149 : i1
      %and3A_151 = arith.andi %ne3A_150, %ne3A_146 : i1
      %add3A_152 = arith.addi %rem3A_144, %select_n3A_143 : i32
      %select_n3A_153 = arith.select %and3A_151, %add3A_152, %rem3A_144 : i32
      %mul3A_154 = arith.constant 128 : i32
      %mul3A_155 = arith.muli %select_n3A, %mul3A_154 : i32
      %add3A_156 = arith.addi %mul3A_2, %mul3A_155 : i32
      %run_scoped3A = arith.constant 0 : i32
      "tpu.region"() ({
        %run_scoped3A_624 = tpu.sem_alloc : memref<!tpu.dma_semaphore, #tpu.memory_space<semaphore_mem>>
        %dma_start3A_625 = arith.constant 0 : i32
        %dma_start3A_626 = arith.constant 0 : i32
        %dma_start3A_627 = tpu.memref_slice %arg7[%run_scoped3A, %dma_start3A_625, %dma_start3A_626] : memref<8x128x48xf32, #tpu.memory_space<vmem>> -> memref<1x128x48xf32, #tpu.memory_space<vmem>>
        %dma_start3A_628 = tpu.memref_squeeze %dma_start3A_627 : memref<1x128x48xf32, #tpu.memory_space<vmem>> -> memref<128x48xf32, #tpu.memory_space<vmem>>
        %dma_start3A_629 = arith.constant 0 : i32
        %dma_start3A_630 = tpu.memref_slice %arg4[%select_n3A_153, %add3A_156, %dma_start3A_629] : memref<6x65536x48xf32, #tpu.memory_space<hbm>> -> memref<1x128x48xf32, #tpu.memory_space<hbm>>
        %dma_start3A_631 = tpu.memref_squeeze %dma_start3A_630 : memref<1x128x48xf32, #tpu.memory_space<hbm>> -> memref<128x48xf32, #tpu.memory_space<hbm>>
        %dma_start3A_632 = arith.constant 0 : i32
        %dma_start3A_633 = tpu.memref_slice %arg4[%select_n3A_153, %add3A_156, %dma_start3A_632] : memref<6x65536x48xf32, #tpu.memory_space<hbm>> -> memref<1x128x48xf32, #tpu.memory_space<hbm>>
        %dma_start3A_634 = tpu.memref_squeeze %dma_start3A_633 : memref<1x128x48xf32, #tpu.memory_space<hbm>> -> memref<128x48xf32, #tpu.memory_space<hbm>>
        %dma_start3A_635 = arith.constant 0 : i32
        %dma_start3A_636 = arith.constant 0 : i32
        %dma_start3A_637 = tpu.memref_slice %arg7[%run_scoped3A, %dma_start3A_635, %dma_start3A_636] : memref<8x128x48xf32, #tpu.memory_space<vmem>> -> memref<1x128x48xf32, #tpu.memory_space<vmem>>
        %dma_start3A_638 = tpu.memref_squeeze %dma_start3A_637 : memref<1x128x48xf32, #tpu.memory_space<vmem>> -> memref<128x48xf32, #tpu.memory_space<vmem>>
        tpu.enqueue_dma source(%dma_start3A_638 : memref<128x48xf32, #tpu.memory_space<vmem>>) target(%dma_start3A_634 : memref<128x48xf32, #tpu.memory_space<hbm>>) target_semaphore(%run_scoped3A_624 : memref<!tpu.dma_semaphore, #tpu.memory_space<semaphore_mem>>)
        %dma_wait3A_639 = arith.constant 0 : i32
        %dma_wait3A_640 = arith.constant 0 : i32
        %dma_wait3A_641 = tpu.memref_slice %arg7[%run_scoped3A, %dma_wait3A_639, %dma_wait3A_640] : memref<8x128x48xf32, #tpu.memory_space<vmem>> -> memref<1x128x48xf32, #tpu.memory_space<vmem>>
        %dma_wait3A_642 = tpu.memref_squeeze %dma_wait3A_641 : memref<1x128x48xf32, #tpu.memory_space<vmem>> -> memref<128x48xf32, #tpu.memory_space<vmem>>
        %dma_wait3A_643 = arith.constant 0 : i32
        %dma_wait3A_644 = tpu.memref_slice %arg4[%select_n3A_153, %add3A_156, %dma_wait3A_643] : memref<6x65536x48xf32, #tpu.memory_space<hbm>> -> memref<1x128x48xf32, #tpu.memory_space<hbm>>
        %dma_wait3A_645 = tpu.memref_squeeze %dma_wait3A_644 : memref<1x128x48xf32, #tpu.memory_space<hbm>> -> memref<128x48xf32, #tpu.memory_space<hbm>>
        %dma_wait3A_646 = arith.constant 0 : i32
        %dma_wait3A_647 = tpu.memref_slice %arg4[%select_n3A_153, %add3A_156, %dma_wait3A_646] : memref<6x65536x48xf32, #tpu.memory_space<hbm>> -> memref<1x128x48xf32, #tpu.memory_space<hbm>>
        %dma_wait3A_648 = tpu.memref_squeeze %dma_wait3A_647 : memref<1x128x48xf32, #tpu.memory_space<hbm>> -> memref<128x48xf32, #tpu.memory_space<hbm>>
        %dma_wait3A_649 = arith.constant 0 : i32
        %dma_wait3A_650 = arith.constant 0 : i32
        %dma_wait3A_651 = tpu.memref_slice %arg7[%run_scoped3A, %dma_wait3A_649, %dma_wait3A_650] : memref<8x128x48xf32, #tpu.memory_space<vmem>> -> memref<1x128x48xf32, #tpu.memory_space<vmem>>
        %dma_wait3A_652 = tpu.memref_squeeze %dma_wait3A_651 : memref<1x128x48xf32, #tpu.memory_space<vmem>> -> memref<128x48xf32, #tpu.memory_space<vmem>>
        tpu.wait_dma2 semaphore(%run_scoped3A_624 : memref<!tpu.dma_semaphore, #tpu.memory_space<semaphore_mem>>) src(%dma_wait3A_652 : memref<128x48xf32, #tpu.memory_space<vmem>>) dst(%dma_wait3A_648 : memref<128x48xf32, #tpu.memory_space<hbm>>)
        tpu.yield
      }) : () -> ()
      %add3A_157 = arith.constant 8 : i32
      %add3A_158 = arith.addi %add3A_113, %add3A_157 : i32
      %lt3A_159 = arith.constant 96 : i32
      %lt3A_160 = arith.cmpi slt, %add3A_158, %lt3A_159 : i32
      %convert_element_type3A = arith.extui %lt3A_160 : i1 to i32
      %cond3A = arith.constant 0 : i32
      %cond3A_161 = arith.cmpi ne, %convert_element_type3A, %cond3A : i32
      scf.if %cond3A_161 {
        %add3A_624 = arith.constant 8 : i32
        %add3A_625 = arith.addi %add3A_113, %add3A_624 : i32
        %dma_start3A_626 = arith.constant 0 : i32
        %dma_start3A_627 = arith.constant 0 : i32
        %dma_start3A_628 = arith.constant 0 : i32
        %dma_start3A_629 = tpu.memref_slice %arg7[%dma_start3A_626, %dma_start3A_627, %dma_start3A_628] : memref<8x128x48xf32, #tpu.memory_space<vmem>> -> memref<1x128x48xf32, #tpu.memory_space<vmem>>
        %dma_start3A_630 = tpu.memref_squeeze %dma_start3A_629 : memref<1x128x48xf32, #tpu.memory_space<vmem>> -> memref<128x48xf32, #tpu.memory_space<vmem>>
        %dma_start3A_631 = arith.constant 0 : i32
        %dma_start3A_632 = tpu.memref_slice %arg6[%add3A_625, %dma_start3A_631] : memref<96x128xi32, #tpu.memory_space<vmem>> -> memref<1x128xi32, #tpu.memory_space<vmem>>
        %dma_start3A_633 = tpu.memref_squeeze %dma_start3A_632 : memref<1x128xi32, #tpu.memory_space<vmem>> -> memref<128xi32, #tpu.memory_space<vmem>>
        %dma_start3A_634 = arith.constant 0 : i32
        %dma_start3A_635 = arith.constant 0 : i32
        %dma_start3A_636 = tpu.memref_slice %arg3[%dma_start3A_634, %dma_start3A_635] : memref<100008x48xf32, #tpu.memory_space<hbm>> -> memref<100008x48xf32, #tpu.memory_space<hbm>>
        tpu.enqueue_indirect_dma source(%dma_start3A_636 : memref<100008x48xf32, #tpu.memory_space<hbm>>) target(%dma_start3A_630 : memref<128x48xf32, #tpu.memory_space<vmem>>) offsets(%dma_start3A_633 : memref<128xi32, #tpu.memory_space<vmem>>) semaphore(%arg8 : memref<!tpu.dma_semaphore, #tpu.memory_space<semaphore_mem>>)
      } else {
      }
      %mul3A_162 = arith.constant 8 : i32
      %mul3A_163 = arith.muli %scan3A_109, %mul3A_162 : i32
      %add3A_164 = arith.constant 1 : i32
      %add3A_165 = arith.addi %mul3A_163, %add3A_164 : i32
      %dma_wait3A_166 = arith.constant 1 : i32
      %dma_wait3A_167 = arith.constant 0 : i32
      %dma_wait3A_168 = arith.constant 0 : i32
      %dma_wait3A_169 = tpu.memref_slice %arg7[%dma_wait3A_166, %dma_wait3A_167, %dma_wait3A_168] : memref<8x128x48xf32, #tpu.memory_space<vmem>> -> memref<1x128x48xf32, #tpu.memory_space<vmem>>
      %dma_wait3A_170 = tpu.memref_squeeze %dma_wait3A_169 : memref<1x128x48xf32, #tpu.memory_space<vmem>> -> memref<128x48xf32, #tpu.memory_space<vmem>>
      %dma_wait3A_171 = arith.constant 0 : i32
      %dma_wait3A_172 = tpu.memref_slice %arg6[%add3A_165, %dma_wait3A_171] : memref<96x128xi32, #tpu.memory_space<vmem>> -> memref<1x128xi32, #tpu.memory_space<vmem>>
      %dma_wait3A_173 = tpu.memref_squeeze %dma_wait3A_172 : memref<1x128xi32, #tpu.memory_space<vmem>> -> memref<128xi32, #tpu.memory_space<vmem>>
      %dma_wait3A_174 = arith.constant 0 : i32
      %dma_wait3A_175 = arith.constant 0 : i32
      %dma_wait3A_176 = tpu.memref_slice %arg3[%dma_wait3A_174, %dma_wait3A_175] : memref<100008x48xf32, #tpu.memory_space<hbm>> -> memref<100008x48xf32, #tpu.memory_space<hbm>>
      tpu.wait_indirect_dma semaphore(%arg9 : memref<!tpu.dma_semaphore, #tpu.memory_space<semaphore_mem>>) src(%dma_wait3A_176 : memref<100008x48xf32, #tpu.memory_space<hbm>>) dst(%dma_wait3A_170 : memref<128x48xf32, #tpu.memory_space<vmem>>)
      %jit3A_177 = arith.constant 6 : i32
      %div3A_178 = arith.divsi %add3A_165, %jit3A_177 : i32
      %sign3A_179 = arith.constant 0 : i32
      %sign3A_180 = arith.cmpi sgt, %add3A_165, %sign3A_179 : i32
      %sign3A_181 = arith.extui %sign3A_180 : i1 to i32
      %sign3A_182 = arith.constant 0 : i32
      %sign3A_183 = arith.cmpi slt, %add3A_165, %sign3A_182 : i32
      %sign3A_184 = arith.extui %sign3A_183 : i1 to i32
      %sign3A_185 = arith.subi %sign3A_181, %sign3A_184 : i32
      %sign3A_186 = arith.constant 0 : i32
      %sign3A_187 = arith.cmpi sgt, %jit3A_177, %sign3A_186 : i32
      %sign3A_188 = arith.extui %sign3A_187 : i1 to i32
      %sign3A_189 = arith.constant 0 : i32
      %sign3A_190 = arith.cmpi slt, %jit3A_177, %sign3A_189 : i32
      %sign3A_191 = arith.extui %sign3A_190 : i1 to i32
      %sign3A_192 = arith.subi %sign3A_188, %sign3A_191 : i32
      %ne3A_193 = arith.cmpi ne, %sign3A_185, %sign3A_192 : i32
      %rem3A_194 = arith.remsi %add3A_165, %jit3A_177 : i32
      %ne3A_195 = arith.constant 0 : i32
      %ne3A_196 = arith.cmpi ne, %rem3A_194, %ne3A_195 : i32
      %and3A_197 = arith.andi %ne3A_193, %ne3A_196 : i1
      %sub3A_198 = arith.constant 1 : i32
      %sub3A_199 = arith.subi %div3A_178, %sub3A_198 : i32
      %select_n3A_200 = arith.select %and3A_197, %sub3A_199, %div3A_178 : i32
      %jit3A_201 = arith.constant 6 : i32
      %eq3A_202 = arith.constant 0 : i32
      %eq3A_203 = arith.cmpi eq, %jit3A_201, %eq3A_202 : i32
      %jit3A_204 = arith.constant 1 : i32
      %select_n3A_205 = arith.select %eq3A_203, %jit3A_204, %jit3A_201 : i32
      %rem3A_206 = arith.remsi %add3A_165, %select_n3A_205 : i32
      %ne3A_207 = arith.constant 0 : i32
      %ne3A_208 = arith.cmpi ne, %rem3A_206, %ne3A_207 : i32
      %lt3A_209 = arith.constant 0 : i32
      %lt3A_210 = arith.cmpi slt, %rem3A_206, %lt3A_209 : i32
      %lt3A_211 = arith.constant 0 : i32
      %lt3A_212 = arith.cmpi slt, %select_n3A_205, %lt3A_211 : i32
      %ne3A_213 = arith.xori %lt3A_210, %lt3A_212 : i1
      %and3A_214 = arith.andi %ne3A_213, %ne3A_208 : i1
      %add3A_215 = arith.addi %rem3A_206, %select_n3A_205 : i32
      %select_n3A_216 = arith.select %and3A_214, %add3A_215, %rem3A_206 : i32
      %mul3A_217 = arith.constant 128 : i32
      %mul3A_218 = arith.muli %select_n3A_200, %mul3A_217 : i32
      %add3A_219 = arith.addi %mul3A_2, %mul3A_218 : i32
      %run_scoped3A_220 = arith.constant 1 : i32
      "tpu.region"() ({
        %run_scoped3A_624 = tpu.sem_alloc : memref<!tpu.dma_semaphore, #tpu.memory_space<semaphore_mem>>
        %dma_start3A_625 = arith.constant 0 : i32
        %dma_start3A_626 = arith.constant 0 : i32
        %dma_start3A_627 = tpu.memref_slice %arg7[%run_scoped3A_220, %dma_start3A_625, %dma_start3A_626] : memref<8x128x48xf32, #tpu.memory_space<vmem>> -> memref<1x128x48xf32, #tpu.memory_space<vmem>>
        %dma_start3A_628 = tpu.memref_squeeze %dma_start3A_627 : memref<1x128x48xf32, #tpu.memory_space<vmem>> -> memref<128x48xf32, #tpu.memory_space<vmem>>
        %dma_start3A_629 = arith.constant 0 : i32
        %dma_start3A_630 = tpu.memref_slice %arg4[%select_n3A_216, %add3A_219, %dma_start3A_629] : memref<6x65536x48xf32, #tpu.memory_space<hbm>> -> memref<1x128x48xf32, #tpu.memory_space<hbm>>
        %dma_start3A_631 = tpu.memref_squeeze %dma_start3A_630 : memref<1x128x48xf32, #tpu.memory_space<hbm>> -> memref<128x48xf32, #tpu.memory_space<hbm>>
        %dma_start3A_632 = arith.constant 0 : i32
        %dma_start3A_633 = tpu.memref_slice %arg4[%select_n3A_216, %add3A_219, %dma_start3A_632] : memref<6x65536x48xf32, #tpu.memory_space<hbm>> -> memref<1x128x48xf32, #tpu.memory_space<hbm>>
        %dma_start3A_634 = tpu.memref_squeeze %dma_start3A_633 : memref<1x128x48xf32, #tpu.memory_space<hbm>> -> memref<128x48xf32, #tpu.memory_space<hbm>>
        %dma_start3A_635 = arith.constant 0 : i32
        %dma_start3A_636 = arith.constant 0 : i32
        %dma_start3A_637 = tpu.memref_slice %arg7[%run_scoped3A_220, %dma_start3A_635, %dma_start3A_636] : memref<8x128x48xf32, #tpu.memory_space<vmem>> -> memref<1x128x48xf32, #tpu.memory_space<vmem>>
        %dma_start3A_638 = tpu.memref_squeeze %dma_start3A_637 : memref<1x128x48xf32, #tpu.memory_space<vmem>> -> memref<128x48xf32, #tpu.memory_space<vmem>>
        tpu.enqueue_dma source(%dma_start3A_638 : memref<128x48xf32, #tpu.memory_space<vmem>>) target(%dma_start3A_634 : memref<128x48xf32, #tpu.memory_space<hbm>>) target_semaphore(%run_scoped3A_624 : memref<!tpu.dma_semaphore, #tpu.memory_space<semaphore_mem>>)
        %dma_wait3A_639 = arith.constant 0 : i32
        %dma_wait3A_640 = arith.constant 0 : i32
        %dma_wait3A_641 = tpu.memref_slice %arg7[%run_scoped3A_220, %dma_wait3A_639, %dma_wait3A_640] : memref<8x128x48xf32, #tpu.memory_space<vmem>> -> memref<1x128x48xf32, #tpu.memory_space<vmem>>
        %dma_wait3A_642 = tpu.memref_squeeze %dma_wait3A_641 : memref<1x128x48xf32, #tpu.memory_space<vmem>> -> memref<128x48xf32, #tpu.memory_space<vmem>>
        %dma_wait3A_643 = arith.constant 0 : i32
        %dma_wait3A_644 = tpu.memref_slice %arg4[%select_n3A_216, %add3A_219, %dma_wait3A_643] : memref<6x65536x48xf32, #tpu.memory_space<hbm>> -> memref<1x128x48xf32, #tpu.memory_space<hbm>>
        %dma_wait3A_645 = tpu.memref_squeeze %dma_wait3A_644 : memref<1x128x48xf32, #tpu.memory_space<hbm>> -> memref<128x48xf32, #tpu.memory_space<hbm>>
        %dma_wait3A_646 = arith.constant 0 : i32
        %dma_wait3A_647 = tpu.memref_slice %arg4[%select_n3A_216, %add3A_219, %dma_wait3A_646] : memref<6x65536x48xf32, #tpu.memory_space<hbm>> -> memref<1x128x48xf32, #tpu.memory_space<hbm>>
        %dma_wait3A_648 = tpu.memref_squeeze %dma_wait3A_647 : memref<1x128x48xf32, #tpu.memory_space<hbm>> -> memref<128x48xf32, #tpu.memory_space<hbm>>
        %dma_wait3A_649 = arith.constant 0 : i32
        %dma_wait3A_650 = arith.constant 0 : i32
        %dma_wait3A_651 = tpu.memref_slice %arg7[%run_scoped3A_220, %dma_wait3A_649, %dma_wait3A_650] : memref<8x128x48xf32, #tpu.memory_space<vmem>> -> memref<1x128x48xf32, #tpu.memory_space<vmem>>
        %dma_wait3A_652 = tpu.memref_squeeze %dma_wait3A_651 : memref<1x128x48xf32, #tpu.memory_space<vmem>> -> memref<128x48xf32, #tpu.memory_space<vmem>>
        tpu.wait_dma2 semaphore(%run_scoped3A_624 : memref<!tpu.dma_semaphore, #tpu.memory_space<semaphore_mem>>) src(%dma_wait3A_652 : memref<128x48xf32, #tpu.memory_space<vmem>>) dst(%dma_wait3A_648 : memref<128x48xf32, #tpu.memory_space<hbm>>)
        tpu.yield
      }) : () -> ()
      %add3A_221 = arith.constant 8 : i32
      %add3A_222 = arith.addi %add3A_165, %add3A_221 : i32
      %lt3A_223 = arith.constant 96 : i32
      %lt3A_224 = arith.cmpi slt, %add3A_222, %lt3A_223 : i32
      %convert_element_type3A_225 = arith.extui %lt3A_224 : i1 to i32
      %cond3A_226 = arith.constant 0 : i32
      %cond3A_227 = arith.cmpi ne, %convert_element_type3A_225, %cond3A_226 : i32
      scf.if %cond3A_227 {
        %add3A_624 = arith.constant 8 : i32
        %add3A_625 = arith.addi %add3A_165, %add3A_624 : i32
        %dma_start3A_626 = arith.constant 1 : i32
        %dma_start3A_627 = arith.constant 0 : i32
        %dma_start3A_628 = arith.constant 0 : i32
        %dma_start3A_629 = tpu.memref_slice %arg7[%dma_start3A_626, %dma_start3A_627, %dma_start3A_628] : memref<8x128x48xf32, #tpu.memory_space<vmem>> -> memref<1x128x48xf32, #tpu.memory_space<vmem>>
        %dma_start3A_630 = tpu.memref_squeeze %dma_start3A_629 : memref<1x128x48xf32, #tpu.memory_space<vmem>> -> memref<128x48xf32, #tpu.memory_space<vmem>>
        %dma_start3A_631 = arith.constant 0 : i32
        %dma_start3A_632 = tpu.memref_slice %arg6[%add3A_625, %dma_start3A_631] : memref<96x128xi32, #tpu.memory_space<vmem>> -> memref<1x128xi32, #tpu.memory_space<vmem>>
        %dma_start3A_633 = tpu.memref_squeeze %dma_start3A_632 : memref<1x128xi32, #tpu.memory_space<vmem>> -> memref<128xi32, #tpu.memory_space<vmem>>
        %dma_start3A_634 = arith.constant 0 : i32
        %dma_start3A_635 = arith.constant 0 : i32
        %dma_start3A_636 = tpu.memref_slice %arg3[%dma_start3A_634, %dma_start3A_635] : memref<100008x48xf32, #tpu.memory_space<hbm>> -> memref<100008x48xf32, #tpu.memory_space<hbm>>
        tpu.enqueue_indirect_dma source(%dma_start3A_636 : memref<100008x48xf32, #tpu.memory_space<hbm>>) target(%dma_start3A_630 : memref<128x48xf32, #tpu.memory_space<vmem>>) offsets(%dma_start3A_633 : memref<128xi32, #tpu.memory_space<vmem>>) semaphore(%arg9 : memref<!tpu.dma_semaphore, #tpu.memory_space<semaphore_mem>>)
      } else {
      }
      %mul3A_228 = arith.constant 8 : i32
      %mul3A_229 = arith.muli %scan3A_109, %mul3A_228 : i32
      %add3A_230 = arith.constant 2 : i32
      %add3A_231 = arith.addi %mul3A_229, %add3A_230 : i32
      %dma_wait3A_232 = arith.constant 2 : i32
      %dma_wait3A_233 = arith.constant 0 : i32
      %dma_wait3A_234 = arith.constant 0 : i32
      %dma_wait3A_235 = tpu.memref_slice %arg7[%dma_wait3A_232, %dma_wait3A_233, %dma_wait3A_234] : memref<8x128x48xf32, #tpu.memory_space<vmem>> -> memref<1x128x48xf32, #tpu.memory_space<vmem>>
      %dma_wait3A_236 = tpu.memref_squeeze %dma_wait3A_235 : memref<1x128x48xf32, #tpu.memory_space<vmem>> -> memref<128x48xf32, #tpu.memory_space<vmem>>
      %dma_wait3A_237 = arith.constant 0 : i32
      %dma_wait3A_238 = tpu.memref_slice %arg6[%add3A_231, %dma_wait3A_237] : memref<96x128xi32, #tpu.memory_space<vmem>> -> memref<1x128xi32, #tpu.memory_space<vmem>>
      %dma_wait3A_239 = tpu.memref_squeeze %dma_wait3A_238 : memref<1x128xi32, #tpu.memory_space<vmem>> -> memref<128xi32, #tpu.memory_space<vmem>>
      %dma_wait3A_240 = arith.constant 0 : i32
      %dma_wait3A_241 = arith.constant 0 : i32
      %dma_wait3A_242 = tpu.memref_slice %arg3[%dma_wait3A_240, %dma_wait3A_241] : memref<100008x48xf32, #tpu.memory_space<hbm>> -> memref<100008x48xf32, #tpu.memory_space<hbm>>
      tpu.wait_indirect_dma semaphore(%arg10 : memref<!tpu.dma_semaphore, #tpu.memory_space<semaphore_mem>>) src(%dma_wait3A_242 : memref<100008x48xf32, #tpu.memory_space<hbm>>) dst(%dma_wait3A_236 : memref<128x48xf32, #tpu.memory_space<vmem>>)
      %jit3A_243 = arith.constant 6 : i32
      %div3A_244 = arith.divsi %add3A_231, %jit3A_243 : i32
      %sign3A_245 = arith.constant 0 : i32
      %sign3A_246 = arith.cmpi sgt, %add3A_231, %sign3A_245 : i32
      %sign3A_247 = arith.extui %sign3A_246 : i1 to i32
      %sign3A_248 = arith.constant 0 : i32
      %sign3A_249 = arith.cmpi slt, %add3A_231, %sign3A_248 : i32
      %sign3A_250 = arith.extui %sign3A_249 : i1 to i32
      %sign3A_251 = arith.subi %sign3A_247, %sign3A_250 : i32
      %sign3A_252 = arith.constant 0 : i32
      %sign3A_253 = arith.cmpi sgt, %jit3A_243, %sign3A_252 : i32
      %sign3A_254 = arith.extui %sign3A_253 : i1 to i32
      %sign3A_255 = arith.constant 0 : i32
      %sign3A_256 = arith.cmpi slt, %jit3A_243, %sign3A_255 : i32
      %sign3A_257 = arith.extui %sign3A_256 : i1 to i32
      %sign3A_258 = arith.subi %sign3A_254, %sign3A_257 : i32
      %ne3A_259 = arith.cmpi ne, %sign3A_251, %sign3A_258 : i32
      %rem3A_260 = arith.remsi %add3A_231, %jit3A_243 : i32
      %ne3A_261 = arith.constant 0 : i32
      %ne3A_262 = arith.cmpi ne, %rem3A_260, %ne3A_261 : i32
      %and3A_263 = arith.andi %ne3A_259, %ne3A_262 : i1
      %sub3A_264 = arith.constant 1 : i32
      %sub3A_265 = arith.subi %div3A_244, %sub3A_264 : i32
      %select_n3A_266 = arith.select %and3A_263, %sub3A_265, %div3A_244 : i32
      %jit3A_267 = arith.constant 6 : i32
      %eq3A_268 = arith.constant 0 : i32
      %eq3A_269 = arith.cmpi eq, %jit3A_267, %eq3A_268 : i32
      %jit3A_270 = arith.constant 1 : i32
      %select_n3A_271 = arith.select %eq3A_269, %jit3A_270, %jit3A_267 : i32
      %rem3A_272 = arith.remsi %add3A_231, %select_n3A_271 : i32
      %ne3A_273 = arith.constant 0 : i32
      %ne3A_274 = arith.cmpi ne, %rem3A_272, %ne3A_273 : i32
      %lt3A_275 = arith.constant 0 : i32
      %lt3A_276 = arith.cmpi slt, %rem3A_272, %lt3A_275 : i32
      %lt3A_277 = arith.constant 0 : i32
      %lt3A_278 = arith.cmpi slt, %select_n3A_271, %lt3A_277 : i32
      %ne3A_279 = arith.xori %lt3A_276, %lt3A_278 : i1
      %and3A_280 = arith.andi %ne3A_279, %ne3A_274 : i1
      %add3A_281 = arith.addi %rem3A_272, %select_n3A_271 : i32
      %select_n3A_282 = arith.select %and3A_280, %add3A_281, %rem3A_272 : i32
      %mul3A_283 = arith.constant 128 : i32
      %mul3A_284 = arith.muli %select_n3A_266, %mul3A_283 : i32
      %add3A_285 = arith.addi %mul3A_2, %mul3A_284 : i32
      %run_scoped3A_286 = arith.constant 2 : i32
      "tpu.region"() ({
        %run_scoped3A_624 = tpu.sem_alloc : memref<!tpu.dma_semaphore, #tpu.memory_space<semaphore_mem>>
        %dma_start3A_625 = arith.constant 0 : i32
        %dma_start3A_626 = arith.constant 0 : i32
        %dma_start3A_627 = tpu.memref_slice %arg7[%run_scoped3A_286, %dma_start3A_625, %dma_start3A_626] : memref<8x128x48xf32, #tpu.memory_space<vmem>> -> memref<1x128x48xf32, #tpu.memory_space<vmem>>
        %dma_start3A_628 = tpu.memref_squeeze %dma_start3A_627 : memref<1x128x48xf32, #tpu.memory_space<vmem>> -> memref<128x48xf32, #tpu.memory_space<vmem>>
        %dma_start3A_629 = arith.constant 0 : i32
        %dma_start3A_630 = tpu.memref_slice %arg4[%select_n3A_282, %add3A_285, %dma_start3A_629] : memref<6x65536x48xf32, #tpu.memory_space<hbm>> -> memref<1x128x48xf32, #tpu.memory_space<hbm>>
        %dma_start3A_631 = tpu.memref_squeeze %dma_start3A_630 : memref<1x128x48xf32, #tpu.memory_space<hbm>> -> memref<128x48xf32, #tpu.memory_space<hbm>>
        %dma_start3A_632 = arith.constant 0 : i32
        %dma_start3A_633 = tpu.memref_slice %arg4[%select_n3A_282, %add3A_285, %dma_start3A_632] : memref<6x65536x48xf32, #tpu.memory_space<hbm>> -> memref<1x128x48xf32, #tpu.memory_space<hbm>>
        %dma_start3A_634 = tpu.memref_squeeze %dma_start3A_633 : memref<1x128x48xf32, #tpu.memory_space<hbm>> -> memref<128x48xf32, #tpu.memory_space<hbm>>
        %dma_start3A_635 = arith.constant 0 : i32
        %dma_start3A_636 = arith.constant 0 : i32
        %dma_start3A_637 = tpu.memref_slice %arg7[%run_scoped3A_286, %dma_start3A_635, %dma_start3A_636] : memref<8x128x48xf32, #tpu.memory_space<vmem>> -> memref<1x128x48xf32, #tpu.memory_space<vmem>>
        %dma_start3A_638 = tpu.memref_squeeze %dma_start3A_637 : memref<1x128x48xf32, #tpu.memory_space<vmem>> -> memref<128x48xf32, #tpu.memory_space<vmem>>
        tpu.enqueue_dma source(%dma_start3A_638 : memref<128x48xf32, #tpu.memory_space<vmem>>) target(%dma_start3A_634 : memref<128x48xf32, #tpu.memory_space<hbm>>) target_semaphore(%run_scoped3A_624 : memref<!tpu.dma_semaphore, #tpu.memory_space<semaphore_mem>>)
        %dma_wait3A_639 = arith.constant 0 : i32
        %dma_wait3A_640 = arith.constant 0 : i32
        %dma_wait3A_641 = tpu.memref_slice %arg7[%run_scoped3A_286, %dma_wait3A_639, %dma_wait3A_640] : memref<8x128x48xf32, #tpu.memory_space<vmem>> -> memref<1x128x48xf32, #tpu.memory_space<vmem>>
        %dma_wait3A_642 = tpu.memref_squeeze %dma_wait3A_641 : memref<1x128x48xf32, #tpu.memory_space<vmem>> -> memref<128x48xf32, #tpu.memory_space<vmem>>
        %dma_wait3A_643 = arith.constant 0 : i32
        %dma_wait3A_644 = tpu.memref_slice %arg4[%select_n3A_282, %add3A_285, %dma_wait3A_643] : memref<6x65536x48xf32, #tpu.memory_space<hbm>> -> memref<1x128x48xf32, #tpu.memory_space<hbm>>
        %dma_wait3A_645 = tpu.memref_squeeze %dma_wait3A_644 : memref<1x128x48xf32, #tpu.memory_space<hbm>> -> memref<128x48xf32, #tpu.memory_space<hbm>>
        %dma_wait3A_646 = arith.constant 0 : i32
        %dma_wait3A_647 = tpu.memref_slice %arg4[%select_n3A_282, %add3A_285, %dma_wait3A_646] : memref<6x65536x48xf32, #tpu.memory_space<hbm>> -> memref<1x128x48xf32, #tpu.memory_space<hbm>>
        %dma_wait3A_648 = tpu.memref_squeeze %dma_wait3A_647 : memref<1x128x48xf32, #tpu.memory_space<hbm>> -> memref<128x48xf32, #tpu.memory_space<hbm>>
        %dma_wait3A_649 = arith.constant 0 : i32
        %dma_wait3A_650 = arith.constant 0 : i32
        %dma_wait3A_651 = tpu.memref_slice %arg7[%run_scoped3A_286, %dma_wait3A_649, %dma_wait3A_650] : memref<8x128x48xf32, #tpu.memory_space<vmem>> -> memref<1x128x48xf32, #tpu.memory_space<vmem>>
        %dma_wait3A_652 = tpu.memref_squeeze %dma_wait3A_651 : memref<1x128x48xf32, #tpu.memory_space<vmem>> -> memref<128x48xf32, #tpu.memory_space<vmem>>
        tpu.wait_dma2 semaphore(%run_scoped3A_624 : memref<!tpu.dma_semaphore, #tpu.memory_space<semaphore_mem>>) src(%dma_wait3A_652 : memref<128x48xf32, #tpu.memory_space<vmem>>) dst(%dma_wait3A_648 : memref<128x48xf32, #tpu.memory_space<hbm>>)
        tpu.yield
      }) : () -> ()
      %add3A_287 = arith.constant 8 : i32
      %add3A_288 = arith.addi %add3A_231, %add3A_287 : i32
      %lt3A_289 = arith.constant 96 : i32
      %lt3A_290 = arith.cmpi slt, %add3A_288, %lt3A_289 : i32
      %convert_element_type3A_291 = arith.extui %lt3A_290 : i1 to i32
      %cond3A_292 = arith.constant 0 : i32
      %cond3A_293 = arith.cmpi ne, %convert_element_type3A_291, %cond3A_292 : i32
      scf.if %cond3A_293 {
        %add3A_624 = arith.constant 8 : i32
        %add3A_625 = arith.addi %add3A_231, %add3A_624 : i32
        %dma_start3A_626 = arith.constant 2 : i32
        %dma_start3A_627 = arith.constant 0 : i32
        %dma_start3A_628 = arith.constant 0 : i32
        %dma_start3A_629 = tpu.memref_slice %arg7[%dma_start3A_626, %dma_start3A_627, %dma_start3A_628] : memref<8x128x48xf32, #tpu.memory_space<vmem>> -> memref<1x128x48xf32, #tpu.memory_space<vmem>>
        %dma_start3A_630 = tpu.memref_squeeze %dma_start3A_629 : memref<1x128x48xf32, #tpu.memory_space<vmem>> -> memref<128x48xf32, #tpu.memory_space<vmem>>
        %dma_start3A_631 = arith.constant 0 : i32
        %dma_start3A_632 = tpu.memref_slice %arg6[%add3A_625, %dma_start3A_631] : memref<96x128xi32, #tpu.memory_space<vmem>> -> memref<1x128xi32, #tpu.memory_space<vmem>>
        %dma_start3A_633 = tpu.memref_squeeze %dma_start3A_632 : memref<1x128xi32, #tpu.memory_space<vmem>> -> memref<128xi32, #tpu.memory_space<vmem>>
        %dma_start3A_634 = arith.constant 0 : i32
        %dma_start3A_635 = arith.constant 0 : i32
        %dma_start3A_636 = tpu.memref_slice %arg3[%dma_start3A_634, %dma_start3A_635] : memref<100008x48xf32, #tpu.memory_space<hbm>> -> memref<100008x48xf32, #tpu.memory_space<hbm>>
        tpu.enqueue_indirect_dma source(%dma_start3A_636 : memref<100008x48xf32, #tpu.memory_space<hbm>>) target(%dma_start3A_630 : memref<128x48xf32, #tpu.memory_space<vmem>>) offsets(%dma_start3A_633 : memref<128xi32, #tpu.memory_space<vmem>>) semaphore(%arg10 : memref<!tpu.dma_semaphore, #tpu.memory_space<semaphore_mem>>)
      } else {
      }
      %mul3A_294 = arith.constant 8 : i32
      %mul3A_295 = arith.muli %scan3A_109, %mul3A_294 : i32
      %add3A_296 = arith.constant 3 : i32
      %add3A_297 = arith.addi %mul3A_295, %add3A_296 : i32
      %dma_wait3A_298 = arith.constant 3 : i32
      %dma_wait3A_299 = arith.constant 0 : i32
      %dma_wait3A_300 = arith.constant 0 : i32
      %dma_wait3A_301 = tpu.memref_slice %arg7[%dma_wait3A_298, %dma_wait3A_299, %dma_wait3A_300] : memref<8x128x48xf32, #tpu.memory_space<vmem>> -> memref<1x128x48xf32, #tpu.memory_space<vmem>>
      %dma_wait3A_302 = tpu.memref_squeeze %dma_wait3A_301 : memref<1x128x48xf32, #tpu.memory_space<vmem>> -> memref<128x48xf32, #tpu.memory_space<vmem>>
      %dma_wait3A_303 = arith.constant 0 : i32
      %dma_wait3A_304 = tpu.memref_slice %arg6[%add3A_297, %dma_wait3A_303] : memref<96x128xi32, #tpu.memory_space<vmem>> -> memref<1x128xi32, #tpu.memory_space<vmem>>
      %dma_wait3A_305 = tpu.memref_squeeze %dma_wait3A_304 : memref<1x128xi32, #tpu.memory_space<vmem>> -> memref<128xi32, #tpu.memory_space<vmem>>
      %dma_wait3A_306 = arith.constant 0 : i32
      %dma_wait3A_307 = arith.constant 0 : i32
      %dma_wait3A_308 = tpu.memref_slice %arg3[%dma_wait3A_306, %dma_wait3A_307] : memref<100008x48xf32, #tpu.memory_space<hbm>> -> memref<100008x48xf32, #tpu.memory_space<hbm>>
      tpu.wait_indirect_dma semaphore(%arg11 : memref<!tpu.dma_semaphore, #tpu.memory_space<semaphore_mem>>) src(%dma_wait3A_308 : memref<100008x48xf32, #tpu.memory_space<hbm>>) dst(%dma_wait3A_302 : memref<128x48xf32, #tpu.memory_space<vmem>>)
      %jit3A_309 = arith.constant 6 : i32
      %div3A_310 = arith.divsi %add3A_297, %jit3A_309 : i32
      %sign3A_311 = arith.constant 0 : i32
      %sign3A_312 = arith.cmpi sgt, %add3A_297, %sign3A_311 : i32
      %sign3A_313 = arith.extui %sign3A_312 : i1 to i32
      %sign3A_314 = arith.constant 0 : i32
      %sign3A_315 = arith.cmpi slt, %add3A_297, %sign3A_314 : i32
      %sign3A_316 = arith.extui %sign3A_315 : i1 to i32
      %sign3A_317 = arith.subi %sign3A_313, %sign3A_316 : i32
      %sign3A_318 = arith.constant 0 : i32
      %sign3A_319 = arith.cmpi sgt, %jit3A_309, %sign3A_318 : i32
      %sign3A_320 = arith.extui %sign3A_319 : i1 to i32
      %sign3A_321 = arith.constant 0 : i32
      %sign3A_322 = arith.cmpi slt, %jit3A_309, %sign3A_321 : i32
      %sign3A_323 = arith.extui %sign3A_322 : i1 to i32
      %sign3A_324 = arith.subi %sign3A_320, %sign3A_323 : i32
      %ne3A_325 = arith.cmpi ne, %sign3A_317, %sign3A_324 : i32
      %rem3A_326 = arith.remsi %add3A_297, %jit3A_309 : i32
      %ne3A_327 = arith.constant 0 : i32
      %ne3A_328 = arith.cmpi ne, %rem3A_326, %ne3A_327 : i32
      %and3A_329 = arith.andi %ne3A_325, %ne3A_328 : i1
      %sub3A_330 = arith.constant 1 : i32
      %sub3A_331 = arith.subi %div3A_310, %sub3A_330 : i32
      %select_n3A_332 = arith.select %and3A_329, %sub3A_331, %div3A_310 : i32
      %jit3A_333 = arith.constant 6 : i32
      %eq3A_334 = arith.constant 0 : i32
      %eq3A_335 = arith.cmpi eq, %jit3A_333, %eq3A_334 : i32
      %jit3A_336 = arith.constant 1 : i32
      %select_n3A_337 = arith.select %eq3A_335, %jit3A_336, %jit3A_333 : i32
      %rem3A_338 = arith.remsi %add3A_297, %select_n3A_337 : i32
      %ne3A_339 = arith.constant 0 : i32
      %ne3A_340 = arith.cmpi ne, %rem3A_338, %ne3A_339 : i32
      %lt3A_341 = arith.constant 0 : i32
      %lt3A_342 = arith.cmpi slt, %rem3A_338, %lt3A_341 : i32
      %lt3A_343 = arith.constant 0 : i32
      %lt3A_344 = arith.cmpi slt, %select_n3A_337, %lt3A_343 : i32
      %ne3A_345 = arith.xori %lt3A_342, %lt3A_344 : i1
      %and3A_346 = arith.andi %ne3A_345, %ne3A_340 : i1
      %add3A_347 = arith.addi %rem3A_338, %select_n3A_337 : i32
      %select_n3A_348 = arith.select %and3A_346, %add3A_347, %rem3A_338 : i32
      %mul3A_349 = arith.constant 128 : i32
      %mul3A_350 = arith.muli %select_n3A_332, %mul3A_349 : i32
      %add3A_351 = arith.addi %mul3A_2, %mul3A_350 : i32
      %run_scoped3A_352 = arith.constant 3 : i32
      "tpu.region"() ({
        %run_scoped3A_624 = tpu.sem_alloc : memref<!tpu.dma_semaphore, #tpu.memory_space<semaphore_mem>>
        %dma_start3A_625 = arith.constant 0 : i32
        %dma_start3A_626 = arith.constant 0 : i32
        %dma_start3A_627 = tpu.memref_slice %arg7[%run_scoped3A_352, %dma_start3A_625, %dma_start3A_626] : memref<8x128x48xf32, #tpu.memory_space<vmem>> -> memref<1x128x48xf32, #tpu.memory_space<vmem>>
        %dma_start3A_628 = tpu.memref_squeeze %dma_start3A_627 : memref<1x128x48xf32, #tpu.memory_space<vmem>> -> memref<128x48xf32, #tpu.memory_space<vmem>>
        %dma_start3A_629 = arith.constant 0 : i32
        %dma_start3A_630 = tpu.memref_slice %arg4[%select_n3A_348, %add3A_351, %dma_start3A_629] : memref<6x65536x48xf32, #tpu.memory_space<hbm>> -> memref<1x128x48xf32, #tpu.memory_space<hbm>>
        %dma_start3A_631 = tpu.memref_squeeze %dma_start3A_630 : memref<1x128x48xf32, #tpu.memory_space<hbm>> -> memref<128x48xf32, #tpu.memory_space<hbm>>
        %dma_start3A_632 = arith.constant 0 : i32
        %dma_start3A_633 = tpu.memref_slice %arg4[%select_n3A_348, %add3A_351, %dma_start3A_632] : memref<6x65536x48xf32, #tpu.memory_space<hbm>> -> memref<1x128x48xf32, #tpu.memory_space<hbm>>
        %dma_start3A_634 = tpu.memref_squeeze %dma_start3A_633 : memref<1x128x48xf32, #tpu.memory_space<hbm>> -> memref<128x48xf32, #tpu.memory_space<hbm>>
        %dma_start3A_635 = arith.constant 0 : i32
        %dma_start3A_636 = arith.constant 0 : i32
        %dma_start3A_637 = tpu.memref_slice %arg7[%run_scoped3A_352, %dma_start3A_635, %dma_start3A_636] : memref<8x128x48xf32, #tpu.memory_space<vmem>> -> memref<1x128x48xf32, #tpu.memory_space<vmem>>
        %dma_start3A_638 = tpu.memref_squeeze %dma_start3A_637 : memref<1x128x48xf32, #tpu.memory_space<vmem>> -> memref<128x48xf32, #tpu.memory_space<vmem>>
        tpu.enqueue_dma source(%dma_start3A_638 : memref<128x48xf32, #tpu.memory_space<vmem>>) target(%dma_start3A_634 : memref<128x48xf32, #tpu.memory_space<hbm>>) target_semaphore(%run_scoped3A_624 : memref<!tpu.dma_semaphore, #tpu.memory_space<semaphore_mem>>)
        %dma_wait3A_639 = arith.constant 0 : i32
        %dma_wait3A_640 = arith.constant 0 : i32
        %dma_wait3A_641 = tpu.memref_slice %arg7[%run_scoped3A_352, %dma_wait3A_639, %dma_wait3A_640] : memref<8x128x48xf32, #tpu.memory_space<vmem>> -> memref<1x128x48xf32, #tpu.memory_space<vmem>>
        %dma_wait3A_642 = tpu.memref_squeeze %dma_wait3A_641 : memref<1x128x48xf32, #tpu.memory_space<vmem>> -> memref<128x48xf32, #tpu.memory_space<vmem>>
        %dma_wait3A_643 = arith.constant 0 : i32
        %dma_wait3A_644 = tpu.memref_slice %arg4[%select_n3A_348, %add3A_351, %dma_wait3A_643] : memref<6x65536x48xf32, #tpu.memory_space<hbm>> -> memref<1x128x48xf32, #tpu.memory_space<hbm>>
        %dma_wait3A_645 = tpu.memref_squeeze %dma_wait3A_644 : memref<1x128x48xf32, #tpu.memory_space<hbm>> -> memref<128x48xf32, #tpu.memory_space<hbm>>
        %dma_wait3A_646 = arith.constant 0 : i32
        %dma_wait3A_647 = tpu.memref_slice %arg4[%select_n3A_348, %add3A_351, %dma_wait3A_646] : memref<6x65536x48xf32, #tpu.memory_space<hbm>> -> memref<1x128x48xf32, #tpu.memory_space<hbm>>
        %dma_wait3A_648 = tpu.memref_squeeze %dma_wait3A_647 : memref<1x128x48xf32, #tpu.memory_space<hbm>> -> memref<128x48xf32, #tpu.memory_space<hbm>>
        %dma_wait3A_649 = arith.constant 0 : i32
        %dma_wait3A_650 = arith.constant 0 : i32
        %dma_wait3A_651 = tpu.memref_slice %arg7[%run_scoped3A_352, %dma_wait3A_649, %dma_wait3A_650] : memref<8x128x48xf32, #tpu.memory_space<vmem>> -> memref<1x128x48xf32, #tpu.memory_space<vmem>>
        %dma_wait3A_652 = tpu.memref_squeeze %dma_wait3A_651 : memref<1x128x48xf32, #tpu.memory_space<vmem>> -> memref<128x48xf32, #tpu.memory_space<vmem>>
        tpu.wait_dma2 semaphore(%run_scoped3A_624 : memref<!tpu.dma_semaphore, #tpu.memory_space<semaphore_mem>>) src(%dma_wait3A_652 : memref<128x48xf32, #tpu.memory_space<vmem>>) dst(%dma_wait3A_648 : memref<128x48xf32, #tpu.memory_space<hbm>>)
        tpu.yield
      }) : () -> ()
      %add3A_353 = arith.constant 8 : i32
      %add3A_354 = arith.addi %add3A_297, %add3A_353 : i32
      %lt3A_355 = arith.constant 96 : i32
      %lt3A_356 = arith.cmpi slt, %add3A_354, %lt3A_355 : i32
      %convert_element_type3A_357 = arith.extui %lt3A_356 : i1 to i32
      %cond3A_358 = arith.constant 0 : i32
      %cond3A_359 = arith.cmpi ne, %convert_element_type3A_357, %cond3A_358 : i32
      scf.if %cond3A_359 {
        %add3A_624 = arith.constant 8 : i32
        %add3A_625 = arith.addi %add3A_297, %add3A_624 : i32
        %dma_start3A_626 = arith.constant 3 : i32
        %dma_start3A_627 = arith.constant 0 : i32
        %dma_start3A_628 = arith.constant 0 : i32
        %dma_start3A_629 = tpu.memref_slice %arg7[%dma_start3A_626, %dma_start3A_627, %dma_start3A_628] : memref<8x128x48xf32, #tpu.memory_space<vmem>> -> memref<1x128x48xf32, #tpu.memory_space<vmem>>
        %dma_start3A_630 = tpu.memref_squeeze %dma_start3A_629 : memref<1x128x48xf32, #tpu.memory_space<vmem>> -> memref<128x48xf32, #tpu.memory_space<vmem>>
        %dma_start3A_631 = arith.constant 0 : i32
        %dma_start3A_632 = tpu.memref_slice %arg6[%add3A_625, %dma_start3A_631] : memref<96x128xi32, #tpu.memory_space<vmem>> -> memref<1x128xi32, #tpu.memory_space<vmem>>
        %dma_start3A_633 = tpu.memref_squeeze %dma_start3A_632 : memref<1x128xi32, #tpu.memory_space<vmem>> -> memref<128xi32, #tpu.memory_space<vmem>>
        %dma_start3A_634 = arith.constant 0 : i32
        %dma_start3A_635 = arith.constant 0 : i32
        %dma_start3A_636 = tpu.memref_slice %arg3[%dma_start3A_634, %dma_start3A_635] : memref<100008x48xf32, #tpu.memory_space<hbm>> -> memref<100008x48xf32, #tpu.memory_space<hbm>>
        tpu.enqueue_indirect_dma source(%dma_start3A_636 : memref<100008x48xf32, #tpu.memory_space<hbm>>) target(%dma_start3A_630 : memref<128x48xf32, #tpu.memory_space<vmem>>) offsets(%dma_start3A_633 : memref<128xi32, #tpu.memory_space<vmem>>) semaphore(%arg11 : memref<!tpu.dma_semaphore, #tpu.memory_space<semaphore_mem>>)
      } else {
      }
      %mul3A_360 = arith.constant 8 : i32
      %mul3A_361 = arith.muli %scan3A_109, %mul3A_360 : i32
      %add3A_362 = arith.constant 4 : i32
      %add3A_363 = arith.addi %mul3A_361, %add3A_362 : i32
      %dma_wait3A_364 = arith.constant 4 : i32
      %dma_wait3A_365 = arith.constant 0 : i32
      %dma_wait3A_366 = arith.constant 0 : i32
      %dma_wait3A_367 = tpu.memref_slice %arg7[%dma_wait3A_364, %dma_wait3A_365, %dma_wait3A_366] : memref<8x128x48xf32, #tpu.memory_space<vmem>> -> memref<1x128x48xf32, #tpu.memory_space<vmem>>
      %dma_wait3A_368 = tpu.memref_squeeze %dma_wait3A_367 : memref<1x128x48xf32, #tpu.memory_space<vmem>> -> memref<128x48xf32, #tpu.memory_space<vmem>>
      %dma_wait3A_369 = arith.constant 0 : i32
      %dma_wait3A_370 = tpu.memref_slice %arg6[%add3A_363, %dma_wait3A_369] : memref<96x128xi32, #tpu.memory_space<vmem>> -> memref<1x128xi32, #tpu.memory_space<vmem>>
      %dma_wait3A_371 = tpu.memref_squeeze %dma_wait3A_370 : memref<1x128xi32, #tpu.memory_space<vmem>> -> memref<128xi32, #tpu.memory_space<vmem>>
      %dma_wait3A_372 = arith.constant 0 : i32
      %dma_wait3A_373 = arith.constant 0 : i32
      %dma_wait3A_374 = tpu.memref_slice %arg3[%dma_wait3A_372, %dma_wait3A_373] : memref<100008x48xf32, #tpu.memory_space<hbm>> -> memref<100008x48xf32, #tpu.memory_space<hbm>>
      tpu.wait_indirect_dma semaphore(%arg12 : memref<!tpu.dma_semaphore, #tpu.memory_space<semaphore_mem>>) src(%dma_wait3A_374 : memref<100008x48xf32, #tpu.memory_space<hbm>>) dst(%dma_wait3A_368 : memref<128x48xf32, #tpu.memory_space<vmem>>)
      %jit3A_375 = arith.constant 6 : i32
      %div3A_376 = arith.divsi %add3A_363, %jit3A_375 : i32
      %sign3A_377 = arith.constant 0 : i32
      %sign3A_378 = arith.cmpi sgt, %add3A_363, %sign3A_377 : i32
      %sign3A_379 = arith.extui %sign3A_378 : i1 to i32
      %sign3A_380 = arith.constant 0 : i32
      %sign3A_381 = arith.cmpi slt, %add3A_363, %sign3A_380 : i32
      %sign3A_382 = arith.extui %sign3A_381 : i1 to i32
      %sign3A_383 = arith.subi %sign3A_379, %sign3A_382 : i32
      %sign3A_384 = arith.constant 0 : i32
      %sign3A_385 = arith.cmpi sgt, %jit3A_375, %sign3A_384 : i32
      %sign3A_386 = arith.extui %sign3A_385 : i1 to i32
      %sign3A_387 = arith.constant 0 : i32
      %sign3A_388 = arith.cmpi slt, %jit3A_375, %sign3A_387 : i32
      %sign3A_389 = arith.extui %sign3A_388 : i1 to i32
      %sign3A_390 = arith.subi %sign3A_386, %sign3A_389 : i32
      %ne3A_391 = arith.cmpi ne, %sign3A_383, %sign3A_390 : i32
      %rem3A_392 = arith.remsi %add3A_363, %jit3A_375 : i32
      %ne3A_393 = arith.constant 0 : i32
      %ne3A_394 = arith.cmpi ne, %rem3A_392, %ne3A_393 : i32
      %and3A_395 = arith.andi %ne3A_391, %ne3A_394 : i1
      %sub3A_396 = arith.constant 1 : i32
      %sub3A_397 = arith.subi %div3A_376, %sub3A_396 : i32
      %select_n3A_398 = arith.select %and3A_395, %sub3A_397, %div3A_376 : i32
      %jit3A_399 = arith.constant 6 : i32
      %eq3A_400 = arith.constant 0 : i32
      %eq3A_401 = arith.cmpi eq, %jit3A_399, %eq3A_400 : i32
      %jit3A_402 = arith.constant 1 : i32
      %select_n3A_403 = arith.select %eq3A_401, %jit3A_402, %jit3A_399 : i32
      %rem3A_404 = arith.remsi %add3A_363, %select_n3A_403 : i32
      %ne3A_405 = arith.constant 0 : i32
      %ne3A_406 = arith.cmpi ne, %rem3A_404, %ne3A_405 : i32
      %lt3A_407 = arith.constant 0 : i32
      %lt3A_408 = arith.cmpi slt, %rem3A_404, %lt3A_407 : i32
      %lt3A_409 = arith.constant 0 : i32
      %lt3A_410 = arith.cmpi slt, %select_n3A_403, %lt3A_409 : i32
      %ne3A_411 = arith.xori %lt3A_408, %lt3A_410 : i1
      %and3A_412 = arith.andi %ne3A_411, %ne3A_406 : i1
      %add3A_413 = arith.addi %rem3A_404, %select_n3A_403 : i32
      %select_n3A_414 = arith.select %and3A_412, %add3A_413, %rem3A_404 : i32
      %mul3A_415 = arith.constant 128 : i32
      %mul3A_416 = arith.muli %select_n3A_398, %mul3A_415 : i32
      %add3A_417 = arith.addi %mul3A_2, %mul3A_416 : i32
      %run_scoped3A_418 = arith.constant 4 : i32
      "tpu.region"() ({
        %run_scoped3A_624 = tpu.sem_alloc : memref<!tpu.dma_semaphore, #tpu.memory_space<semaphore_mem>>
        %dma_start3A_625 = arith.constant 0 : i32
        %dma_start3A_626 = arith.constant 0 : i32
        %dma_start3A_627 = tpu.memref_slice %arg7[%run_scoped3A_418, %dma_start3A_625, %dma_start3A_626] : memref<8x128x48xf32, #tpu.memory_space<vmem>> -> memref<1x128x48xf32, #tpu.memory_space<vmem>>
        %dma_start3A_628 = tpu.memref_squeeze %dma_start3A_627 : memref<1x128x48xf32, #tpu.memory_space<vmem>> -> memref<128x48xf32, #tpu.memory_space<vmem>>
        %dma_start3A_629 = arith.constant 0 : i32
        %dma_start3A_630 = tpu.memref_slice %arg4[%select_n3A_414, %add3A_417, %dma_start3A_629] : memref<6x65536x48xf32, #tpu.memory_space<hbm>> -> memref<1x128x48xf32, #tpu.memory_space<hbm>>
        %dma_start3A_631 = tpu.memref_squeeze %dma_start3A_630 : memref<1x128x48xf32, #tpu.memory_space<hbm>> -> memref<128x48xf32, #tpu.memory_space<hbm>>
        %dma_start3A_632 = arith.constant 0 : i32
        %dma_start3A_633 = tpu.memref_slice %arg4[%select_n3A_414, %add3A_417, %dma_start3A_632] : memref<6x65536x48xf32, #tpu.memory_space<hbm>> -> memref<1x128x48xf32, #tpu.memory_space<hbm>>
        %dma_start3A_634 = tpu.memref_squeeze %dma_start3A_633 : memref<1x128x48xf32, #tpu.memory_space<hbm>> -> memref<128x48xf32, #tpu.memory_space<hbm>>
        %dma_start3A_635 = arith.constant 0 : i32
        %dma_start3A_636 = arith.constant 0 : i32
        %dma_start3A_637 = tpu.memref_slice %arg7[%run_scoped3A_418, %dma_start3A_635, %dma_start3A_636] : memref<8x128x48xf32, #tpu.memory_space<vmem>> -> memref<1x128x48xf32, #tpu.memory_space<vmem>>
        %dma_start3A_638 = tpu.memref_squeeze %dma_start3A_637 : memref<1x128x48xf32, #tpu.memory_space<vmem>> -> memref<128x48xf32, #tpu.memory_space<vmem>>
        tpu.enqueue_dma source(%dma_start3A_638 : memref<128x48xf32, #tpu.memory_space<vmem>>) target(%dma_start3A_634 : memref<128x48xf32, #tpu.memory_space<hbm>>) target_semaphore(%run_scoped3A_624 : memref<!tpu.dma_semaphore, #tpu.memory_space<semaphore_mem>>)
        %dma_wait3A_639 = arith.constant 0 : i32
        %dma_wait3A_640 = arith.constant 0 : i32
        %dma_wait3A_641 = tpu.memref_slice %arg7[%run_scoped3A_418, %dma_wait3A_639, %dma_wait3A_640] : memref<8x128x48xf32, #tpu.memory_space<vmem>> -> memref<1x128x48xf32, #tpu.memory_space<vmem>>
        %dma_wait3A_642 = tpu.memref_squeeze %dma_wait3A_641 : memref<1x128x48xf32, #tpu.memory_space<vmem>> -> memref<128x48xf32, #tpu.memory_space<vmem>>
        %dma_wait3A_643 = arith.constant 0 : i32
        %dma_wait3A_644 = tpu.memref_slice %arg4[%select_n3A_414, %add3A_417, %dma_wait3A_643] : memref<6x65536x48xf32, #tpu.memory_space<hbm>> -> memref<1x128x48xf32, #tpu.memory_space<hbm>>
        %dma_wait3A_645 = tpu.memref_squeeze %dma_wait3A_644 : memref<1x128x48xf32, #tpu.memory_space<hbm>> -> memref<128x48xf32, #tpu.memory_space<hbm>>
        %dma_wait3A_646 = arith.constant 0 : i32
        %dma_wait3A_647 = tpu.memref_slice %arg4[%select_n3A_414, %add3A_417, %dma_wait3A_646] : memref<6x65536x48xf32, #tpu.memory_space<hbm>> -> memref<1x128x48xf32, #tpu.memory_space<hbm>>
        %dma_wait3A_648 = tpu.memref_squeeze %dma_wait3A_647 : memref<1x128x48xf32, #tpu.memory_space<hbm>> -> memref<128x48xf32, #tpu.memory_space<hbm>>
        %dma_wait3A_649 = arith.constant 0 : i32
        %dma_wait3A_650 = arith.constant 0 : i32
        %dma_wait3A_651 = tpu.memref_slice %arg7[%run_scoped3A_418, %dma_wait3A_649, %dma_wait3A_650] : memref<8x128x48xf32, #tpu.memory_space<vmem>> -> memref<1x128x48xf32, #tpu.memory_space<vmem>>
        %dma_wait3A_652 = tpu.memref_squeeze %dma_wait3A_651 : memref<1x128x48xf32, #tpu.memory_space<vmem>> -> memref<128x48xf32, #tpu.memory_space<vmem>>
        tpu.wait_dma2 semaphore(%run_scoped3A_624 : memref<!tpu.dma_semaphore, #tpu.memory_space<semaphore_mem>>) src(%dma_wait3A_652 : memref<128x48xf32, #tpu.memory_space<vmem>>) dst(%dma_wait3A_648 : memref<128x48xf32, #tpu.memory_space<hbm>>)
        tpu.yield
      }) : () -> ()
      %add3A_419 = arith.constant 8 : i32
      %add3A_420 = arith.addi %add3A_363, %add3A_419 : i32
      %lt3A_421 = arith.constant 96 : i32
      %lt3A_422 = arith.cmpi slt, %add3A_420, %lt3A_421 : i32
      %convert_element_type3A_423 = arith.extui %lt3A_422 : i1 to i32
      %cond3A_424 = arith.constant 0 : i32
      %cond3A_425 = arith.cmpi ne, %convert_element_type3A_423, %cond3A_424 : i32
      scf.if %cond3A_425 {
        %add3A_624 = arith.constant 8 : i32
        %add3A_625 = arith.addi %add3A_363, %add3A_624 : i32
        %dma_start3A_626 = arith.constant 4 : i32
        %dma_start3A_627 = arith.constant 0 : i32
        %dma_start3A_628 = arith.constant 0 : i32
        %dma_start3A_629 = tpu.memref_slice %arg7[%dma_start3A_626, %dma_start3A_627, %dma_start3A_628] : memref<8x128x48xf32, #tpu.memory_space<vmem>> -> memref<1x128x48xf32, #tpu.memory_space<vmem>>
        %dma_start3A_630 = tpu.memref_squeeze %dma_start3A_629 : memref<1x128x48xf32, #tpu.memory_space<vmem>> -> memref<128x48xf32, #tpu.memory_space<vmem>>
        %dma_start3A_631 = arith.constant 0 : i32
        %dma_start3A_632 = tpu.memref_slice %arg6[%add3A_625, %dma_start3A_631] : memref<96x128xi32, #tpu.memory_space<vmem>> -> memref<1x128xi32, #tpu.memory_space<vmem>>
        %dma_start3A_633 = tpu.memref_squeeze %dma_start3A_632 : memref<1x128xi32, #tpu.memory_space<vmem>> -> memref<128xi32, #tpu.memory_space<vmem>>
        %dma_start3A_634 = arith.constant 0 : i32
        %dma_start3A_635 = arith.constant 0 : i32
        %dma_start3A_636 = tpu.memref_slice %arg3[%dma_start3A_634, %dma_start3A_635] : memref<100008x48xf32, #tpu.memory_space<hbm>> -> memref<100008x48xf32, #tpu.memory_space<hbm>>
        tpu.enqueue_indirect_dma source(%dma_start3A_636 : memref<100008x48xf32, #tpu.memory_space<hbm>>) target(%dma_start3A_630 : memref<128x48xf32, #tpu.memory_space<vmem>>) offsets(%dma_start3A_633 : memref<128xi32, #tpu.memory_space<vmem>>) semaphore(%arg12 : memref<!tpu.dma_semaphore, #tpu.memory_space<semaphore_mem>>)
      } else {
      }
      %mul3A_426 = arith.constant 8 : i32
      %mul3A_427 = arith.muli %scan3A_109, %mul3A_426 : i32
      %add3A_428 = arith.constant 5 : i32
      %add3A_429 = arith.addi %mul3A_427, %add3A_428 : i32
      %dma_wait3A_430 = arith.constant 5 : i32
      %dma_wait3A_431 = arith.constant 0 : i32
      %dma_wait3A_432 = arith.constant 0 : i32
      %dma_wait3A_433 = tpu.memref_slice %arg7[%dma_wait3A_430, %dma_wait3A_431, %dma_wait3A_432] : memref<8x128x48xf32, #tpu.memory_space<vmem>> -> memref<1x128x48xf32, #tpu.memory_space<vmem>>
      %dma_wait3A_434 = tpu.memref_squeeze %dma_wait3A_433 : memref<1x128x48xf32, #tpu.memory_space<vmem>> -> memref<128x48xf32, #tpu.memory_space<vmem>>
      %dma_wait3A_435 = arith.constant 0 : i32
      %dma_wait3A_436 = tpu.memref_slice %arg6[%add3A_429, %dma_wait3A_435] : memref<96x128xi32, #tpu.memory_space<vmem>> -> memref<1x128xi32, #tpu.memory_space<vmem>>
      %dma_wait3A_437 = tpu.memref_squeeze %dma_wait3A_436 : memref<1x128xi32, #tpu.memory_space<vmem>> -> memref<128xi32, #tpu.memory_space<vmem>>
      %dma_wait3A_438 = arith.constant 0 : i32
      %dma_wait3A_439 = arith.constant 0 : i32
      %dma_wait3A_440 = tpu.memref_slice %arg3[%dma_wait3A_438, %dma_wait3A_439] : memref<100008x48xf32, #tpu.memory_space<hbm>> -> memref<100008x48xf32, #tpu.memory_space<hbm>>
      tpu.wait_indirect_dma semaphore(%arg13 : memref<!tpu.dma_semaphore, #tpu.memory_space<semaphore_mem>>) src(%dma_wait3A_440 : memref<100008x48xf32, #tpu.memory_space<hbm>>) dst(%dma_wait3A_434 : memref<128x48xf32, #tpu.memory_space<vmem>>)
      %jit3A_441 = arith.constant 6 : i32
      %div3A_442 = arith.divsi %add3A_429, %jit3A_441 : i32
      %sign3A_443 = arith.constant 0 : i32
      %sign3A_444 = arith.cmpi sgt, %add3A_429, %sign3A_443 : i32
      %sign3A_445 = arith.extui %sign3A_444 : i1 to i32
      %sign3A_446 = arith.constant 0 : i32
      %sign3A_447 = arith.cmpi slt, %add3A_429, %sign3A_446 : i32
      %sign3A_448 = arith.extui %sign3A_447 : i1 to i32
      %sign3A_449 = arith.subi %sign3A_445, %sign3A_448 : i32
      %sign3A_450 = arith.constant 0 : i32
      %sign3A_451 = arith.cmpi sgt, %jit3A_441, %sign3A_450 : i32
      %sign3A_452 = arith.extui %sign3A_451 : i1 to i32
      %sign3A_453 = arith.constant 0 : i32
      %sign3A_454 = arith.cmpi slt, %jit3A_441, %sign3A_453 : i32
      %sign3A_455 = arith.extui %sign3A_454 : i1 to i32
      %sign3A_456 = arith.subi %sign3A_452, %sign3A_455 : i32
      %ne3A_457 = arith.cmpi ne, %sign3A_449, %sign3A_456 : i32
      %rem3A_458 = arith.remsi %add3A_429, %jit3A_441 : i32
      %ne3A_459 = arith.constant 0 : i32
      %ne3A_460 = arith.cmpi ne, %rem3A_458, %ne3A_459 : i32
      %and3A_461 = arith.andi %ne3A_457, %ne3A_460 : i1
      %sub3A_462 = arith.constant 1 : i32
      %sub3A_463 = arith.subi %div3A_442, %sub3A_462 : i32
      %select_n3A_464 = arith.select %and3A_461, %sub3A_463, %div3A_442 : i32
      %jit3A_465 = arith.constant 6 : i32
      %eq3A_466 = arith.constant 0 : i32
      %eq3A_467 = arith.cmpi eq, %jit3A_465, %eq3A_466 : i32
      %jit3A_468 = arith.constant 1 : i32
      %select_n3A_469 = arith.select %eq3A_467, %jit3A_468, %jit3A_465 : i32
      %rem3A_470 = arith.remsi %add3A_429, %select_n3A_469 : i32
      %ne3A_471 = arith.constant 0 : i32
      %ne3A_472 = arith.cmpi ne, %rem3A_470, %ne3A_471 : i32
      %lt3A_473 = arith.constant 0 : i32
      %lt3A_474 = arith.cmpi slt, %rem3A_470, %lt3A_473 : i32
      %lt3A_475 = arith.constant 0 : i32
      %lt3A_476 = arith.cmpi slt, %select_n3A_469, %lt3A_475 : i32
      %ne3A_477 = arith.xori %lt3A_474, %lt3A_476 : i1
      %and3A_478 = arith.andi %ne3A_477, %ne3A_472 : i1
      %add3A_479 = arith.addi %rem3A_470, %select_n3A_469 : i32
      %select_n3A_480 = arith.select %and3A_478, %add3A_479, %rem3A_470 : i32
      %mul3A_481 = arith.constant 128 : i32
      %mul3A_482 = arith.muli %select_n3A_464, %mul3A_481 : i32
      %add3A_483 = arith.addi %mul3A_2, %mul3A_482 : i32
      %run_scoped3A_484 = arith.constant 5 : i32
      "tpu.region"() ({
        %run_scoped3A_624 = tpu.sem_alloc : memref<!tpu.dma_semaphore, #tpu.memory_space<semaphore_mem>>
        %dma_start3A_625 = arith.constant 0 : i32
        %dma_start3A_626 = arith.constant 0 : i32
        %dma_start3A_627 = tpu.memref_slice %arg7[%run_scoped3A_484, %dma_start3A_625, %dma_start3A_626] : memref<8x128x48xf32, #tpu.memory_space<vmem>> -> memref<1x128x48xf32, #tpu.memory_space<vmem>>
        %dma_start3A_628 = tpu.memref_squeeze %dma_start3A_627 : memref<1x128x48xf32, #tpu.memory_space<vmem>> -> memref<128x48xf32, #tpu.memory_space<vmem>>
        %dma_start3A_629 = arith.constant 0 : i32
        %dma_start3A_630 = tpu.memref_slice %arg4[%select_n3A_480, %add3A_483, %dma_start3A_629] : memref<6x65536x48xf32, #tpu.memory_space<hbm>> -> memref<1x128x48xf32, #tpu.memory_space<hbm>>
        %dma_start3A_631 = tpu.memref_squeeze %dma_start3A_630 : memref<1x128x48xf32, #tpu.memory_space<hbm>> -> memref<128x48xf32, #tpu.memory_space<hbm>>
        %dma_start3A_632 = arith.constant 0 : i32
        %dma_start3A_633 = tpu.memref_slice %arg4[%select_n3A_480, %add3A_483, %dma_start3A_632] : memref<6x65536x48xf32, #tpu.memory_space<hbm>> -> memref<1x128x48xf32, #tpu.memory_space<hbm>>
        %dma_start3A_634 = tpu.memref_squeeze %dma_start3A_633 : memref<1x128x48xf32, #tpu.memory_space<hbm>> -> memref<128x48xf32, #tpu.memory_space<hbm>>
        %dma_start3A_635 = arith.constant 0 : i32
        %dma_start3A_636 = arith.constant 0 : i32
        %dma_start3A_637 = tpu.memref_slice %arg7[%run_scoped3A_484, %dma_start3A_635, %dma_start3A_636] : memref<8x128x48xf32, #tpu.memory_space<vmem>> -> memref<1x128x48xf32, #tpu.memory_space<vmem>>
        %dma_start3A_638 = tpu.memref_squeeze %dma_start3A_637 : memref<1x128x48xf32, #tpu.memory_space<vmem>> -> memref<128x48xf32, #tpu.memory_space<vmem>>
        tpu.enqueue_dma source(%dma_start3A_638 : memref<128x48xf32, #tpu.memory_space<vmem>>) target(%dma_start3A_634 : memref<128x48xf32, #tpu.memory_space<hbm>>) target_semaphore(%run_scoped3A_624 : memref<!tpu.dma_semaphore, #tpu.memory_space<semaphore_mem>>)
        %dma_wait3A_639 = arith.constant 0 : i32
        %dma_wait3A_640 = arith.constant 0 : i32
        %dma_wait3A_641 = tpu.memref_slice %arg7[%run_scoped3A_484, %dma_wait3A_639, %dma_wait3A_640] : memref<8x128x48xf32, #tpu.memory_space<vmem>> -> memref<1x128x48xf32, #tpu.memory_space<vmem>>
        %dma_wait3A_642 = tpu.memref_squeeze %dma_wait3A_641 : memref<1x128x48xf32, #tpu.memory_space<vmem>> -> memref<128x48xf32, #tpu.memory_space<vmem>>
        %dma_wait3A_643 = arith.constant 0 : i32
        %dma_wait3A_644 = tpu.memref_slice %arg4[%select_n3A_480, %add3A_483, %dma_wait3A_643] : memref<6x65536x48xf32, #tpu.memory_space<hbm>> -> memref<1x128x48xf32, #tpu.memory_space<hbm>>
        %dma_wait3A_645 = tpu.memref_squeeze %dma_wait3A_644 : memref<1x128x48xf32, #tpu.memory_space<hbm>> -> memref<128x48xf32, #tpu.memory_space<hbm>>
        %dma_wait3A_646 = arith.constant 0 : i32
        %dma_wait3A_647 = tpu.memref_slice %arg4[%select_n3A_480, %add3A_483, %dma_wait3A_646] : memref<6x65536x48xf32, #tpu.memory_space<hbm>> -> memref<1x128x48xf32, #tpu.memory_space<hbm>>
        %dma_wait3A_648 = tpu.memref_squeeze %dma_wait3A_647 : memref<1x128x48xf32, #tpu.memory_space<hbm>> -> memref<128x48xf32, #tpu.memory_space<hbm>>
        %dma_wait3A_649 = arith.constant 0 : i32
        %dma_wait3A_650 = arith.constant 0 : i32
        %dma_wait3A_651 = tpu.memref_slice %arg7[%run_scoped3A_484, %dma_wait3A_649, %dma_wait3A_650] : memref<8x128x48xf32, #tpu.memory_space<vmem>> -> memref<1x128x48xf32, #tpu.memory_space<vmem>>
        %dma_wait3A_652 = tpu.memref_squeeze %dma_wait3A_651 : memref<1x128x48xf32, #tpu.memory_space<vmem>> -> memref<128x48xf32, #tpu.memory_space<vmem>>
        tpu.wait_dma2 semaphore(%run_scoped3A_624 : memref<!tpu.dma_semaphore, #tpu.memory_space<semaphore_mem>>) src(%dma_wait3A_652 : memref<128x48xf32, #tpu.memory_space<vmem>>) dst(%dma_wait3A_648 : memref<128x48xf32, #tpu.memory_space<hbm>>)
        tpu.yield
      }) : () -> ()
      %add3A_485 = arith.constant 8 : i32
      %add3A_486 = arith.addi %add3A_429, %add3A_485 : i32
      %lt3A_487 = arith.constant 96 : i32
      %lt3A_488 = arith.cmpi slt, %add3A_486, %lt3A_487 : i32
      %convert_element_type3A_489 = arith.extui %lt3A_488 : i1 to i32
      %cond3A_490 = arith.constant 0 : i32
      %cond3A_491 = arith.cmpi ne, %convert_element_type3A_489, %cond3A_490 : i32
      scf.if %cond3A_491 {
        %add3A_624 = arith.constant 8 : i32
        %add3A_625 = arith.addi %add3A_429, %add3A_624 : i32
        %dma_start3A_626 = arith.constant 5 : i32
        %dma_start3A_627 = arith.constant 0 : i32
        %dma_start3A_628 = arith.constant 0 : i32
        %dma_start3A_629 = tpu.memref_slice %arg7[%dma_start3A_626, %dma_start3A_627, %dma_start3A_628] : memref<8x128x48xf32, #tpu.memory_space<vmem>> -> memref<1x128x48xf32, #tpu.memory_space<vmem>>
        %dma_start3A_630 = tpu.memref_squeeze %dma_start3A_629 : memref<1x128x48xf32, #tpu.memory_space<vmem>> -> memref<128x48xf32, #tpu.memory_space<vmem>>
        %dma_start3A_631 = arith.constant 0 : i32
        %dma_start3A_632 = tpu.memref_slice %arg6[%add3A_625, %dma_start3A_631] : memref<96x128xi32, #tpu.memory_space<vmem>> -> memref<1x128xi32, #tpu.memory_space<vmem>>
        %dma_start3A_633 = tpu.memref_squeeze %dma_start3A_632 : memref<1x128xi32, #tpu.memory_space<vmem>> -> memref<128xi32, #tpu.memory_space<vmem>>
        %dma_start3A_634 = arith.constant 0 : i32
        %dma_start3A_635 = arith.constant 0 : i32
        %dma_start3A_636 = tpu.memref_slice %arg3[%dma_start3A_634, %dma_start3A_635] : memref<100008x48xf32, #tpu.memory_space<hbm>> -> memref<100008x48xf32, #tpu.memory_space<hbm>>
        tpu.enqueue_indirect_dma source(%dma_start3A_636 : memref<100008x48xf32, #tpu.memory_space<hbm>>) target(%dma_start3A_630 : memref<128x48xf32, #tpu.memory_space<vmem>>) offsets(%dma_start3A_633 : memref<128xi32, #tpu.memory_space<vmem>>) semaphore(%arg13 : memref<!tpu.dma_semaphore, #tpu.memory_space<semaphore_mem>>)
      } else {
      }
      %mul3A_492 = arith.constant 8 : i32
      %mul3A_493 = arith.muli %scan3A_109, %mul3A_492 : i32
      %add3A_494 = arith.constant 6 : i32
      %add3A_495 = arith.addi %mul3A_493, %add3A_494 : i32
      %dma_wait3A_496 = arith.constant 6 : i32
      %dma_wait3A_497 = arith.constant 0 : i32
      %dma_wait3A_498 = arith.constant 0 : i32
      %dma_wait3A_499 = tpu.memref_slice %arg7[%dma_wait3A_496, %dma_wait3A_497, %dma_wait3A_498] : memref<8x128x48xf32, #tpu.memory_space<vmem>> -> memref<1x128x48xf32, #tpu.memory_space<vmem>>
      %dma_wait3A_500 = tpu.memref_squeeze %dma_wait3A_499 : memref<1x128x48xf32, #tpu.memory_space<vmem>> -> memref<128x48xf32, #tpu.memory_space<vmem>>
      %dma_wait3A_501 = arith.constant 0 : i32
      %dma_wait3A_502 = tpu.memref_slice %arg6[%add3A_495, %dma_wait3A_501] : memref<96x128xi32, #tpu.memory_space<vmem>> -> memref<1x128xi32, #tpu.memory_space<vmem>>
      %dma_wait3A_503 = tpu.memref_squeeze %dma_wait3A_502 : memref<1x128xi32, #tpu.memory_space<vmem>> -> memref<128xi32, #tpu.memory_space<vmem>>
      %dma_wait3A_504 = arith.constant 0 : i32
      %dma_wait3A_505 = arith.constant 0 : i32
      %dma_wait3A_506 = tpu.memref_slice %arg3[%dma_wait3A_504, %dma_wait3A_505] : memref<100008x48xf32, #tpu.memory_space<hbm>> -> memref<100008x48xf32, #tpu.memory_space<hbm>>
      tpu.wait_indirect_dma semaphore(%arg14 : memref<!tpu.dma_semaphore, #tpu.memory_space<semaphore_mem>>) src(%dma_wait3A_506 : memref<100008x48xf32, #tpu.memory_space<hbm>>) dst(%dma_wait3A_500 : memref<128x48xf32, #tpu.memory_space<vmem>>)
      %jit3A_507 = arith.constant 6 : i32
      %div3A_508 = arith.divsi %add3A_495, %jit3A_507 : i32
      %sign3A_509 = arith.constant 0 : i32
      %sign3A_510 = arith.cmpi sgt, %add3A_495, %sign3A_509 : i32
      %sign3A_511 = arith.extui %sign3A_510 : i1 to i32
      %sign3A_512 = arith.constant 0 : i32
      %sign3A_513 = arith.cmpi slt, %add3A_495, %sign3A_512 : i32
      %sign3A_514 = arith.extui %sign3A_513 : i1 to i32
      %sign3A_515 = arith.subi %sign3A_511, %sign3A_514 : i32
      %sign3A_516 = arith.constant 0 : i32
      %sign3A_517 = arith.cmpi sgt, %jit3A_507, %sign3A_516 : i32
      %sign3A_518 = arith.extui %sign3A_517 : i1 to i32
      %sign3A_519 = arith.constant 0 : i32
      %sign3A_520 = arith.cmpi slt, %jit3A_507, %sign3A_519 : i32
      %sign3A_521 = arith.extui %sign3A_520 : i1 to i32
      %sign3A_522 = arith.subi %sign3A_518, %sign3A_521 : i32
      %ne3A_523 = arith.cmpi ne, %sign3A_515, %sign3A_522 : i32
      %rem3A_524 = arith.remsi %add3A_495, %jit3A_507 : i32
      %ne3A_525 = arith.constant 0 : i32
      %ne3A_526 = arith.cmpi ne, %rem3A_524, %ne3A_525 : i32
      %and3A_527 = arith.andi %ne3A_523, %ne3A_526 : i1
      %sub3A_528 = arith.constant 1 : i32
      %sub3A_529 = arith.subi %div3A_508, %sub3A_528 : i32
      %select_n3A_530 = arith.select %and3A_527, %sub3A_529, %div3A_508 : i32
      %jit3A_531 = arith.constant 6 : i32
      %eq3A_532 = arith.constant 0 : i32
      %eq3A_533 = arith.cmpi eq, %jit3A_531, %eq3A_532 : i32
      %jit3A_534 = arith.constant 1 : i32
      %select_n3A_535 = arith.select %eq3A_533, %jit3A_534, %jit3A_531 : i32
      %rem3A_536 = arith.remsi %add3A_495, %select_n3A_535 : i32
      %ne3A_537 = arith.constant 0 : i32
      %ne3A_538 = arith.cmpi ne, %rem3A_536, %ne3A_537 : i32
      %lt3A_539 = arith.constant 0 : i32
      %lt3A_540 = arith.cmpi slt, %rem3A_536, %lt3A_539 : i32
      %lt3A_541 = arith.constant 0 : i32
      %lt3A_542 = arith.cmpi slt, %select_n3A_535, %lt3A_541 : i32
      %ne3A_543 = arith.xori %lt3A_540, %lt3A_542 : i1
      %and3A_544 = arith.andi %ne3A_543, %ne3A_538 : i1
      %add3A_545 = arith.addi %rem3A_536, %select_n3A_535 : i32
      %select_n3A_546 = arith.select %and3A_544, %add3A_545, %rem3A_536 : i32
      %mul3A_547 = arith.constant 128 : i32
      %mul3A_548 = arith.muli %select_n3A_530, %mul3A_547 : i32
      %add3A_549 = arith.addi %mul3A_2, %mul3A_548 : i32
      %run_scoped3A_550 = arith.constant 6 : i32
      "tpu.region"() ({
        %run_scoped3A_624 = tpu.sem_alloc : memref<!tpu.dma_semaphore, #tpu.memory_space<semaphore_mem>>
        %dma_start3A_625 = arith.constant 0 : i32
        %dma_start3A_626 = arith.constant 0 : i32
        %dma_start3A_627 = tpu.memref_slice %arg7[%run_scoped3A_550, %dma_start3A_625, %dma_start3A_626] : memref<8x128x48xf32, #tpu.memory_space<vmem>> -> memref<1x128x48xf32, #tpu.memory_space<vmem>>
        %dma_start3A_628 = tpu.memref_squeeze %dma_start3A_627 : memref<1x128x48xf32, #tpu.memory_space<vmem>> -> memref<128x48xf32, #tpu.memory_space<vmem>>
        %dma_start3A_629 = arith.constant 0 : i32
        %dma_start3A_630 = tpu.memref_slice %arg4[%select_n3A_546, %add3A_549, %dma_start3A_629] : memref<6x65536x48xf32, #tpu.memory_space<hbm>> -> memref<1x128x48xf32, #tpu.memory_space<hbm>>
        %dma_start3A_631 = tpu.memref_squeeze %dma_start3A_630 : memref<1x128x48xf32, #tpu.memory_space<hbm>> -> memref<128x48xf32, #tpu.memory_space<hbm>>
        %dma_start3A_632 = arith.constant 0 : i32
        %dma_start3A_633 = tpu.memref_slice %arg4[%select_n3A_546, %add3A_549, %dma_start3A_632] : memref<6x65536x48xf32, #tpu.memory_space<hbm>> -> memref<1x128x48xf32, #tpu.memory_space<hbm>>
        %dma_start3A_634 = tpu.memref_squeeze %dma_start3A_633 : memref<1x128x48xf32, #tpu.memory_space<hbm>> -> memref<128x48xf32, #tpu.memory_space<hbm>>
        %dma_start3A_635 = arith.constant 0 : i32
        %dma_start3A_636 = arith.constant 0 : i32
        %dma_start3A_637 = tpu.memref_slice %arg7[%run_scoped3A_550, %dma_start3A_635, %dma_start3A_636] : memref<8x128x48xf32, #tpu.memory_space<vmem>> -> memref<1x128x48xf32, #tpu.memory_space<vmem>>
        %dma_start3A_638 = tpu.memref_squeeze %dma_start3A_637 : memref<1x128x48xf32, #tpu.memory_space<vmem>> -> memref<128x48xf32, #tpu.memory_space<vmem>>
        tpu.enqueue_dma source(%dma_start3A_638 : memref<128x48xf32, #tpu.memory_space<vmem>>) target(%dma_start3A_634 : memref<128x48xf32, #tpu.memory_space<hbm>>) target_semaphore(%run_scoped3A_624 : memref<!tpu.dma_semaphore, #tpu.memory_space<semaphore_mem>>)
        %dma_wait3A_639 = arith.constant 0 : i32
        %dma_wait3A_640 = arith.constant 0 : i32
        %dma_wait3A_641 = tpu.memref_slice %arg7[%run_scoped3A_550, %dma_wait3A_639, %dma_wait3A_640] : memref<8x128x48xf32, #tpu.memory_space<vmem>> -> memref<1x128x48xf32, #tpu.memory_space<vmem>>
        %dma_wait3A_642 = tpu.memref_squeeze %dma_wait3A_641 : memref<1x128x48xf32, #tpu.memory_space<vmem>> -> memref<128x48xf32, #tpu.memory_space<vmem>>
        %dma_wait3A_643 = arith.constant 0 : i32
        %dma_wait3A_644 = tpu.memref_slice %arg4[%select_n3A_546, %add3A_549, %dma_wait3A_643] : memref<6x65536x48xf32, #tpu.memory_space<hbm>> -> memref<1x128x48xf32, #tpu.memory_space<hbm>>
        %dma_wait3A_645 = tpu.memref_squeeze %dma_wait3A_644 : memref<1x128x48xf32, #tpu.memory_space<hbm>> -> memref<128x48xf32, #tpu.memory_space<hbm>>
        %dma_wait3A_646 = arith.constant 0 : i32
        %dma_wait3A_647 = tpu.memref_slice %arg4[%select_n3A_546, %add3A_549, %dma_wait3A_646] : memref<6x65536x48xf32, #tpu.memory_space<hbm>> -> memref<1x128x48xf32, #tpu.memory_space<hbm>>
        %dma_wait3A_648 = tpu.memref_squeeze %dma_wait3A_647 : memref<1x128x48xf32, #tpu.memory_space<hbm>> -> memref<128x48xf32, #tpu.memory_space<hbm>>
        %dma_wait3A_649 = arith.constant 0 : i32
        %dma_wait3A_650 = arith.constant 0 : i32
        %dma_wait3A_651 = tpu.memref_slice %arg7[%run_scoped3A_550, %dma_wait3A_649, %dma_wait3A_650] : memref<8x128x48xf32, #tpu.memory_space<vmem>> -> memref<1x128x48xf32, #tpu.memory_space<vmem>>
        %dma_wait3A_652 = tpu.memref_squeeze %dma_wait3A_651 : memref<1x128x48xf32, #tpu.memory_space<vmem>> -> memref<128x48xf32, #tpu.memory_space<vmem>>
        tpu.wait_dma2 semaphore(%run_scoped3A_624 : memref<!tpu.dma_semaphore, #tpu.memory_space<semaphore_mem>>) src(%dma_wait3A_652 : memref<128x48xf32, #tpu.memory_space<vmem>>) dst(%dma_wait3A_648 : memref<128x48xf32, #tpu.memory_space<hbm>>)
        tpu.yield
      }) : () -> ()
      %add3A_551 = arith.constant 8 : i32
      %add3A_552 = arith.addi %add3A_495, %add3A_551 : i32
      %lt3A_553 = arith.constant 96 : i32
      %lt3A_554 = arith.cmpi slt, %add3A_552, %lt3A_553 : i32
      %convert_element_type3A_555 = arith.extui %lt3A_554 : i1 to i32
      %cond3A_556 = arith.constant 0 : i32
      %cond3A_557 = arith.cmpi ne, %convert_element_type3A_555, %cond3A_556 : i32
      scf.if %cond3A_557 {
        %add3A_624 = arith.constant 8 : i32
        %add3A_625 = arith.addi %add3A_495, %add3A_624 : i32
        %dma_start3A_626 = arith.constant 6 : i32
        %dma_start3A_627 = arith.constant 0 : i32
        %dma_start3A_628 = arith.constant 0 : i32
        %dma_start3A_629 = tpu.memref_slice %arg7[%dma_start3A_626, %dma_start3A_627, %dma_start3A_628] : memref<8x128x48xf32, #tpu.memory_space<vmem>> -> memref<1x128x48xf32, #tpu.memory_space<vmem>>
        %dma_start3A_630 = tpu.memref_squeeze %dma_start3A_629 : memref<1x128x48xf32, #tpu.memory_space<vmem>> -> memref<128x48xf32, #tpu.memory_space<vmem>>
        %dma_start3A_631 = arith.constant 0 : i32
        %dma_start3A_632 = tpu.memref_slice %arg6[%add3A_625, %dma_start3A_631] : memref<96x128xi32, #tpu.memory_space<vmem>> -> memref<1x128xi32, #tpu.memory_space<vmem>>
        %dma_start3A_633 = tpu.memref_squeeze %dma_start3A_632 : memref<1x128xi32, #tpu.memory_space<vmem>> -> memref<128xi32, #tpu.memory_space<vmem>>
        %dma_start3A_634 = arith.constant 0 : i32
        %dma_start3A_635 = arith.constant 0 : i32
        %dma_start3A_636 = tpu.memref_slice %arg3[%dma_start3A_634, %dma_start3A_635] : memref<100008x48xf32, #tpu.memory_space<hbm>> -> memref<100008x48xf32, #tpu.memory_space<hbm>>
        tpu.enqueue_indirect_dma source(%dma_start3A_636 : memref<100008x48xf32, #tpu.memory_space<hbm>>) target(%dma_start3A_630 : memref<128x48xf32, #tpu.memory_space<vmem>>) offsets(%dma_start3A_633 : memref<128xi32, #tpu.memory_space<vmem>>) semaphore(%arg14 : memref<!tpu.dma_semaphore, #tpu.memory_space<semaphore_mem>>)
      } else {
      }
      %mul3A_558 = arith.constant 8 : i32
      %mul3A_559 = arith.muli %scan3A_109, %mul3A_558 : i32
      %add3A_560 = arith.constant 7 : i32
      %add3A_561 = arith.addi %mul3A_559, %add3A_560 : i32
      %dma_wait3A_562 = arith.constant 7 : i32
      %dma_wait3A_563 = arith.constant 0 : i32
      %dma_wait3A_564 = arith.constant 0 : i32
      %dma_wait3A_565 = tpu.memref_slice %arg7[%dma_wait3A_562, %dma_wait3A_563, %dma_wait3A_564] : memref<8x128x48xf32, #tpu.memory_space<vmem>> -> memref<1x128x48xf32, #tpu.memory_space<vmem>>
      %dma_wait3A_566 = tpu.memref_squeeze %dma_wait3A_565 : memref<1x128x48xf32, #tpu.memory_space<vmem>> -> memref<128x48xf32, #tpu.memory_space<vmem>>
      %dma_wait3A_567 = arith.constant 0 : i32
      %dma_wait3A_568 = tpu.memref_slice %arg6[%add3A_561, %dma_wait3A_567] : memref<96x128xi32, #tpu.memory_space<vmem>> -> memref<1x128xi32, #tpu.memory_space<vmem>>
      %dma_wait3A_569 = tpu.memref_squeeze %dma_wait3A_568 : memref<1x128xi32, #tpu.memory_space<vmem>> -> memref<128xi32, #tpu.memory_space<vmem>>
      %dma_wait3A_570 = arith.constant 0 : i32
      %dma_wait3A_571 = arith.constant 0 : i32
      %dma_wait3A_572 = tpu.memref_slice %arg3[%dma_wait3A_570, %dma_wait3A_571] : memref<100008x48xf32, #tpu.memory_space<hbm>> -> memref<100008x48xf32, #tpu.memory_space<hbm>>
      tpu.wait_indirect_dma semaphore(%arg15 : memref<!tpu.dma_semaphore, #tpu.memory_space<semaphore_mem>>) src(%dma_wait3A_572 : memref<100008x48xf32, #tpu.memory_space<hbm>>) dst(%dma_wait3A_566 : memref<128x48xf32, #tpu.memory_space<vmem>>)
      %jit3A_573 = arith.constant 6 : i32
      %div3A_574 = arith.divsi %add3A_561, %jit3A_573 : i32
      %sign3A_575 = arith.constant 0 : i32
      %sign3A_576 = arith.cmpi sgt, %add3A_561, %sign3A_575 : i32
      %sign3A_577 = arith.extui %sign3A_576 : i1 to i32
      %sign3A_578 = arith.constant 0 : i32
      %sign3A_579 = arith.cmpi slt, %add3A_561, %sign3A_578 : i32
      %sign3A_580 = arith.extui %sign3A_579 : i1 to i32
      %sign3A_581 = arith.subi %sign3A_577, %sign3A_580 : i32
      %sign3A_582 = arith.constant 0 : i32
      %sign3A_583 = arith.cmpi sgt, %jit3A_573, %sign3A_582 : i32
      %sign3A_584 = arith.extui %sign3A_583 : i1 to i32
      %sign3A_585 = arith.constant 0 : i32
      %sign3A_586 = arith.cmpi slt, %jit3A_573, %sign3A_585 : i32
      %sign3A_587 = arith.extui %sign3A_586 : i1 to i32
      %sign3A_588 = arith.subi %sign3A_584, %sign3A_587 : i32
      %ne3A_589 = arith.cmpi ne, %sign3A_581, %sign3A_588 : i32
      %rem3A_590 = arith.remsi %add3A_561, %jit3A_573 : i32
      %ne3A_591 = arith.constant 0 : i32
      %ne3A_592 = arith.cmpi ne, %rem3A_590, %ne3A_591 : i32
      %and3A_593 = arith.andi %ne3A_589, %ne3A_592 : i1
      %sub3A_594 = arith.constant 1 : i32
      %sub3A_595 = arith.subi %div3A_574, %sub3A_594 : i32
      %select_n3A_596 = arith.select %and3A_593, %sub3A_595, %div3A_574 : i32
      %jit3A_597 = arith.constant 6 : i32
      %eq3A_598 = arith.constant 0 : i32
      %eq3A_599 = arith.cmpi eq, %jit3A_597, %eq3A_598 : i32
      %jit3A_600 = arith.constant 1 : i32
      %select_n3A_601 = arith.select %eq3A_599, %jit3A_600, %jit3A_597 : i32
      %rem3A_602 = arith.remsi %add3A_561, %select_n3A_601 : i32
      %ne3A_603 = arith.constant 0 : i32
      %ne3A_604 = arith.cmpi ne, %rem3A_602, %ne3A_603 : i32
      %lt3A_605 = arith.constant 0 : i32
      %lt3A_606 = arith.cmpi slt, %rem3A_602, %lt3A_605 : i32
      %lt3A_607 = arith.constant 0 : i32
      %lt3A_608 = arith.cmpi slt, %select_n3A_601, %lt3A_607 : i32
      %ne3A_609 = arith.xori %lt3A_606, %lt3A_608 : i1
      %and3A_610 = arith.andi %ne3A_609, %ne3A_604 : i1
      %add3A_611 = arith.addi %rem3A_602, %select_n3A_601 : i32
      %select_n3A_612 = arith.select %and3A_610, %add3A_611, %rem3A_602 : i32
      %mul3A_613 = arith.constant 128 : i32
      %mul3A_614 = arith.muli %select_n3A_596, %mul3A_613 : i32
      %add3A_615 = arith.addi %mul3A_2, %mul3A_614 : i32
      %run_scoped3A_616 = arith.constant 7 : i32
      "tpu.region"() ({
        %run_scoped3A_624 = tpu.sem_alloc : memref<!tpu.dma_semaphore, #tpu.memory_space<semaphore_mem>>
        %dma_start3A_625 = arith.constant 0 : i32
        %dma_start3A_626 = arith.constant 0 : i32
        %dma_start3A_627 = tpu.memref_slice %arg7[%run_scoped3A_616, %dma_start3A_625, %dma_start3A_626] : memref<8x128x48xf32, #tpu.memory_space<vmem>> -> memref<1x128x48xf32, #tpu.memory_space<vmem>>
        %dma_start3A_628 = tpu.memref_squeeze %dma_start3A_627 : memref<1x128x48xf32, #tpu.memory_space<vmem>> -> memref<128x48xf32, #tpu.memory_space<vmem>>
        %dma_start3A_629 = arith.constant 0 : i32
        %dma_start3A_630 = tpu.memref_slice %arg4[%select_n3A_612, %add3A_615, %dma_start3A_629] : memref<6x65536x48xf32, #tpu.memory_space<hbm>> -> memref<1x128x48xf32, #tpu.memory_space<hbm>>
        %dma_start3A_631 = tpu.memref_squeeze %dma_start3A_630 : memref<1x128x48xf32, #tpu.memory_space<hbm>> -> memref<128x48xf32, #tpu.memory_space<hbm>>
        %dma_start3A_632 = arith.constant 0 : i32
        %dma_start3A_633 = tpu.memref_slice %arg4[%select_n3A_612, %add3A_615, %dma_start3A_632] : memref<6x65536x48xf32, #tpu.memory_space<hbm>> -> memref<1x128x48xf32, #tpu.memory_space<hbm>>
        %dma_start3A_634 = tpu.memref_squeeze %dma_start3A_633 : memref<1x128x48xf32, #tpu.memory_space<hbm>> -> memref<128x48xf32, #tpu.memory_space<hbm>>
        %dma_start3A_635 = arith.constant 0 : i32
        %dma_start3A_636 = arith.constant 0 : i32
        %dma_start3A_637 = tpu.memref_slice %arg7[%run_scoped3A_616, %dma_start3A_635, %dma_start3A_636] : memref<8x128x48xf32, #tpu.memory_space<vmem>> -> memref<1x128x48xf32, #tpu.memory_space<vmem>>
        %dma_start3A_638 = tpu.memref_squeeze %dma_start3A_637 : memref<1x128x48xf32, #tpu.memory_space<vmem>> -> memref<128x48xf32, #tpu.memory_space<vmem>>
        tpu.enqueue_dma source(%dma_start3A_638 : memref<128x48xf32, #tpu.memory_space<vmem>>) target(%dma_start3A_634 : memref<128x48xf32, #tpu.memory_space<hbm>>) target_semaphore(%run_scoped3A_624 : memref<!tpu.dma_semaphore, #tpu.memory_space<semaphore_mem>>)
        %dma_wait3A_639 = arith.constant 0 : i32
        %dma_wait3A_640 = arith.constant 0 : i32
        %dma_wait3A_641 = tpu.memref_slice %arg7[%run_scoped3A_616, %dma_wait3A_639, %dma_wait3A_640] : memref<8x128x48xf32, #tpu.memory_space<vmem>> -> memref<1x128x48xf32, #tpu.memory_space<vmem>>
        %dma_wait3A_642 = tpu.memref_squeeze %dma_wait3A_641 : memref<1x128x48xf32, #tpu.memory_space<vmem>> -> memref<128x48xf32, #tpu.memory_space<vmem>>
        %dma_wait3A_643 = arith.constant 0 : i32
        %dma_wait3A_644 = tpu.memref_slice %arg4[%select_n3A_612, %add3A_615, %dma_wait3A_643] : memref<6x65536x48xf32, #tpu.memory_space<hbm>> -> memref<1x128x48xf32, #tpu.memory_space<hbm>>
        %dma_wait3A_645 = tpu.memref_squeeze %dma_wait3A_644 : memref<1x128x48xf32, #tpu.memory_space<hbm>> -> memref<128x48xf32, #tpu.memory_space<hbm>>
        %dma_wait3A_646 = arith.constant 0 : i32
        %dma_wait3A_647 = tpu.memref_slice %arg4[%select_n3A_612, %add3A_615, %dma_wait3A_646] : memref<6x65536x48xf32, #tpu.memory_space<hbm>> -> memref<1x128x48xf32, #tpu.memory_space<hbm>>
        %dma_wait3A_648 = tpu.memref_squeeze %dma_wait3A_647 : memref<1x128x48xf32, #tpu.memory_space<hbm>> -> memref<128x48xf32, #tpu.memory_space<hbm>>
        %dma_wait3A_649 = arith.constant 0 : i32
        %dma_wait3A_650 = arith.constant 0 : i32
        %dma_wait3A_651 = tpu.memref_slice %arg7[%run_scoped3A_616, %dma_wait3A_649, %dma_wait3A_650] : memref<8x128x48xf32, #tpu.memory_space<vmem>> -> memref<1x128x48xf32, #tpu.memory_space<vmem>>
        %dma_wait3A_652 = tpu.memref_squeeze %dma_wait3A_651 : memref<1x128x48xf32, #tpu.memory_space<vmem>> -> memref<128x48xf32, #tpu.memory_space<vmem>>
        tpu.wait_dma2 semaphore(%run_scoped3A_624 : memref<!tpu.dma_semaphore, #tpu.memory_space<semaphore_mem>>) src(%dma_wait3A_652 : memref<128x48xf32, #tpu.memory_space<vmem>>) dst(%dma_wait3A_648 : memref<128x48xf32, #tpu.memory_space<hbm>>)
        tpu.yield
      }) : () -> ()
      %add3A_617 = arith.constant 8 : i32
      %add3A_618 = arith.addi %add3A_561, %add3A_617 : i32
      %lt3A_619 = arith.constant 96 : i32
      %lt3A_620 = arith.cmpi slt, %add3A_618, %lt3A_619 : i32
      %convert_element_type3A_621 = arith.extui %lt3A_620 : i1 to i32
      %cond3A_622 = arith.constant 0 : i32
      %cond3A_623 = arith.cmpi ne, %convert_element_type3A_621, %cond3A_622 : i32
      scf.if %cond3A_623 {
        %add3A_624 = arith.constant 8 : i32
        %add3A_625 = arith.addi %add3A_561, %add3A_624 : i32
        %dma_start3A_626 = arith.constant 7 : i32
        %dma_start3A_627 = arith.constant 0 : i32
        %dma_start3A_628 = arith.constant 0 : i32
        %dma_start3A_629 = tpu.memref_slice %arg7[%dma_start3A_626, %dma_start3A_627, %dma_start3A_628] : memref<8x128x48xf32, #tpu.memory_space<vmem>> -> memref<1x128x48xf32, #tpu.memory_space<vmem>>
        %dma_start3A_630 = tpu.memref_squeeze %dma_start3A_629 : memref<1x128x48xf32, #tpu.memory_space<vmem>> -> memref<128x48xf32, #tpu.memory_space<vmem>>
        %dma_start3A_631 = arith.constant 0 : i32
        %dma_start3A_632 = tpu.memref_slice %arg6[%add3A_625, %dma_start3A_631] : memref<96x128xi32, #tpu.memory_space<vmem>> -> memref<1x128xi32, #tpu.memory_space<vmem>>
        %dma_start3A_633 = tpu.memref_squeeze %dma_start3A_632 : memref<1x128xi32, #tpu.memory_space<vmem>> -> memref<128xi32, #tpu.memory_space<vmem>>
        %dma_start3A_634 = arith.constant 0 : i32
        %dma_start3A_635 = arith.constant 0 : i32
        %dma_start3A_636 = tpu.memref_slice %arg3[%dma_start3A_634, %dma_start3A_635] : memref<100008x48xf32, #tpu.memory_space<hbm>> -> memref<100008x48xf32, #tpu.memory_space<hbm>>
        tpu.enqueue_indirect_dma source(%dma_start3A_636 : memref<100008x48xf32, #tpu.memory_space<hbm>>) target(%dma_start3A_630 : memref<128x48xf32, #tpu.memory_space<vmem>>) offsets(%dma_start3A_633 : memref<128xi32, #tpu.memory_space<vmem>>) semaphore(%arg15 : memref<!tpu.dma_semaphore, #tpu.memory_space<semaphore_mem>>)
      } else {
      }
    }
    %scan3A_108 = arith.constant 12 : i32
    return
  }
}

module attributes {stable_mosaic.version = 14 : i64} {
  func.func @_dense_body(%arg0: i32, %arg1: memref<6x512x48xf32, #tpu.memory_space<vmem>>, %arg2: memref<512x1xf32, #tpu.memory_space<vmem>>, %arg3: memref<512x1xf32, #tpu.memory_space<vmem>>, %arg4: memref<512x5xf32, #tpu.memory_space<vmem>>, %arg5: memref<512x1xf32, #tpu.memory_space<vmem>>, %arg6: memref<100x1000xf32, #tpu.memory_space<vmem>>, %arg7: memref<100x1000xf32, #tpu.memory_space<vmem>>, %arg8: memref<11x32xf32, #tpu.memory_space<vmem>>, %arg9: memref<32xf32, #tpu.memory_space<vmem>>, %arg10: memref<32x32xf32, #tpu.memory_space<vmem>>, %arg11: memref<32xf32, #tpu.memory_space<vmem>>, %arg12: memref<8x16xf32, #tpu.memory_space<vmem>>, %arg13: memref<1x1xf32, #tpu.memory_space<vmem>>) attributes {dimension_semantics = [#tpu.dimension_semantics<arbitrary>], iteration_bounds = array<i64: 128>, scalar_prefetch = 0 : i64, scratch_operands = 0 : i64, tpu.core_type = #tpu.core_type<tc>, window_params = [{transform_indices = @transform_0, window_bounds = array<i64: 6, 512, 48>}, {transform_indices = @transform_1, window_bounds = array<i64: 512, 1>}, {transform_indices = @transform_2, window_bounds = array<i64: 512, 1>}, {transform_indices = @transform_3, window_bounds = array<i64: 512, 5>}, {transform_indices = @transform_4, window_bounds = array<i64: 512, 1>}, {pipeline_mode = #tpu.pipeline_mode<synchronous>, transform_indices = @transform_5, window_bounds = array<i64: 100, 1000>}, {pipeline_mode = #tpu.pipeline_mode<synchronous>, transform_indices = @transform_6, window_bounds = array<i64: 100, 1000>}, {pipeline_mode = #tpu.pipeline_mode<synchronous>, transform_indices = @transform_7, window_bounds = array<i64: 11, 32>}, {pipeline_mode = #tpu.pipeline_mode<synchronous>, transform_indices = @transform_8, window_bounds = array<i64: 32>}, {pipeline_mode = #tpu.pipeline_mode<synchronous>, transform_indices = @transform_9, window_bounds = array<i64: 32, 32>}, {pipeline_mode = #tpu.pipeline_mode<synchronous>, transform_indices = @transform_10, window_bounds = array<i64: 32>}, {pipeline_mode = #tpu.pipeline_mode<synchronous>, transform_indices = @transform_11, window_bounds = array<i64: 8, 16>}, {pipeline_mode = #tpu.pipeline_mode<synchronous>, transform_indices = @transform_12, window_bounds = array<i64: 1, 1>}]} {
    %jit3A = arith.constant 16 : i32
    %div3A = arith.divsi %arg0, %jit3A : i32
    %sign3A = arith.constant 0 : i32
    %sign3A_0 = arith.cmpi sgt, %arg0, %sign3A : i32
    %sign3A_1 = arith.extui %sign3A_0 : i1 to i32
    %sign3A_2 = arith.constant 0 : i32
    %sign3A_3 = arith.cmpi slt, %arg0, %sign3A_2 : i32
    %sign3A_4 = arith.extui %sign3A_3 : i1 to i32
    %sign3A_5 = arith.subi %sign3A_1, %sign3A_4 : i32
    %sign3A_6 = arith.constant 0 : i32
    %sign3A_7 = arith.cmpi sgt, %jit3A, %sign3A_6 : i32
    %sign3A_8 = arith.extui %sign3A_7 : i1 to i32
    %sign3A_9 = arith.constant 0 : i32
    %sign3A_10 = arith.cmpi slt, %jit3A, %sign3A_9 : i32
    %sign3A_11 = arith.extui %sign3A_10 : i1 to i32
    %sign3A_12 = arith.subi %sign3A_8, %sign3A_11 : i32
    %ne3A = arith.cmpi ne, %sign3A_5, %sign3A_12 : i32
    %rem3A = arith.remsi %arg0, %jit3A : i32
    %ne3A_13 = arith.constant 0 : i32
    %ne3A_14 = arith.cmpi ne, %rem3A, %ne3A_13 : i32
    %and3A = arith.andi %ne3A, %ne3A_14 : i1
    %sub3A = arith.constant 1 : i32
    %sub3A_15 = arith.subi %div3A, %sub3A : i32
    %select_n3A = arith.select %and3A, %sub3A_15, %div3A : i32
    %eq3A = arith.constant 0 : i32
    %eq3A_16 = arith.cmpi eq, %arg0, %eq3A : i32
    %convert_element_type3A = arith.extui %eq3A_16 : i1 to i32
    %cond3A = arith.constant 0 : i32
    %cond3A_17 = arith.cmpi ne, %convert_element_type3A, %cond3A : i32
    scf.if %cond3A_17 {
      %broadcast_in_dim3A_555 = arith.constant 0.000000e+00 : f32
      %broadcast_in_dim3A_556 = vector.broadcast %broadcast_in_dim3A_555 : f32 to vector<8x16xf32>
      %swap3A_557 = arith.constant 0 : index
      %swap3A_558 = arith.constant 0 : index
      %swap3A_559 = vector.load %arg12[%swap3A_557, %swap3A_558] : memref<8x16xf32, #tpu.memory_space<vmem>>, vector<8x16xf32>
      tpu.vector_store %arg12[%swap3A_557, %swap3A_558], %broadcast_in_dim3A_556 {strides = array<i32>} : memref<8x16xf32, #tpu.memory_space<vmem>>, vector<8x16xf32>,
      %get3A_560 = arith.constant 0 : index
      %get3A_561 = arith.constant 0 : index
      %get3A_562 = vector.load %arg6[%get3A_560, %get3A_561] : memref<100x1000xf32, #tpu.memory_space<vmem>>, vector<100x1000xf32>
      %get3A_563 = arith.constant 0 : index
      %get3A_564 = arith.constant 0 : index
      %get3A_565 = vector.load %arg7[%get3A_563, %get3A_564] : memref<100x1000xf32, #tpu.memory_space<vmem>>, vector<100x1000xf32>
      %max3A_566 = arith.constant 0.000000e+00 : f32
      %max3A_567 = vector.broadcast %max3A_566 : f32 to vector<100x1000xf32>
      %max3A_568 = arith.maximumf %get3A_565, %max3A_567 : vector<100x1000xf32>
      %abs3A_569 = math.absf %get3A_565 : vector<100x1000xf32>
      %neg3A_570 = arith.constant 0.000000e+00 : f32
      %neg3A_571 = vector.broadcast %neg3A_570 : f32 to vector<100x1000xf32>
      %neg3A_572 = arith.subf %neg3A_571, %abs3A_569 : vector<100x1000xf32>
      %exp3A_573 = math.exp %neg3A_572 : vector<100x1000xf32>
      %add3A_574 = arith.constant 1.000000e+00 : f32
      %add3A_575 = vector.broadcast %add3A_574 : f32 to vector<100x1000xf32>
      %add3A_576 = arith.addf %add3A_575, %exp3A_573 : vector<100x1000xf32>
      %log3A_577 = math.log %add3A_576 : vector<100x1000xf32>
      %add3A_578 = arith.addf %max3A_568, %log3A_577 : vector<100x1000xf32>
      %add3A_579 = arith.constant 9.99999997E-7 : f32
      %add3A_580 = vector.broadcast %add3A_579 : f32 to vector<100x1000xf32>
      %add3A_581 = arith.addf %add3A_578, %add3A_580 : vector<100x1000xf32>
      %log3A_582 = math.log %add3A_581 : vector<100x1000xf32>
      %neg3A_583 = arith.constant 0.000000e+00 : f32
      %neg3A_584 = vector.broadcast %neg3A_583 : f32 to vector<100x1000xf32>
      %neg3A_585 = arith.subf %neg3A_584, %log3A_582 : vector<100x1000xf32>
      %mul3A_586 = arith.mulf %add3A_581, %add3A_581 : vector<100x1000xf32>
      %mul3A_587 = arith.mulf %get3A_562, %get3A_562 : vector<100x1000xf32>
      %add3A_588 = arith.addf %mul3A_586, %mul3A_587 : vector<100x1000xf32>
      %mul3A_589 = arith.constant 5.000000e-01 : f32
      %mul3A_590 = vector.broadcast %mul3A_589 : f32 to vector<100x1000xf32>
      %mul3A_591 = arith.mulf %mul3A_590, %add3A_588 : vector<100x1000xf32>
      %add3A_592 = arith.addf %neg3A_585, %mul3A_591 : vector<100x1000xf32>
      %sub3A_593 = arith.constant 5.000000e-01 : f32
      %sub3A_594 = vector.broadcast %sub3A_593 : f32 to vector<100x1000xf32>
      %sub3A_595 = arith.subf %add3A_592, %sub3A_594 : vector<100x1000xf32>
      %reduce_sum3A_596 = vector.shape_cast %sub3A_595 : vector<100x1000xf32> to vector<1x100x1000xf32>
      %reduce_sum3A_597 = arith.constant dense<0.000000e+00> : vector<1xf32>
      %reduce_sum3A_598 = vector.multi_reduction <add>, %reduce_sum3A_596, %reduce_sum3A_597 [1, 2] : vector<1x100x1000xf32> to vector<1xf32>
      %reduce_sum3A_599 = vector.shape_cast %reduce_sum3A_598 : vector<1xf32> to vector<1x1x1xf32>
      %reduce_sum3A_600 = vector.extract %reduce_sum3A_599[0, 0, 0] : f32 from vector<1x1x1xf32>
      %div3A_601 = arith.constant 1.000000e+05 : f32
      %div3A_602 = arith.divf %reduce_sum3A_600, %div3A_601 : f32
      %broadcast_in_dim3A_603 = vector.broadcast %div3A_602 : f32 to vector<1x1xf32>
      %swap3A_604 = arith.constant 0 : index
      %swap3A_605 = arith.constant 0 : index
      %swap3A_606 = vector.load %arg13[%swap3A_604, %swap3A_605] : memref<1x1xf32, #tpu.memory_space<vmem>>, vector<1x1xf32>
      tpu.vector_store %arg13[%swap3A_604, %swap3A_605], %broadcast_in_dim3A_603 {strides = array<i32>} : memref<1x1xf32, #tpu.memory_space<vmem>>, vector<1x1xf32>,
    } else {
    }
    %get3A = arith.constant 0 : index
    %get3A_18 = arith.constant 0 : index
    %get3A_19 = vector.load %arg2[%get3A, %get3A_18] : memref<512x1xf32, #tpu.memory_space<vmem>>, vector<512x1xf32>
    %get3A_20 = arith.constant 0 : index
    %get3A_21 = arith.constant 0 : index
    %get3A_22 = vector.load %arg3[%get3A_20, %get3A_21] : memref<512x1xf32, #tpu.memory_space<vmem>>, vector<512x1xf32>
    %get3A_23 = arith.constant 0 : index
    %get3A_24 = arith.constant 0 : index
    %get3A_25 = vector.load %arg4[%get3A_23, %get3A_24] : memref<512x5xf32, #tpu.memory_space<vmem>>, vector<512x5xf32>
    %get3A_26 = arith.constant 0 : index
    %get3A_27 = arith.constant 0 : index
    %get3A_28 = vector.load %arg5[%get3A_26, %get3A_27] : memref<512x1xf32, #tpu.memory_space<vmem>>, vector<512x1xf32>
    %get3A_29 = arith.constant 0 : index
    %get3A_30 = arith.constant 0 : index
    %get3A_31 = vector.load %arg8[%get3A_29, %get3A_30] : memref<11x32xf32, #tpu.memory_space<vmem>>, vector<11x32xf32>
    %get3A_32 = arith.constant 0 : index
    %get3A_33 = vector.load %arg9[%get3A_32] : memref<32xf32, #tpu.memory_space<vmem>>, vector<32xf32>
    %get3A_34 = arith.constant 0 : index
    %get3A_35 = arith.constant 0 : index
    %get3A_36 = vector.load %arg10[%get3A_34, %get3A_35] : memref<32x32xf32, #tpu.memory_space<vmem>>, vector<32x32xf32>
    %get3A_37 = arith.constant 0 : index
    %get3A_38 = vector.load %arg11[%get3A_37] : memref<32xf32, #tpu.memory_space<vmem>>, vector<32xf32>
    %convert_element_type3A_39 = arith.truncf %get3A_31 : vector<11x32xf32> to vector<11x32xbf16>
    %convert_element_type3A_40 = arith.truncf %get3A_36 : vector<32x32xf32> to vector<32x32xbf16>
    %broadcast_in_dim3A = arith.constant 0.000000e+00 : f32
    %broadcast_in_dim3A_41 = vector.broadcast %broadcast_in_dim3A : f32 to vector<512x1xf32>
    %broadcast_in_dim3A_42 = arith.constant 0.000000e+00 : f32
    %broadcast_in_dim3A_43 = vector.broadcast %broadcast_in_dim3A_42 : f32 to vector<512x32xf32>
    %get3A_44 = arith.constant 0 : index
    %get3A_45 = arith.constant 0 : index
    %get3A_46 = arith.constant 0 : index
    %get3A_47 = vector.load %arg1[%get3A_44, %get3A_45, %get3A_46] : memref<6x512x48xf32, #tpu.memory_space<vmem>>, vector<1x512x48xf32>
    %get3A_48 = vector.shape_cast %get3A_47 : vector<1x512x48xf32> to vector<512x48xf32>
    %slice3A = vector.extract_strided_slice %get3A_48 {offsets = [0, 0], sizes = [512, 32], strides = [1, 1]} : vector<512x48xf32> to vector<512x32xf32>
    %slice3A_49 = vector.extract_strided_slice %get3A_48 {offsets = [0, 32], sizes = [512, 1], strides = [1, 1]} : vector<512x48xf32> to vector<512x1xf32>
    %slice3A_50 = vector.extract_strided_slice %get3A_48 {offsets = [0, 33], sizes = [512, 1], strides = [1, 1]} : vector<512x48xf32> to vector<512x1xf32>
    %max3A = arith.constant 0.000000e+00 : f32
    %max3A_51 = vector.broadcast %max3A : f32 to vector<512x1xf32>
    %max3A_52 = arith.maximumf %slice3A_50, %max3A_51 : vector<512x1xf32>
    %abs3A = math.absf %slice3A_50 : vector<512x1xf32>
    %neg3A = arith.constant 0.000000e+00 : f32
    %neg3A_53 = vector.broadcast %neg3A : f32 to vector<512x1xf32>
    %neg3A_54 = arith.subf %neg3A_53, %abs3A : vector<512x1xf32>
    %exp3A = math.exp %neg3A_54 : vector<512x1xf32>
    %add3A = arith.constant 1.000000e+00 : f32
    %add3A_55 = vector.broadcast %add3A : f32 to vector<512x1xf32>
    %add3A_56 = arith.addf %add3A_55, %exp3A : vector<512x1xf32>
    %log3A = math.log %add3A_56 : vector<512x1xf32>
    %add3A_57 = arith.addf %max3A_52, %log3A : vector<512x1xf32>
    %add3A_58 = arith.constant 9.99999997E-7 : f32
    %add3A_59 = vector.broadcast %add3A_58 : f32 to vector<512x1xf32>
    %add3A_60 = arith.addf %add3A_57, %add3A_59 : vector<512x1xf32>
    %div3A_61 = arith.constant 1.000000e+00 : f32
    %div3A_62 = vector.broadcast %div3A_61 : f32 to vector<512x1xf32>
    %div3A_63 = arith.divf %get3A_28, %div3A_62 : vector<512x1xf32>
    %concatenate3A = tpu.concatenate %slice3A_49, %add3A_60, %get3A_19, %get3A_22, %get3A_25, %broadcast_in_dim3A_41, %div3A_63 in 1 : vector<512x1xf32>, vector<512x1xf32>, vector<512x1xf32>, vector<512x1xf32>, vector<512x5xf32>, vector<512x1xf32>, vector<512x1xf32> -> vector<512x11xf32>
    %convert_element_type3A_64 = arith.truncf %concatenate3A : vector<512x11xf32> to vector<512x11xbf16>
    %dot_general3A = arith.constant dense<0.000000e+00> : vector<512x32xf32>
    %dot_general3A_65 = tpu.matmul %convert_element_type3A_64, %convert_element_type3A_39, %dot_general3A {dimension_numbers = #tpu.dot_dimension_numbers<[1], [0], [0], [1], [0, 0, 1, 1], [], []>, transpose_lhs_hint = false} : vector<512x11xbf16>, vector<11x32xbf16>, vector<512x32xf32> -> vector<512x32xf32>
    %broadcast_in_dim3A_66 = vector.shape_cast %get3A_33 : vector<32xf32> to vector<1x32xf32>
    %add3A_67 = vector.broadcast %broadcast_in_dim3A_66 : vector<1x32xf32> to vector<512x32xf32>
    %add3A_68 = arith.addf %dot_general3A_65, %add3A_67 : vector<512x32xf32>
    %max3A_69 = arith.constant 0.000000e+00 : f32
    %max3A_70 = vector.broadcast %max3A_69 : f32 to vector<512x32xf32>
    %max3A_71 = arith.maximumf %add3A_68, %max3A_70 : vector<512x32xf32>
    %convert_element_type3A_72 = arith.truncf %max3A_71 : vector<512x32xf32> to vector<512x32xbf16>
    %dot_general3A_73 = arith.constant dense<0.000000e+00> : vector<512x32xf32>
    %dot_general3A_74 = tpu.matmul %convert_element_type3A_72, %convert_element_type3A_40, %dot_general3A_73 {dimension_numbers = #tpu.dot_dimension_numbers<[1], [0], [0], [1], [0, 0, 1, 1], [], []>, transpose_lhs_hint = false} : vector<512x32xbf16>, vector<32x32xbf16>, vector<512x32xf32> -> vector<512x32xf32>
    %broadcast_in_dim3A_75 = vector.shape_cast %get3A_38 : vector<32xf32> to vector<1x32xf32>
    %add3A_76 = vector.broadcast %broadcast_in_dim3A_75 : vector<1x32xf32> to vector<512x32xf32>
    %add3A_77 = arith.addf %dot_general3A_74, %add3A_76 : vector<512x32xf32>
    %mul3A = vector.broadcast %add3A_60 : vector<512x1xf32> to vector<512x32xf32>
    %mul3A_78 = arith.mulf %mul3A, %slice3A : vector<512x32xf32>
    %add3A_79 = vector.broadcast %slice3A_49 : vector<512x1xf32> to vector<512x32xf32>
    %add3A_80 = arith.addf %add3A_79, %mul3A_78 : vector<512x32xf32>
    %mul3A_81 = arith.mulf %add3A_80, %add3A_77 : vector<512x32xf32>
    %add3A_82 = arith.addf %broadcast_in_dim3A_43, %mul3A_81 : vector<512x32xf32>
    %get3A_83 = arith.constant 1 : index
    %get3A_84 = arith.constant 0 : index
    %get3A_85 = arith.constant 0 : index
    %get3A_86 = vector.load %arg1[%get3A_83, %get3A_84, %get3A_85] : memref<6x512x48xf32, #tpu.memory_space<vmem>>, vector<1x512x48xf32>
    %get3A_87 = vector.shape_cast %get3A_86 : vector<1x512x48xf32> to vector<512x48xf32>
    %slice3A_88 = vector.extract_strided_slice %get3A_87 {offsets = [0, 0], sizes = [512, 32], strides = [1, 1]} : vector<512x48xf32> to vector<512x32xf32>
    %slice3A_89 = vector.extract_strided_slice %get3A_87 {offsets = [0, 32], sizes = [512, 1], strides = [1, 1]} : vector<512x48xf32> to vector<512x1xf32>
    %slice3A_90 = vector.extract_strided_slice %get3A_87 {offsets = [0, 33], sizes = [512, 1], strides = [1, 1]} : vector<512x48xf32> to vector<512x1xf32>
    %max3A_91 = arith.constant 0.000000e+00 : f32
    %max3A_92 = vector.broadcast %max3A_91 : f32 to vector<512x1xf32>
    %max3A_93 = arith.maximumf %slice3A_90, %max3A_92 : vector<512x1xf32>
    %abs3A_94 = math.absf %slice3A_90 : vector<512x1xf32>
    %neg3A_95 = arith.constant 0.000000e+00 : f32
    %neg3A_96 = vector.broadcast %neg3A_95 : f32 to vector<512x1xf32>
    %neg3A_97 = arith.subf %neg3A_96, %abs3A_94 : vector<512x1xf32>
    %exp3A_98 = math.exp %neg3A_97 : vector<512x1xf32>
    %add3A_99 = arith.constant 1.000000e+00 : f32
    %add3A_100 = vector.broadcast %add3A_99 : f32 to vector<512x1xf32>
    %add3A_101 = arith.addf %add3A_100, %exp3A_98 : vector<512x1xf32>
    %log3A_102 = math.log %add3A_101 : vector<512x1xf32>
    %add3A_103 = arith.addf %max3A_93, %log3A_102 : vector<512x1xf32>
    %add3A_104 = arith.constant 9.99999997E-7 : f32
    %add3A_105 = vector.broadcast %add3A_104 : f32 to vector<512x1xf32>
    %add3A_106 = arith.addf %add3A_103, %add3A_105 : vector<512x1xf32>
    %div3A_107 = arith.constant 2.000000e+00 : f32
    %div3A_108 = vector.broadcast %div3A_107 : f32 to vector<512x1xf32>
    %div3A_109 = arith.divf %get3A_28, %div3A_108 : vector<512x1xf32>
    %concatenate3A_110 = tpu.concatenate %slice3A_89, %add3A_106, %get3A_19, %get3A_22, %get3A_25, %broadcast_in_dim3A_41, %div3A_109 in 1 : vector<512x1xf32>, vector<512x1xf32>, vector<512x1xf32>, vector<512x1xf32>, vector<512x5xf32>, vector<512x1xf32>, vector<512x1xf32> -> vector<512x11xf32>
    %convert_element_type3A_111 = arith.truncf %concatenate3A_110 : vector<512x11xf32> to vector<512x11xbf16>
    %dot_general3A_112 = arith.constant dense<0.000000e+00> : vector<512x32xf32>
    %dot_general3A_113 = tpu.matmul %convert_element_type3A_111, %convert_element_type3A_39, %dot_general3A_112 {dimension_numbers = #tpu.dot_dimension_numbers<[1], [0], [0], [1], [0, 0, 1, 1], [], []>, transpose_lhs_hint = false} : vector<512x11xbf16>, vector<11x32xbf16>, vector<512x32xf32> -> vector<512x32xf32>
    %broadcast_in_dim3A_114 = vector.shape_cast %get3A_33 : vector<32xf32> to vector<1x32xf32>
    %add3A_115 = vector.broadcast %broadcast_in_dim3A_114 : vector<1x32xf32> to vector<512x32xf32>
    %add3A_116 = arith.addf %dot_general3A_113, %add3A_115 : vector<512x32xf32>
    %max3A_117 = arith.constant 0.000000e+00 : f32
    %max3A_118 = vector.broadcast %max3A_117 : f32 to vector<512x32xf32>
    %max3A_119 = arith.maximumf %add3A_116, %max3A_118 : vector<512x32xf32>
    %convert_element_type3A_120 = arith.truncf %max3A_119 : vector<512x32xf32> to vector<512x32xbf16>
    %dot_general3A_121 = arith.constant dense<0.000000e+00> : vector<512x32xf32>
    %dot_general3A_122 = tpu.matmul %convert_element_type3A_120, %convert_element_type3A_40, %dot_general3A_121 {dimension_numbers = #tpu.dot_dimension_numbers<[1], [0], [0], [1], [0, 0, 1, 1], [], []>, transpose_lhs_hint = false} : vector<512x32xbf16>, vector<32x32xbf16>, vector<512x32xf32> -> vector<512x32xf32>
    %broadcast_in_dim3A_123 = vector.shape_cast %get3A_38 : vector<32xf32> to vector<1x32xf32>
    %add3A_124 = vector.broadcast %broadcast_in_dim3A_123 : vector<1x32xf32> to vector<512x32xf32>
    %add3A_125 = arith.addf %dot_general3A_122, %add3A_124 : vector<512x32xf32>
    %mul3A_126 = vector.broadcast %add3A_106 : vector<512x1xf32> to vector<512x32xf32>
    %mul3A_127 = arith.mulf %mul3A_126, %slice3A_88 : vector<512x32xf32>
    %add3A_128 = vector.broadcast %slice3A_89 : vector<512x1xf32> to vector<512x32xf32>
    %add3A_129 = arith.addf %add3A_128, %mul3A_127 : vector<512x32xf32>
    %mul3A_130 = arith.mulf %add3A_129, %add3A_125 : vector<512x32xf32>
    %add3A_131 = arith.addf %add3A_82, %mul3A_130 : vector<512x32xf32>
    %get3A_132 = arith.constant 2 : index
    %get3A_133 = arith.constant 0 : index
    %get3A_134 = arith.constant 0 : index
    %get3A_135 = vector.load %arg1[%get3A_132, %get3A_133, %get3A_134] : memref<6x512x48xf32, #tpu.memory_space<vmem>>, vector<1x512x48xf32>
    %get3A_136 = vector.shape_cast %get3A_135 : vector<1x512x48xf32> to vector<512x48xf32>
    %slice3A_137 = vector.extract_strided_slice %get3A_136 {offsets = [0, 0], sizes = [512, 32], strides = [1, 1]} : vector<512x48xf32> to vector<512x32xf32>
    %slice3A_138 = vector.extract_strided_slice %get3A_136 {offsets = [0, 32], sizes = [512, 1], strides = [1, 1]} : vector<512x48xf32> to vector<512x1xf32>
    %slice3A_139 = vector.extract_strided_slice %get3A_136 {offsets = [0, 33], sizes = [512, 1], strides = [1, 1]} : vector<512x48xf32> to vector<512x1xf32>
    %max3A_140 = arith.constant 0.000000e+00 : f32
    %max3A_141 = vector.broadcast %max3A_140 : f32 to vector<512x1xf32>
    %max3A_142 = arith.maximumf %slice3A_139, %max3A_141 : vector<512x1xf32>
    %abs3A_143 = math.absf %slice3A_139 : vector<512x1xf32>
    %neg3A_144 = arith.constant 0.000000e+00 : f32
    %neg3A_145 = vector.broadcast %neg3A_144 : f32 to vector<512x1xf32>
    %neg3A_146 = arith.subf %neg3A_145, %abs3A_143 : vector<512x1xf32>
    %exp3A_147 = math.exp %neg3A_146 : vector<512x1xf32>
    %add3A_148 = arith.constant 1.000000e+00 : f32
    %add3A_149 = vector.broadcast %add3A_148 : f32 to vector<512x1xf32>
    %add3A_150 = arith.addf %add3A_149, %exp3A_147 : vector<512x1xf32>
    %log3A_151 = math.log %add3A_150 : vector<512x1xf32>
    %add3A_152 = arith.addf %max3A_142, %log3A_151 : vector<512x1xf32>
    %add3A_153 = arith.constant 9.99999997E-7 : f32
    %add3A_154 = vector.broadcast %add3A_153 : f32 to vector<512x1xf32>
    %add3A_155 = arith.addf %add3A_152, %add3A_154 : vector<512x1xf32>
    %div3A_156 = arith.constant 3.000000e+00 : f32
    %div3A_157 = vector.broadcast %div3A_156 : f32 to vector<512x1xf32>
    %div3A_158 = arith.divf %get3A_28, %div3A_157 : vector<512x1xf32>
    %concatenate3A_159 = tpu.concatenate %slice3A_138, %add3A_155, %get3A_19, %get3A_22, %get3A_25, %broadcast_in_dim3A_41, %div3A_158 in 1 : vector<512x1xf32>, vector<512x1xf32>, vector<512x1xf32>, vector<512x1xf32>, vector<512x5xf32>, vector<512x1xf32>, vector<512x1xf32> -> vector<512x11xf32>
    %convert_element_type3A_160 = arith.truncf %concatenate3A_159 : vector<512x11xf32> to vector<512x11xbf16>
    %dot_general3A_161 = arith.constant dense<0.000000e+00> : vector<512x32xf32>
    %dot_general3A_162 = tpu.matmul %convert_element_type3A_160, %convert_element_type3A_39, %dot_general3A_161 {dimension_numbers = #tpu.dot_dimension_numbers<[1], [0], [0], [1], [0, 0, 1, 1], [], []>, transpose_lhs_hint = false} : vector<512x11xbf16>, vector<11x32xbf16>, vector<512x32xf32> -> vector<512x32xf32>
    %broadcast_in_dim3A_163 = vector.shape_cast %get3A_33 : vector<32xf32> to vector<1x32xf32>
    %add3A_164 = vector.broadcast %broadcast_in_dim3A_163 : vector<1x32xf32> to vector<512x32xf32>
    %add3A_165 = arith.addf %dot_general3A_162, %add3A_164 : vector<512x32xf32>
    %max3A_166 = arith.constant 0.000000e+00 : f32
    %max3A_167 = vector.broadcast %max3A_166 : f32 to vector<512x32xf32>
    %max3A_168 = arith.maximumf %add3A_165, %max3A_167 : vector<512x32xf32>
    %convert_element_type3A_169 = arith.truncf %max3A_168 : vector<512x32xf32> to vector<512x32xbf16>
    %dot_general3A_170 = arith.constant dense<0.000000e+00> : vector<512x32xf32>
    %dot_general3A_171 = tpu.matmul %convert_element_type3A_169, %convert_element_type3A_40, %dot_general3A_170 {dimension_numbers = #tpu.dot_dimension_numbers<[1], [0], [0], [1], [0, 0, 1, 1], [], []>, transpose_lhs_hint = false} : vector<512x32xbf16>, vector<32x32xbf16>, vector<512x32xf32> -> vector<512x32xf32>
    %broadcast_in_dim3A_172 = vector.shape_cast %get3A_38 : vector<32xf32> to vector<1x32xf32>
    %add3A_173 = vector.broadcast %broadcast_in_dim3A_172 : vector<1x32xf32> to vector<512x32xf32>
    %add3A_174 = arith.addf %dot_general3A_171, %add3A_173 : vector<512x32xf32>
    %mul3A_175 = vector.broadcast %add3A_155 : vector<512x1xf32> to vector<512x32xf32>
    %mul3A_176 = arith.mulf %mul3A_175, %slice3A_137 : vector<512x32xf32>
    %add3A_177 = vector.broadcast %slice3A_138 : vector<512x1xf32> to vector<512x32xf32>
    %add3A_178 = arith.addf %add3A_177, %mul3A_176 : vector<512x32xf32>
    %mul3A_179 = arith.mulf %add3A_178, %add3A_174 : vector<512x32xf32>
    %add3A_180 = arith.addf %add3A_131, %mul3A_179 : vector<512x32xf32>
    %broadcast_in_dim3A_181 = arith.constant 0.000000e+00 : f32
    %broadcast_in_dim3A_182 = vector.broadcast %broadcast_in_dim3A_181 : f32 to vector<512x32xf32>
    %get3A_183 = arith.constant 3 : index
    %get3A_184 = arith.constant 0 : index
    %get3A_185 = arith.constant 0 : index
    %get3A_186 = vector.load %arg1[%get3A_183, %get3A_184, %get3A_185] : memref<6x512x48xf32, #tpu.memory_space<vmem>>, vector<1x512x48xf32>
    %get3A_187 = vector.shape_cast %get3A_186 : vector<1x512x48xf32> to vector<512x48xf32>
    %slice3A_188 = vector.extract_strided_slice %get3A_187 {offsets = [0, 0], sizes = [512, 32], strides = [1, 1]} : vector<512x48xf32> to vector<512x32xf32>
    %slice3A_189 = vector.extract_strided_slice %get3A_187 {offsets = [0, 32], sizes = [512, 1], strides = [1, 1]} : vector<512x48xf32> to vector<512x1xf32>
    %slice3A_190 = vector.extract_strided_slice %get3A_187 {offsets = [0, 33], sizes = [512, 1], strides = [1, 1]} : vector<512x48xf32> to vector<512x1xf32>
    %max3A_191 = arith.constant 0.000000e+00 : f32
    %max3A_192 = vector.broadcast %max3A_191 : f32 to vector<512x1xf32>
    %max3A_193 = arith.maximumf %slice3A_190, %max3A_192 : vector<512x1xf32>
    %abs3A_194 = math.absf %slice3A_190 : vector<512x1xf32>
    %neg3A_195 = arith.constant 0.000000e+00 : f32
    %neg3A_196 = vector.broadcast %neg3A_195 : f32 to vector<512x1xf32>
    %neg3A_197 = arith.subf %neg3A_196, %abs3A_194 : vector<512x1xf32>
    %exp3A_198 = math.exp %neg3A_197 : vector<512x1xf32>
    %add3A_199 = arith.constant 1.000000e+00 : f32
    %add3A_200 = vector.broadcast %add3A_199 : f32 to vector<512x1xf32>
    %add3A_201 = arith.addf %add3A_200, %exp3A_198 : vector<512x1xf32>
    %log3A_202 = math.log %add3A_201 : vector<512x1xf32>
    %add3A_203 = arith.addf %max3A_193, %log3A_202 : vector<512x1xf32>
    %add3A_204 = arith.constant 9.99999997E-7 : f32
    %add3A_205 = vector.broadcast %add3A_204 : f32 to vector<512x1xf32>
    %add3A_206 = arith.addf %add3A_203, %add3A_205 : vector<512x1xf32>
    %div3A_207 = arith.constant 1.000000e+00 : f32
    %div3A_208 = vector.broadcast %div3A_207 : f32 to vector<512x1xf32>
    %div3A_209 = arith.divf %get3A_28, %div3A_208 : vector<512x1xf32>
    %concatenate3A_210 = tpu.concatenate %slice3A_189, %add3A_206, %get3A_19, %get3A_22, %get3A_25, %broadcast_in_dim3A_41, %div3A_209 in 1 : vector<512x1xf32>, vector<512x1xf32>, vector<512x1xf32>, vector<512x1xf32>, vector<512x5xf32>, vector<512x1xf32>, vector<512x1xf32> -> vector<512x11xf32>
    %convert_element_type3A_211 = arith.truncf %concatenate3A_210 : vector<512x11xf32> to vector<512x11xbf16>
    %dot_general3A_212 = arith.constant dense<0.000000e+00> : vector<512x32xf32>
    %dot_general3A_213 = tpu.matmul %convert_element_type3A_211, %convert_element_type3A_39, %dot_general3A_212 {dimension_numbers = #tpu.dot_dimension_numbers<[1], [0], [0], [1], [0, 0, 1, 1], [], []>, transpose_lhs_hint = false} : vector<512x11xbf16>, vector<11x32xbf16>, vector<512x32xf32> -> vector<512x32xf32>
    %broadcast_in_dim3A_214 = vector.shape_cast %get3A_33 : vector<32xf32> to vector<1x32xf32>
    %add3A_215 = vector.broadcast %broadcast_in_dim3A_214 : vector<1x32xf32> to vector<512x32xf32>
    %add3A_216 = arith.addf %dot_general3A_213, %add3A_215 : vector<512x32xf32>
    %max3A_217 = arith.constant 0.000000e+00 : f32
    %max3A_218 = vector.broadcast %max3A_217 : f32 to vector<512x32xf32>
    %max3A_219 = arith.maximumf %add3A_216, %max3A_218 : vector<512x32xf32>
    %convert_element_type3A_220 = arith.truncf %max3A_219 : vector<512x32xf32> to vector<512x32xbf16>
    %dot_general3A_221 = arith.constant dense<0.000000e+00> : vector<512x32xf32>
    %dot_general3A_222 = tpu.matmul %convert_element_type3A_220, %convert_element_type3A_40, %dot_general3A_221 {dimension_numbers = #tpu.dot_dimension_numbers<[1], [0], [0], [1], [0, 0, 1, 1], [], []>, transpose_lhs_hint = false} : vector<512x32xbf16>, vector<32x32xbf16>, vector<512x32xf32> -> vector<512x32xf32>
    %broadcast_in_dim3A_223 = vector.shape_cast %get3A_38 : vector<32xf32> to vector<1x32xf32>
    %add3A_224 = vector.broadcast %broadcast_in_dim3A_223 : vector<1x32xf32> to vector<512x32xf32>
    %add3A_225 = arith.addf %dot_general3A_222, %add3A_224 : vector<512x32xf32>
    %mul3A_226 = vector.broadcast %add3A_206 : vector<512x1xf32> to vector<512x32xf32>
    %mul3A_227 = arith.mulf %mul3A_226, %slice3A_188 : vector<512x32xf32>
    %add3A_228 = vector.broadcast %slice3A_189 : vector<512x1xf32> to vector<512x32xf32>
    %add3A_229 = arith.addf %add3A_228, %mul3A_227 : vector<512x32xf32>
    %mul3A_230 = arith.mulf %add3A_229, %add3A_225 : vector<512x32xf32>
    %add3A_231 = arith.addf %broadcast_in_dim3A_182, %mul3A_230 : vector<512x32xf32>
    %get3A_232 = arith.constant 4 : index
    %get3A_233 = arith.constant 0 : index
    %get3A_234 = arith.constant 0 : index
    %get3A_235 = vector.load %arg1[%get3A_232, %get3A_233, %get3A_234] : memref<6x512x48xf32, #tpu.memory_space<vmem>>, vector<1x512x48xf32>
    %get3A_236 = vector.shape_cast %get3A_235 : vector<1x512x48xf32> to vector<512x48xf32>
    %slice3A_237 = vector.extract_strided_slice %get3A_236 {offsets = [0, 0], sizes = [512, 32], strides = [1, 1]} : vector<512x48xf32> to vector<512x32xf32>
    %slice3A_238 = vector.extract_strided_slice %get3A_236 {offsets = [0, 32], sizes = [512, 1], strides = [1, 1]} : vector<512x48xf32> to vector<512x1xf32>
    %slice3A_239 = vector.extract_strided_slice %get3A_236 {offsets = [0, 33], sizes = [512, 1], strides = [1, 1]} : vector<512x48xf32> to vector<512x1xf32>
    %max3A_240 = arith.constant 0.000000e+00 : f32
    %max3A_241 = vector.broadcast %max3A_240 : f32 to vector<512x1xf32>
    %max3A_242 = arith.maximumf %slice3A_239, %max3A_241 : vector<512x1xf32>
    %abs3A_243 = math.absf %slice3A_239 : vector<512x1xf32>
    %neg3A_244 = arith.constant 0.000000e+00 : f32
    %neg3A_245 = vector.broadcast %neg3A_244 : f32 to vector<512x1xf32>
    %neg3A_246 = arith.subf %neg3A_245, %abs3A_243 : vector<512x1xf32>
    %exp3A_247 = math.exp %neg3A_246 : vector<512x1xf32>
    %add3A_248 = arith.constant 1.000000e+00 : f32
    %add3A_249 = vector.broadcast %add3A_248 : f32 to vector<512x1xf32>
    %add3A_250 = arith.addf %add3A_249, %exp3A_247 : vector<512x1xf32>
    %log3A_251 = math.log %add3A_250 : vector<512x1xf32>
    %add3A_252 = arith.addf %max3A_242, %log3A_251 : vector<512x1xf32>
    %add3A_253 = arith.constant 9.99999997E-7 : f32
    %add3A_254 = vector.broadcast %add3A_253 : f32 to vector<512x1xf32>
    %add3A_255 = arith.addf %add3A_252, %add3A_254 : vector<512x1xf32>
    %div3A_256 = arith.constant 2.000000e+00 : f32
    %div3A_257 = vector.broadcast %div3A_256 : f32 to vector<512x1xf32>
    %div3A_258 = arith.divf %get3A_28, %div3A_257 : vector<512x1xf32>
    %concatenate3A_259 = tpu.concatenate %slice3A_238, %add3A_255, %get3A_19, %get3A_22, %get3A_25, %broadcast_in_dim3A_41, %div3A_258 in 1 : vector<512x1xf32>, vector<512x1xf32>, vector<512x1xf32>, vector<512x1xf32>, vector<512x5xf32>, vector<512x1xf32>, vector<512x1xf32> -> vector<512x11xf32>
    %convert_element_type3A_260 = arith.truncf %concatenate3A_259 : vector<512x11xf32> to vector<512x11xbf16>
    %dot_general3A_261 = arith.constant dense<0.000000e+00> : vector<512x32xf32>
    %dot_general3A_262 = tpu.matmul %convert_element_type3A_260, %convert_element_type3A_39, %dot_general3A_261 {dimension_numbers = #tpu.dot_dimension_numbers<[1], [0], [0], [1], [0, 0, 1, 1], [], []>, transpose_lhs_hint = false} : vector<512x11xbf16>, vector<11x32xbf16>, vector<512x32xf32> -> vector<512x32xf32>
    %broadcast_in_dim3A_263 = vector.shape_cast %get3A_33 : vector<32xf32> to vector<1x32xf32>
    %add3A_264 = vector.broadcast %broadcast_in_dim3A_263 : vector<1x32xf32> to vector<512x32xf32>
    %add3A_265 = arith.addf %dot_general3A_262, %add3A_264 : vector<512x32xf32>
    %max3A_266 = arith.constant 0.000000e+00 : f32
    %max3A_267 = vector.broadcast %max3A_266 : f32 to vector<512x32xf32>
    %max3A_268 = arith.maximumf %add3A_265, %max3A_267 : vector<512x32xf32>
    %convert_element_type3A_269 = arith.truncf %max3A_268 : vector<512x32xf32> to vector<512x32xbf16>
    %dot_general3A_270 = arith.constant dense<0.000000e+00> : vector<512x32xf32>
    %dot_general3A_271 = tpu.matmul %convert_element_type3A_269, %convert_element_type3A_40, %dot_general3A_270 {dimension_numbers = #tpu.dot_dimension_numbers<[1], [0], [0], [1], [0, 0, 1, 1], [], []>, transpose_lhs_hint = false} : vector<512x32xbf16>, vector<32x32xbf16>, vector<512x32xf32> -> vector<512x32xf32>
    %broadcast_in_dim3A_272 = vector.shape_cast %get3A_38 : vector<32xf32> to vector<1x32xf32>
    %add3A_273 = vector.broadcast %broadcast_in_dim3A_272 : vector<1x32xf32> to vector<512x32xf32>
    %add3A_274 = arith.addf %dot_general3A_271, %add3A_273 : vector<512x32xf32>
    %mul3A_275 = vector.broadcast %add3A_255 : vector<512x1xf32> to vector<512x32xf32>
    %mul3A_276 = arith.mulf %mul3A_275, %slice3A_237 : vector<512x32xf32>
    %add3A_277 = vector.broadcast %slice3A_238 : vector<512x1xf32> to vector<512x32xf32>
    %add3A_278 = arith.addf %add3A_277, %mul3A_276 : vector<512x32xf32>
    %mul3A_279 = arith.mulf %add3A_278, %add3A_274 : vector<512x32xf32>
    %add3A_280 = arith.addf %add3A_231, %mul3A_279 : vector<512x32xf32>
    %get3A_281 = arith.constant 5 : index
    %get3A_282 = arith.constant 0 : index
    %get3A_283 = arith.constant 0 : index
    %get3A_284 = vector.load %arg1[%get3A_281, %get3A_282, %get3A_283] : memref<6x512x48xf32, #tpu.memory_space<vmem>>, vector<1x512x48xf32>
    %get3A_285 = vector.shape_cast %get3A_284 : vector<1x512x48xf32> to vector<512x48xf32>
    %slice3A_286 = vector.extract_strided_slice %get3A_285 {offsets = [0, 0], sizes = [512, 32], strides = [1, 1]} : vector<512x48xf32> to vector<512x32xf32>
    %slice3A_287 = vector.extract_strided_slice %get3A_285 {offsets = [0, 32], sizes = [512, 1], strides = [1, 1]} : vector<512x48xf32> to vector<512x1xf32>
    %slice3A_288 = vector.extract_strided_slice %get3A_285 {offsets = [0, 33], sizes = [512, 1], strides = [1, 1]} : vector<512x48xf32> to vector<512x1xf32>
    %max3A_289 = arith.constant 0.000000e+00 : f32
    %max3A_290 = vector.broadcast %max3A_289 : f32 to vector<512x1xf32>
    %max3A_291 = arith.maximumf %slice3A_288, %max3A_290 : vector<512x1xf32>
    %abs3A_292 = math.absf %slice3A_288 : vector<512x1xf32>
    %neg3A_293 = arith.constant 0.000000e+00 : f32
    %neg3A_294 = vector.broadcast %neg3A_293 : f32 to vector<512x1xf32>
    %neg3A_295 = arith.subf %neg3A_294, %abs3A_292 : vector<512x1xf32>
    %exp3A_296 = math.exp %neg3A_295 : vector<512x1xf32>
    %add3A_297 = arith.constant 1.000000e+00 : f32
    %add3A_298 = vector.broadcast %add3A_297 : f32 to vector<512x1xf32>
    %add3A_299 = arith.addf %add3A_298, %exp3A_296 : vector<512x1xf32>
    %log3A_300 = math.log %add3A_299 : vector<512x1xf32>
    %add3A_301 = arith.addf %max3A_291, %log3A_300 : vector<512x1xf32>
    %add3A_302 = arith.constant 9.99999997E-7 : f32
    %add3A_303 = vector.broadcast %add3A_302 : f32 to vector<512x1xf32>
    %add3A_304 = arith.addf %add3A_301, %add3A_303 : vector<512x1xf32>
    %div3A_305 = arith.constant 3.000000e+00 : f32
    %div3A_306 = vector.broadcast %div3A_305 : f32 to vector<512x1xf32>
    %div3A_307 = arith.divf %get3A_28, %div3A_306 : vector<512x1xf32>
    %concatenate3A_308 = tpu.concatenate %slice3A_287, %add3A_304, %get3A_19, %get3A_22, %get3A_25, %broadcast_in_dim3A_41, %div3A_307 in 1 : vector<512x1xf32>, vector<512x1xf32>, vector<512x1xf32>, vector<512x1xf32>, vector<512x5xf32>, vector<512x1xf32>, vector<512x1xf32> -> vector<512x11xf32>
    %convert_element_type3A_309 = arith.truncf %concatenate3A_308 : vector<512x11xf32> to vector<512x11xbf16>
    %dot_general3A_310 = arith.constant dense<0.000000e+00> : vector<512x32xf32>
    %dot_general3A_311 = tpu.matmul %convert_element_type3A_309, %convert_element_type3A_39, %dot_general3A_310 {dimension_numbers = #tpu.dot_dimension_numbers<[1], [0], [0], [1], [0, 0, 1, 1], [], []>, transpose_lhs_hint = false} : vector<512x11xbf16>, vector<11x32xbf16>, vector<512x32xf32> -> vector<512x32xf32>
    %broadcast_in_dim3A_312 = vector.shape_cast %get3A_33 : vector<32xf32> to vector<1x32xf32>
    %add3A_313 = vector.broadcast %broadcast_in_dim3A_312 : vector<1x32xf32> to vector<512x32xf32>
    %add3A_314 = arith.addf %dot_general3A_311, %add3A_313 : vector<512x32xf32>
    %max3A_315 = arith.constant 0.000000e+00 : f32
    %max3A_316 = vector.broadcast %max3A_315 : f32 to vector<512x32xf32>
    %max3A_317 = arith.maximumf %add3A_314, %max3A_316 : vector<512x32xf32>
    %convert_element_type3A_318 = arith.truncf %max3A_317 : vector<512x32xf32> to vector<512x32xbf16>
    %dot_general3A_319 = arith.constant dense<0.000000e+00> : vector<512x32xf32>
    %dot_general3A_320 = tpu.matmul %convert_element_type3A_318, %convert_element_type3A_40, %dot_general3A_319 {dimension_numbers = #tpu.dot_dimension_numbers<[1], [0], [0], [1], [0, 0, 1, 1], [], []>, transpose_lhs_hint = false} : vector<512x32xbf16>, vector<32x32xbf16>, vector<512x32xf32> -> vector<512x32xf32>
    %broadcast_in_dim3A_321 = vector.shape_cast %get3A_38 : vector<32xf32> to vector<1x32xf32>
    %add3A_322 = vector.broadcast %broadcast_in_dim3A_321 : vector<1x32xf32> to vector<512x32xf32>
    %add3A_323 = arith.addf %dot_general3A_320, %add3A_322 : vector<512x32xf32>
    %mul3A_324 = vector.broadcast %add3A_304 : vector<512x1xf32> to vector<512x32xf32>
    %mul3A_325 = arith.mulf %mul3A_324, %slice3A_286 : vector<512x32xf32>
    %add3A_326 = vector.broadcast %slice3A_287 : vector<512x1xf32> to vector<512x32xf32>
    %add3A_327 = arith.addf %add3A_326, %mul3A_325 : vector<512x32xf32>
    %mul3A_328 = arith.mulf %add3A_327, %add3A_323 : vector<512x32xf32>
    %add3A_329 = arith.addf %add3A_280, %mul3A_328 : vector<512x32xf32>
    %mul3A_330 = arith.mulf %get3A_22, %get3A_22 : vector<512x1xf32>
    %div3A_331 = arith.constant 1.000000e+00 : f32
    %div3A_332 = vector.broadcast %div3A_331 : f32 to vector<512x1xf32>
    %div3A_333 = arith.divf %div3A_332, %mul3A_330 : vector<512x1xf32>
    %reduce_sum3A = vector.shape_cast %div3A_333 : vector<512x1xf32> to vector<1x512x1xf32>
    %reduce_sum3A_334 = arith.constant dense<0.000000e+00> : vector<1xf32>
    %reduce_sum3A_335 = vector.multi_reduction <add>, %reduce_sum3A, %reduce_sum3A_334 [1, 2] : vector<1x512x1xf32> to vector<1xf32>
    %reduce_sum3A_336 = vector.shape_cast %reduce_sum3A_335 : vector<1xf32> to vector<1x1x1xf32>
    %reduce_sum3A_337 = vector.extract %reduce_sum3A_336[0, 0, 0] : f32 from vector<1x1x1xf32>
    %mul3A_338 = arith.mulf %div3A_333, %get3A_19 : vector<512x1xf32>
    %reduce_sum3A_339 = vector.shape_cast %mul3A_338 : vector<512x1xf32> to vector<1x512x1xf32>
    %reduce_sum3A_340 = arith.constant dense<0.000000e+00> : vector<1xf32>
    %reduce_sum3A_341 = vector.multi_reduction <add>, %reduce_sum3A_339, %reduce_sum3A_340 [1, 2] : vector<1x512x1xf32> to vector<1xf32>
    %reduce_sum3A_342 = vector.shape_cast %reduce_sum3A_341 : vector<1xf32> to vector<1x1x1xf32>
    %reduce_sum3A_343 = vector.extract %reduce_sum3A_342[0, 0, 0] : f32 from vector<1x1x1xf32>
    %mul3A_344 = arith.mulf %div3A_333, %get3A_19 : vector<512x1xf32>
    %mul3A_345 = arith.mulf %mul3A_344, %get3A_19 : vector<512x1xf32>
    %reduce_sum3A_346 = vector.shape_cast %mul3A_345 : vector<512x1xf32> to vector<1x512x1xf32>
    %reduce_sum3A_347 = arith.constant dense<0.000000e+00> : vector<1xf32>
    %reduce_sum3A_348 = vector.multi_reduction <add>, %reduce_sum3A_346, %reduce_sum3A_347 [1, 2] : vector<1x512x1xf32> to vector<1xf32>
    %reduce_sum3A_349 = vector.shape_cast %reduce_sum3A_348 : vector<1xf32> to vector<1x1x1xf32>
    %reduce_sum3A_350 = vector.extract %reduce_sum3A_349[0, 0, 0] : f32 from vector<1x1x1xf32>
    %reduce_sum3A_351 = arith.constant dense<0.000000e+00> : vector<512xf32>
    %reduce_sum3A_352 = vector.multi_reduction <add>, %add3A_180, %reduce_sum3A_351 [1] : vector<512x32xf32> to vector<512xf32>
    %broadcast_in_dim3A_353 = vector.shape_cast %reduce_sum3A_352 : vector<512xf32> to vector<512x1xf32>
    %div3A_354 = arith.constant 3.200000e+01 : f32
    %div3A_355 = vector.broadcast %div3A_354 : f32 to vector<512x1xf32>
    %div3A_356 = arith.divf %broadcast_in_dim3A_353, %div3A_355 : vector<512x1xf32>
    %mul3A_357 = arith.mulf %div3A_333, %div3A_356 : vector<512x1xf32>
    %reduce_sum3A_358 = vector.shape_cast %mul3A_357 : vector<512x1xf32> to vector<1x512x1xf32>
    %reduce_sum3A_359 = arith.constant dense<0.000000e+00> : vector<1xf32>
    %reduce_sum3A_360 = vector.multi_reduction <add>, %reduce_sum3A_358, %reduce_sum3A_359 [1, 2] : vector<1x512x1xf32> to vector<1xf32>
    %reduce_sum3A_361 = vector.shape_cast %reduce_sum3A_360 : vector<1xf32> to vector<1x1x1xf32>
    %reduce_sum3A_362 = vector.extract %reduce_sum3A_361[0, 0, 0] : f32 from vector<1x1x1xf32>
    %mul3A_363 = arith.mulf %div3A_333, %get3A_19 : vector<512x1xf32>
    %mul3A_364 = arith.mulf %mul3A_363, %div3A_356 : vector<512x1xf32>
    %reduce_sum3A_365 = vector.shape_cast %mul3A_364 : vector<512x1xf32> to vector<1x512x1xf32>
    %reduce_sum3A_366 = arith.constant dense<0.000000e+00> : vector<1xf32>
    %reduce_sum3A_367 = vector.multi_reduction <add>, %reduce_sum3A_365, %reduce_sum3A_366 [1, 2] : vector<1x512x1xf32> to vector<1xf32>
    %reduce_sum3A_368 = vector.shape_cast %reduce_sum3A_367 : vector<1xf32> to vector<1x1x1xf32>
    %reduce_sum3A_369 = vector.extract %reduce_sum3A_368[0, 0, 0] : f32 from vector<1x1x1xf32>
    %mul3A_370 = arith.mulf %div3A_333, %div3A_356 : vector<512x1xf32>
    %mul3A_371 = arith.mulf %mul3A_370, %div3A_356 : vector<512x1xf32>
    %reduce_sum3A_372 = vector.shape_cast %mul3A_371 : vector<512x1xf32> to vector<1x512x1xf32>
    %reduce_sum3A_373 = arith.constant dense<0.000000e+00> : vector<1xf32>
    %reduce_sum3A_374 = vector.multi_reduction <add>, %reduce_sum3A_372, %reduce_sum3A_373 [1, 2] : vector<1x512x1xf32> to vector<1xf32>
    %reduce_sum3A_375 = vector.shape_cast %reduce_sum3A_374 : vector<1xf32> to vector<1x1x1xf32>
    %reduce_sum3A_376 = vector.extract %reduce_sum3A_375[0, 0, 0] : f32 from vector<1x1x1xf32>
    %sub3A_377 = vector.broadcast %get3A_19 : vector<512x1xf32> to vector<512x32xf32>
    %sub3A_378 = arith.subf %add3A_180, %sub3A_377 : vector<512x32xf32>
    %div3A_379 = vector.broadcast %get3A_22 : vector<512x1xf32> to vector<512x32xf32>
    %div3A_380 = arith.divf %sub3A_378, %div3A_379 : vector<512x32xf32>
    %mul3A_381 = arith.mulf %div3A_380, %div3A_380 : vector<512x32xf32>
    %reduce_sum3A_382 = arith.constant dense<0.000000e+00> : vector<512xf32>
    %reduce_sum3A_383 = vector.multi_reduction <add>, %mul3A_381, %reduce_sum3A_382 [1] : vector<512x32xf32> to vector<512xf32>
    %broadcast_in_dim3A_384 = vector.shape_cast %reduce_sum3A_383 : vector<512xf32> to vector<512x1xf32>
    %div3A_385 = arith.constant 3.200000e+01 : f32
    %div3A_386 = vector.broadcast %div3A_385 : f32 to vector<512x1xf32>
    %div3A_387 = arith.divf %broadcast_in_dim3A_384, %div3A_386 : vector<512x1xf32>
    %mul3A_388 = arith.constant -5.000000e-01 : f32
    %mul3A_389 = vector.broadcast %mul3A_388 : f32 to vector<512x1xf32>
    %mul3A_390 = arith.mulf %mul3A_389, %div3A_387 : vector<512x1xf32>
    %log3A_391 = math.log %get3A_22 : vector<512x1xf32>
    %sub3A_392 = arith.subf %mul3A_390, %log3A_391 : vector<512x1xf32>
    %sub3A_393 = arith.constant 0.918938517 : f32
    %sub3A_394 = vector.broadcast %sub3A_393 : f32 to vector<512x1xf32>
    %sub3A_395 = arith.subf %sub3A_392, %sub3A_394 : vector<512x1xf32>
    %reduce_sum3A_396 = vector.shape_cast %sub3A_395 : vector<512x1xf32> to vector<1x512x1xf32>
    %reduce_sum3A_397 = arith.constant dense<0.000000e+00> : vector<1xf32>
    %reduce_sum3A_398 = vector.multi_reduction <add>, %reduce_sum3A_396, %reduce_sum3A_397 [1, 2] : vector<1x512x1xf32> to vector<1xf32>
    %reduce_sum3A_399 = vector.shape_cast %reduce_sum3A_398 : vector<1xf32> to vector<1x1x1xf32>
    %reduce_sum3A_400 = vector.extract %reduce_sum3A_399[0, 0, 0] : f32 from vector<1x1x1xf32>
    %reduce_sum3A_401 = arith.constant dense<0.000000e+00> : vector<512xf32>
    %reduce_sum3A_402 = vector.multi_reduction <add>, %add3A_329, %reduce_sum3A_401 [1] : vector<512x32xf32> to vector<512xf32>
    %broadcast_in_dim3A_403 = vector.shape_cast %reduce_sum3A_402 : vector<512xf32> to vector<512x1xf32>
    %div3A_404 = arith.constant 3.200000e+01 : f32
    %div3A_405 = vector.broadcast %div3A_404 : f32 to vector<512x1xf32>
    %div3A_406 = arith.divf %broadcast_in_dim3A_403, %div3A_405 : vector<512x1xf32>
    %mul3A_407 = arith.mulf %div3A_333, %div3A_406 : vector<512x1xf32>
    %reduce_sum3A_408 = vector.shape_cast %mul3A_407 : vector<512x1xf32> to vector<1x512x1xf32>
    %reduce_sum3A_409 = arith.constant dense<0.000000e+00> : vector<1xf32>
    %reduce_sum3A_410 = vector.multi_reduction <add>, %reduce_sum3A_408, %reduce_sum3A_409 [1, 2] : vector<1x512x1xf32> to vector<1xf32>
    %reduce_sum3A_411 = vector.shape_cast %reduce_sum3A_410 : vector<1xf32> to vector<1x1x1xf32>
    %reduce_sum3A_412 = vector.extract %reduce_sum3A_411[0, 0, 0] : f32 from vector<1x1x1xf32>
    %mul3A_413 = arith.mulf %div3A_333, %get3A_19 : vector<512x1xf32>
    %mul3A_414 = arith.mulf %mul3A_413, %div3A_406 : vector<512x1xf32>
    %reduce_sum3A_415 = vector.shape_cast %mul3A_414 : vector<512x1xf32> to vector<1x512x1xf32>
    %reduce_sum3A_416 = arith.constant dense<0.000000e+00> : vector<1xf32>
    %reduce_sum3A_417 = vector.multi_reduction <add>, %reduce_sum3A_415, %reduce_sum3A_416 [1, 2] : vector<1x512x1xf32> to vector<1xf32>
    %reduce_sum3A_418 = vector.shape_cast %reduce_sum3A_417 : vector<1xf32> to vector<1x1x1xf32>
    %reduce_sum3A_419 = vector.extract %reduce_sum3A_418[0, 0, 0] : f32 from vector<1x1x1xf32>
    %mul3A_420 = arith.mulf %div3A_333, %div3A_406 : vector<512x1xf32>
    %mul3A_421 = arith.mulf %mul3A_420, %div3A_406 : vector<512x1xf32>
    %reduce_sum3A_422 = vector.shape_cast %mul3A_421 : vector<512x1xf32> to vector<1x512x1xf32>
    %reduce_sum3A_423 = arith.constant dense<0.000000e+00> : vector<1xf32>
    %reduce_sum3A_424 = vector.multi_reduction <add>, %reduce_sum3A_422, %reduce_sum3A_423 [1, 2] : vector<1x512x1xf32> to vector<1xf32>
    %reduce_sum3A_425 = vector.shape_cast %reduce_sum3A_424 : vector<1xf32> to vector<1x1x1xf32>
    %reduce_sum3A_426 = vector.extract %reduce_sum3A_425[0, 0, 0] : f32 from vector<1x1x1xf32>
    %sub3A_427 = vector.broadcast %get3A_19 : vector<512x1xf32> to vector<512x32xf32>
    %sub3A_428 = arith.subf %add3A_329, %sub3A_427 : vector<512x32xf32>
    %div3A_429 = vector.broadcast %get3A_22 : vector<512x1xf32> to vector<512x32xf32>
    %div3A_430 = arith.divf %sub3A_428, %div3A_429 : vector<512x32xf32>
    %mul3A_431 = arith.mulf %div3A_430, %div3A_430 : vector<512x32xf32>
    %reduce_sum3A_432 = arith.constant dense<0.000000e+00> : vector<512xf32>
    %reduce_sum3A_433 = vector.multi_reduction <add>, %mul3A_431, %reduce_sum3A_432 [1] : vector<512x32xf32> to vector<512xf32>
    %broadcast_in_dim3A_434 = vector.shape_cast %reduce_sum3A_433 : vector<512xf32> to vector<512x1xf32>
    %div3A_435 = arith.constant 3.200000e+01 : f32
    %div3A_436 = vector.broadcast %div3A_435 : f32 to vector<512x1xf32>
    %div3A_437 = arith.divf %broadcast_in_dim3A_434, %div3A_436 : vector<512x1xf32>
    %mul3A_438 = arith.constant -5.000000e-01 : f32
    %mul3A_439 = vector.broadcast %mul3A_438 : f32 to vector<512x1xf32>
    %mul3A_440 = arith.mulf %mul3A_439, %div3A_437 : vector<512x1xf32>
    %log3A_441 = math.log %get3A_22 : vector<512x1xf32>
    %sub3A_442 = arith.subf %mul3A_440, %log3A_441 : vector<512x1xf32>
    %sub3A_443 = arith.constant 0.918938517 : f32
    %sub3A_444 = vector.broadcast %sub3A_443 : f32 to vector<512x1xf32>
    %sub3A_445 = arith.subf %sub3A_442, %sub3A_444 : vector<512x1xf32>
    %reduce_sum3A_446 = vector.shape_cast %sub3A_445 : vector<512x1xf32> to vector<1x512x1xf32>
    %reduce_sum3A_447 = arith.constant dense<0.000000e+00> : vector<1xf32>
    %reduce_sum3A_448 = vector.multi_reduction <add>, %reduce_sum3A_446, %reduce_sum3A_447 [1, 2] : vector<1x512x1xf32> to vector<1xf32>
    %reduce_sum3A_449 = vector.shape_cast %reduce_sum3A_448 : vector<1xf32> to vector<1x1x1xf32>
    %reduce_sum3A_450 = vector.extract %reduce_sum3A_449[0, 0, 0] : f32 from vector<1x1x1xf32>
    %iota3A = tpu.iota {dimensions = array<i32: 1>} : vector<1x16xi32>
    %broadcast_in_dim3A_451 = arith.constant 0.000000e+00 : f32
    %broadcast_in_dim3A_452 = vector.broadcast %broadcast_in_dim3A_451 : f32 to vector<1x16xf32>
    %eq3A_453 = arith.constant 0 : i32
    %eq3A_454 = vector.broadcast %eq3A_453 : i32 to vector<1x16xi32>
    %eq3A_455 = arith.cmpi eq, %iota3A, %eq3A_454 : vector<1x16xi32>
    %convert_element_type3A_456 = arith.extui %eq3A_455 : vector<1x16xi1> to vector<1x16xi32>
    %convert_element_type3A_457 = arith.sitofp %convert_element_type3A_456 : vector<1x16xi32> to vector<1x16xf32>
    %mul3A_458 = vector.broadcast %reduce_sum3A_337 : f32 to vector<1x16xf32>
    %mul3A_459 = arith.mulf %mul3A_458, %convert_element_type3A_457 : vector<1x16xf32>
    %add3A_460 = arith.addf %broadcast_in_dim3A_452, %mul3A_459 : vector<1x16xf32>
    %eq3A_461 = arith.constant 1 : i32
    %eq3A_462 = vector.broadcast %eq3A_461 : i32 to vector<1x16xi32>
    %eq3A_463 = arith.cmpi eq, %iota3A, %eq3A_462 : vector<1x16xi32>
    %convert_element_type3A_464 = arith.extui %eq3A_463 : vector<1x16xi1> to vector<1x16xi32>
    %convert_element_type3A_465 = arith.sitofp %convert_element_type3A_464 : vector<1x16xi32> to vector<1x16xf32>
    %mul3A_466 = vector.broadcast %reduce_sum3A_343 : f32 to vector<1x16xf32>
    %mul3A_467 = arith.mulf %mul3A_466, %convert_element_type3A_465 : vector<1x16xf32>
    %add3A_468 = arith.addf %add3A_460, %mul3A_467 : vector<1x16xf32>
    %eq3A_469 = arith.constant 2 : i32
    %eq3A_470 = vector.broadcast %eq3A_469 : i32 to vector<1x16xi32>
    %eq3A_471 = arith.cmpi eq, %iota3A, %eq3A_470 : vector<1x16xi32>
    %convert_element_type3A_472 = arith.extui %eq3A_471 : vector<1x16xi1> to vector<1x16xi32>
    %convert_element_type3A_473 = arith.sitofp %convert_element_type3A_472 : vector<1x16xi32> to vector<1x16xf32>
    %mul3A_474 = vector.broadcast %reduce_sum3A_350 : f32 to vector<1x16xf32>
    %mul3A_475 = arith.mulf %mul3A_474, %convert_element_type3A_473 : vector<1x16xf32>
    %add3A_476 = arith.addf %add3A_468, %mul3A_475 : vector<1x16xf32>
    %eq3A_477 = arith.constant 3 : i32
    %eq3A_478 = vector.broadcast %eq3A_477 : i32 to vector<1x16xi32>
    %eq3A_479 = arith.cmpi eq, %iota3A, %eq3A_478 : vector<1x16xi32>
    %convert_element_type3A_480 = arith.extui %eq3A_479 : vector<1x16xi1> to vector<1x16xi32>
    %convert_element_type3A_481 = arith.sitofp %convert_element_type3A_480 : vector<1x16xi32> to vector<1x16xf32>
    %mul3A_482 = vector.broadcast %reduce_sum3A_362 : f32 to vector<1x16xf32>
    %mul3A_483 = arith.mulf %mul3A_482, %convert_element_type3A_481 : vector<1x16xf32>
    %add3A_484 = arith.addf %add3A_476, %mul3A_483 : vector<1x16xf32>
    %eq3A_485 = arith.constant 4 : i32
    %eq3A_486 = vector.broadcast %eq3A_485 : i32 to vector<1x16xi32>
    %eq3A_487 = arith.cmpi eq, %iota3A, %eq3A_486 : vector<1x16xi32>
    %convert_element_type3A_488 = arith.extui %eq3A_487 : vector<1x16xi1> to vector<1x16xi32>
    %convert_element_type3A_489 = arith.sitofp %convert_element_type3A_488 : vector<1x16xi32> to vector<1x16xf32>
    %mul3A_490 = vector.broadcast %reduce_sum3A_369 : f32 to vector<1x16xf32>
    %mul3A_491 = arith.mulf %mul3A_490, %convert_element_type3A_489 : vector<1x16xf32>
    %add3A_492 = arith.addf %add3A_484, %mul3A_491 : vector<1x16xf32>
    %eq3A_493 = arith.constant 5 : i32
    %eq3A_494 = vector.broadcast %eq3A_493 : i32 to vector<1x16xi32>
    %eq3A_495 = arith.cmpi eq, %iota3A, %eq3A_494 : vector<1x16xi32>
    %convert_element_type3A_496 = arith.extui %eq3A_495 : vector<1x16xi1> to vector<1x16xi32>
    %convert_element_type3A_497 = arith.sitofp %convert_element_type3A_496 : vector<1x16xi32> to vector<1x16xf32>
    %mul3A_498 = vector.broadcast %reduce_sum3A_376 : f32 to vector<1x16xf32>
    %mul3A_499 = arith.mulf %mul3A_498, %convert_element_type3A_497 : vector<1x16xf32>
    %add3A_500 = arith.addf %add3A_492, %mul3A_499 : vector<1x16xf32>
    %eq3A_501 = arith.constant 6 : i32
    %eq3A_502 = vector.broadcast %eq3A_501 : i32 to vector<1x16xi32>
    %eq3A_503 = arith.cmpi eq, %iota3A, %eq3A_502 : vector<1x16xi32>
    %convert_element_type3A_504 = arith.extui %eq3A_503 : vector<1x16xi1> to vector<1x16xi32>
    %convert_element_type3A_505 = arith.sitofp %convert_element_type3A_504 : vector<1x16xi32> to vector<1x16xf32>
    %mul3A_506 = vector.broadcast %reduce_sum3A_412 : f32 to vector<1x16xf32>
    %mul3A_507 = arith.mulf %mul3A_506, %convert_element_type3A_505 : vector<1x16xf32>
    %add3A_508 = arith.addf %add3A_500, %mul3A_507 : vector<1x16xf32>
    %eq3A_509 = arith.constant 7 : i32
    %eq3A_510 = vector.broadcast %eq3A_509 : i32 to vector<1x16xi32>
    %eq3A_511 = arith.cmpi eq, %iota3A, %eq3A_510 : vector<1x16xi32>
    %convert_element_type3A_512 = arith.extui %eq3A_511 : vector<1x16xi1> to vector<1x16xi32>
    %convert_element_type3A_513 = arith.sitofp %convert_element_type3A_512 : vector<1x16xi32> to vector<1x16xf32>
    %mul3A_514 = vector.broadcast %reduce_sum3A_419 : f32 to vector<1x16xf32>
    %mul3A_515 = arith.mulf %mul3A_514, %convert_element_type3A_513 : vector<1x16xf32>
    %add3A_516 = arith.addf %add3A_508, %mul3A_515 : vector<1x16xf32>
    %eq3A_517 = arith.constant 8 : i32
    %eq3A_518 = vector.broadcast %eq3A_517 : i32 to vector<1x16xi32>
    %eq3A_519 = arith.cmpi eq, %iota3A, %eq3A_518 : vector<1x16xi32>
    %convert_element_type3A_520 = arith.extui %eq3A_519 : vector<1x16xi1> to vector<1x16xi32>
    %convert_element_type3A_521 = arith.sitofp %convert_element_type3A_520 : vector<1x16xi32> to vector<1x16xf32>
    %mul3A_522 = vector.broadcast %reduce_sum3A_426 : f32 to vector<1x16xf32>
    %mul3A_523 = arith.mulf %mul3A_522, %convert_element_type3A_521 : vector<1x16xf32>
    %add3A_524 = arith.addf %add3A_516, %mul3A_523 : vector<1x16xf32>
    %eq3A_525 = arith.constant 9 : i32
    %eq3A_526 = vector.broadcast %eq3A_525 : i32 to vector<1x16xi32>
    %eq3A_527 = arith.cmpi eq, %iota3A, %eq3A_526 : vector<1x16xi32>
    %convert_element_type3A_528 = arith.extui %eq3A_527 : vector<1x16xi1> to vector<1x16xi32>
    %convert_element_type3A_529 = arith.sitofp %convert_element_type3A_528 : vector<1x16xi32> to vector<1x16xf32>
    %mul3A_530 = vector.broadcast %reduce_sum3A_400 : f32 to vector<1x16xf32>
    %mul3A_531 = arith.mulf %mul3A_530, %convert_element_type3A_529 : vector<1x16xf32>
    %add3A_532 = arith.addf %add3A_524, %mul3A_531 : vector<1x16xf32>
    %eq3A_533 = arith.constant 10 : i32
    %eq3A_534 = vector.broadcast %eq3A_533 : i32 to vector<1x16xi32>
    %eq3A_535 = arith.cmpi eq, %iota3A, %eq3A_534 : vector<1x16xi32>
    %convert_element_type3A_536 = arith.extui %eq3A_535 : vector<1x16xi1> to vector<1x16xi32>
    %convert_element_type3A_537 = arith.sitofp %convert_element_type3A_536 : vector<1x16xi32> to vector<1x16xf32>
    %mul3A_538 = vector.broadcast %reduce_sum3A_450 : f32 to vector<1x16xf32>
    %mul3A_539 = arith.mulf %mul3A_538, %convert_element_type3A_537 : vector<1x16xf32>
    %add3A_540 = arith.addf %add3A_532, %mul3A_539 : vector<1x16xf32>
    %iota3A_541 = tpu.iota {dimensions = array<i32: 0>} : vector<8x1xi32>
    %eq3A_542 = vector.broadcast %select_n3A : i32 to vector<8x1xi32>
    %eq3A_543 = arith.cmpi eq, %iota3A_541, %eq3A_542 : vector<8x1xi32>
    %convert_element_type3A_544 = arith.extui %eq3A_543 : vector<8x1xi1> to vector<8x1xi32>
    %convert_element_type3A_545 = arith.sitofp %convert_element_type3A_544 : vector<8x1xi32> to vector<8x1xf32>
    %get3A_546 = arith.constant 0 : index
    %get3A_547 = arith.constant 0 : index
    %get3A_548 = vector.load %arg12[%get3A_546, %get3A_547] : memref<8x16xf32, #tpu.memory_space<vmem>>, vector<8x16xf32>
    %mul3A_549 = vector.broadcast %convert_element_type3A_545 : vector<8x1xf32> to vector<8x16xf32>
    %mul3A_550 = vector.broadcast %add3A_540 : vector<1x16xf32> to vector<8x16xf32>
    %mul3A_551 = arith.mulf %mul3A_549, %mul3A_550 : vector<8x16xf32>
    %add3A_552 = arith.addf %get3A_548, %mul3A_551 : vector<8x16xf32>
    %swap3A = arith.constant 0 : index
    %swap3A_553 = arith.constant 0 : index
    %swap3A_554 = vector.load %arg12[%swap3A, %swap3A_553] : memref<8x16xf32, #tpu.memory_space<vmem>>, vector<8x16xf32>
    tpu.vector_store %arg12[%swap3A, %swap3A_553], %add3A_552 {strides = array<i32>} : memref<8x16xf32, #tpu.memory_space<vmem>>, vector<8x16xf32>,
    return
  }
  func.func @transform_0(%arg0: i32) -> (i32, i32, i32) {
    %c0_i32 = arith.constant 0 : i32
    %c0_i32_0 = arith.constant 0 : i32
    %c0_i32_1 = arith.constant 0 : i32
    return %c0_i32, %arg0, %c0_i32_0 : i32, i32, i32
  }
  func.func @transform_1(%arg0: i32) -> (i32, i32) {
    %c0_i32 = arith.constant 0 : i32
    %c0_i32_0 = arith.constant 0 : i32
    return %arg0, %c0_i32 : i32, i32
  }
  func.func @transform_2(%arg0: i32) -> (i32, i32) {
    %c0_i32 = arith.constant 0 : i32
    %c0_i32_0 = arith.constant 0 : i32
    return %arg0, %c0_i32 : i32, i32
  }
  func.func @transform_3(%arg0: i32) -> (i32, i32) {
    %c0_i32 = arith.constant 0 : i32
    %c0_i32_0 = arith.constant 0 : i32
    return %arg0, %c0_i32 : i32, i32
  }
  func.func @transform_4(%arg0: i32) -> (i32, i32) {
    %c0_i32 = arith.constant 0 : i32
    %c0_i32_0 = arith.constant 0 : i32
    return %arg0, %c0_i32 : i32, i32
  }
  func.func @transform_5(%arg0: i32) -> (i32, i32) {
    %c0_i32 = arith.constant 0 : i32
    %c0_i32_0 = arith.constant 0 : i32
    %c0_i32_1 = arith.constant 0 : i32
    return %c0_i32, %c0_i32_0 : i32, i32
  }
  func.func @transform_6(%arg0: i32) -> (i32, i32) {
    %c0_i32 = arith.constant 0 : i32
    %c0_i32_0 = arith.constant 0 : i32
    %c0_i32_1 = arith.constant 0 : i32
    return %c0_i32, %c0_i32_0 : i32, i32
  }
  func.func @transform_7(%arg0: i32) -> (i32, i32) {
    %c0_i32 = arith.constant 0 : i32
    %c0_i32_0 = arith.constant 0 : i32
    %c0_i32_1 = arith.constant 0 : i32
    return %c0_i32, %c0_i32_0 : i32, i32
  }
  func.func @transform_8(%arg0: i32) -> i32 {
    %c0_i32 = arith.constant 0 : i32
    %c0_i32_0 = arith.constant 0 : i32
    return %c0_i32 : i32
  }
  func.func @transform_9(%arg0: i32) -> (i32, i32) {
    %c0_i32 = arith.constant 0 : i32
    %c0_i32_0 = arith.constant 0 : i32
    %c0_i32_1 = arith.constant 0 : i32
    return %c0_i32, %c0_i32_0 : i32, i32
  }
  func.func @transform_10(%arg0: i32) -> i32 {
    %c0_i32 = arith.constant 0 : i32
    %c0_i32_0 = arith.constant 0 : i32
    return %c0_i32 : i32
  }
  func.func @transform_11(%arg0: i32) -> (i32, i32) {
    %c0_i32 = arith.constant 0 : i32
    %c0_i32_0 = arith.constant 0 : i32
    %c0_i32_1 = arith.constant 0 : i32
    return %c0_i32, %c0_i32_0 : i32, i32
  }
  func.func @transform_12(%arg0: i32) -> (i32, i32) {
    %c0_i32 = arith.constant 0 : i32
    %c0_i32_0 = arith.constant 0 : i32
    %c0_i32_1 = arith.constant 0 : i32
    return %c0_i32, %c0_i32_0 : i32, i32
  }
}

</mosaic_0001>

<sc_bundles>
// kernel: kernel.4.cloned.1.call-start
scs
__scs_entry_jumppad:
0x0: {  	(pc) =	sbr.rel $0x88, $3  }
0x1: {  	(tag) =	ssettag $0x0;
	lr =	simm.s32 $0x1  }
0x2: {  	[smem:$0x3F94] =	sst lr;
	_ =	strace $0xD0000000  }
0x3: {  	_ = 	snop  }
0x4: {  	_ = 	snop  }
0x5: {  	_ = 	snop  }
0x6: {  	_ = 	snop  }
0x7: {  	_ = 	snop  }
__scs_overlays_trampoline_lowered:
0x8: {  	[smem:$0x3FA3] =	sst s0  }
0x9: {  	[smem:$0x3FA4] =	sst s1  }
0xa: {  	[smem:$0x3FA5] =	sst s2  }
0xb: {  	[smem:$0x3FA6] =	sst s3  }
0xc: {  	[smem:$0x3FA7] =	sst s4  }
0xd: {  	[smem:$0x3FA8] =	sst s5  }
0xe: {  	[smem:$0x3FA9] =	sst s6  }
0xf: {  	[smem:$0x3FAA] =	sst s7  }
0x10: {  	[smem:$0x3FAB] =	sst s8  }
0x11: {  	[smem:$0x3FAC] =	sst s9;
	s0 =	simm.s32 @!p0 $0x0  }
0x12: {  	s1 =	sld [smem:$0x3F92];
	s0 =	simm.s32 @p0 $0x1  }
0x13: {  	[smem:$0x3FAD] =	sst s0;
	s0 =	simm.s32 @!p1 $0x0  }
0x14: {  	s2 =	sld [smem:$0x3F91];
	s0 =	simm.s32 @p1 $0x1  }
0x15: {  	[smem:$0x3FAE] =	sst s0;
	s0 =	simm.s32 @!p2 $0x0  }
0x16: {  	s3 =	sld [smem:$0x3FDB];
	s0 =	simm.s32 @p2 $0x1  }
0x17: {  	s4 =	simm.s32 $0x1BF5;
	[smem:$0x3FB0] =	sst s0  }
0x18: {  	s0 =	sld [smem:$0x3F93];
	_ =	swait.ge [sflag:s4], $0x0  }
0x19: {  	s7 =	sld [smem:$0x3F94]  }
0x1a: {  	s8 =	sadd.s32 $0xFFFFE003, lr  }
0x1b: {  	s9 =	sadd.s32 $0xFFFFFEF7, lr;
	s5 =	simm.s32 $0xFFFFFFFF;
	p2 =	slt.u32 s8, $0xFFFFF086  }
0x1c: {  	p1 =	slt.u32 s9, $0xF7A;
	s5 =	simm.s32 @!p2 $0x0  }
0x1d: {  	s5 =	simm.s32 @p1 $0x1;
	p0 =	seq.s32 s7, s2  }
0x1e: {  	s7 =	smul.u32 @!p0 $0xF7A, s2;
	p2 =	seq.s32 @!p0 s5, $0x0  }
0x1f: {  	s9 =	smul.u32 $0xF7A, s1;
	s8 =	simm.s32 @!p0 $0x1BF5;
	p2 =	por !p2, p0  }
0x20: {  	[sflag:s8] =	ssyncset.s32 @!p0 $0xFFFFF086;
	s6 =	sadd.s32 @!p0 s3, s7;
	s7 =	simm.s32 @!p0 $0x108  }
0x21: {  	s3 =	sadd.s32 s3, s9;
	s6 =	sadd.s32 @!p0 $0x88, s6;
	s7 =	simm.s32 @p2 $0x1082  }
0x22: {  	[simem:s7], [sflag:s8] =	dma.local @!p0 [hbm:s6], $0xF7A  }
0x23: {  	s9 =	sor.u32 $0xD0000000, s2;
	s6 =	simm.s32 $0x108;
	_ =	swait.ge @!p0 [sflag:s8], $0x0  }
0x24: {  	s3 =	sadd.s32 $0x88, s3;
	s6 =	simm.s32 @!p1 $0x1082;
	[sflag:s4] =	ssyncset.s32 $0xFFFFF086  }
0x25: {  	[simem:s6], [sflag:s4] =	dma.local [hbm:s3], $0xF7A  }
0x26: {  	[smem:$0x3F94] =	sst s1;
	(tag) =	ssettag s2;
	_ =	strace s9  }
0x27: {  	s1 =	sld [smem:$0x3FA4]  }
0x28: {  	s2 =	sld [smem:$0x3FA5]  }
0x29: {  	s4 =	sld [smem:$0x3FA7]  }
0x2a: {  	p0 =	seq.s32 s5, $0x0;
	s5 =	sld [smem:$0x3FA8]  }
0x2b: {  	s6 =	sld [smem:$0x3FA9]  }
0x2c: {  	s7 =	sld [smem:$0x3FAA]  }
0x2d: {  	s3 =	simm.s32 $0x108;
	s8 =	sld [smem:$0x3FAB]  }
0x2e: {  	s3 =	simm.s32 @!p0 $0x1082;
	s9 =	sld [smem:$0x3FAC]  }
0x2f: {  	lr =	sadd.s32 s0, s3;
	s0 =	sld [smem:$0x3FA3]  }
0x30: {  	s3 =	sld [smem:$0x3FA6]  }
0x31: {  	[smem:$0x3FAF] =	sst s10  }
0x32: {  	s10 =	sld [smem:$0x3FAD];
	_ =	sdelay $0x3  }
0x33: {  	p0 =	seq.s32 s10, $0x1;
	s10 =	sld [smem:$0x3FAF];
	_ =	sdelay $0x3  }
0x34: {  	[smem:$0x3FAF] =	sst s10  }
0x35: {  	s10 =	sld [smem:$0x3FAE];
	_ =	sdelay $0x3  }
0x36: {  	p1 =	seq.s32 s10, $0x1;
	s10 =	sld [smem:$0x3FAF];
	_ =	sdelay $0x3  }
0x37: {  	[smem:$0x3FAF] =	sst s10  }
0x38: {  	s10 =	sld [smem:$0x3FB0]  }
0x39: {  	_ = 	snop;
	(pc) =	sbr.ind lr, $3  }
0x3a: {  	_ = 	snop  }
0x3b: {  	_ = 	snop  }
0x3c: {  	p2 =	seq.s32 s10, $0x1;
	s10 =	sld [smem:$0x3FAF]  }
0x3d: {  	_ =	shalt  }
0x3e: {  	_ =	shalt  }
0x3f: {  	_ =	shalt  }
0x40: {  	_ =	shalt  }
0x41: {  	_ =	shalt  }
0x42: {  	_ =	shalt  }
0x43: {  	_ =	shalt  }
0x44: {  	_ =	shalt  }
0x45: {  	_ =	shalt  }
0x46: {  	_ =	shalt  }
0x47: {  	_ =	shalt  }
0x48: {  	_ =	shalt  }
0x49: {  	_ =	shalt  }
0x4a: {  	_ =	shalt  }
0x4b: {  	_ =	shalt  }
0x4c: {  	_ =	shalt  }
0x4d: {  	_ =	shalt  }
0x4e: {  	_ =	shalt  }
0x4f: {  	_ =	shalt  }
0x50: {  	_ =	shalt  }
0x51: {  	_ =	shalt  }
0x52: {  	_ =	shalt  }
0x53: {  	_ =	shalt  }
0x54: {  	_ =	shalt  }
0x55: {  	_ =	shalt  }
0x56: {  	_ =	shalt  }
0x57: {  	_ =	shalt  }
0x58: {  	_ =	shalt  }
0x59: {  	_ =	shalt  }
0x5a: {  	_ =	shalt  }
0x5b: {  	_ =	shalt  }
0x5c: {  	_ =	shalt  }
0x5d: {  	_ =	shalt  }
0x5e: {  	_ =	shalt  }
0x5f: {  	_ =	shalt  }
0x60: {  	_ =	shalt  }
0x61: {  	_ =	shalt  }
0x62: {  	_ =	shalt  }
0x63: {  	_ =	shalt  }
0x64: {  	_ =	shalt  }
0x65: {  	_ =	shalt  }
0x66: {  	_ =	shalt  }
0x67: {  	_ =	shalt  }
0x68: {  	_ =	shalt  }
0x69: {  	_ =	shalt  }
0x6a: {  	_ =	shalt  }
0x6b: {  	_ =	shalt  }
0x6c: {  	_ =	shalt  }
0x6d: {  	_ =	shalt  }
0x6e: {  	_ =	shalt  }
0x6f: {  	_ =	shalt  }
0x70: {  	_ =	shalt  }
0x71: {  	_ =	shalt  }
0x72: {  	_ =	shalt  }
0x73: {  	_ =	shalt  }
0x74: {  	_ =	shalt  }
0x75: {  	_ =	shalt  }
0x76: {  	_ =	shalt  }
0x77: {  	_ =	shalt  }
0x78: {  	_ =	shalt  }
0x79: {  	_ =	shalt  }
0x7a: {  	_ =	shalt  }
0x7b: {  	_ =	shalt  }
0x7c: {  	_ =	shalt  }
0x7d: {  	_ =	shalt  }
0x7e: {  	_ =	shalt  }
0x7f: {  	_ =	shalt  }
0x80: {  	_ =	shalt  }
0x81: {  	_ =	shalt  }
0x82: {  	_ =	shalt  }
0x83: {  	_ =	shalt  }
0x84: {  	_ =	shalt  }
0x85: {  	_ =	shalt  }
0x86: {  	_ =	shalt  }
0x87: {  	_ =	shalt  }
.Lfunc_end0:
.L_simem_size_0:
called_computation_lowered:
.L_overlay_start_0:
0x88: {  	s2 =	sld [smem:$0x3FD9]  }
0x89: {  	s3 =	sld [smem:$0x3FFE];
	_ =	sdelay $0x1  }
0x8a: {  	s1 =	srdreg.scid  }
0x8b: {  	s0 =	sand.u32 $0x1, s1  }
0x8c: {  	s16 =	sshll.u32 s0, $0xA;
	s2 =	sadd.s32 s3, s2  }
0x8d: {  	s2 =	sadd.s32 s2, s16  }
0x8e: {  	[smem:$0x3FBB] =	sst s2  }
0x8f: {  	_ = 	snop  }
0x90: {  	(tm) =	ssettm $0x1  }
0x91: {  	s17 =	sld [smem:$0x3FFB];
	_ =	sdelay $0x3  }
0x92: {  	_ =	strace s17  }
0x93: {  	s2 =	sld [smem:$0x3FFC];
	_ =	sdelay $0x3  }
0x94: {  	_ =	strace s2  }
0x95: {  	s2 =	sld [smem:$0x3FFD];
	_ =	sdelay $0x3  }
0x96: {  	_ =	strace s2  }
0x97: {  	_ =	strace $0x8FFFFFFF  }
0x98: {  	s18 =	sld [smem:$0x3FDB];
	_ =	sdelay $0x1  }
0x99: {  	s19 =	simm.s32 $_scs_section_size  }
0x9a: {  	s4 =	simm.s32 $_size__tile_overlayer_lowered;
	s5 =	simm.s32 $_tile_overlayer_lowered  }
0x9b: {  	s22 =	simm.s32 $0x1BFF;
	s21 =	sshll.u32 s5, $0x1;
	s2 =	sadd.s32 s19, s18  }
0x9c: {  	s6 =	simm.s32 $0x0;
	s20 =	sshll.u32 s4, $0x1;
	s4 =	sadd.s32 s21, s2  }
0x9d: {  	[timem:s6], [sflag:s22] =	dma.local [hbm:s4], s20  }
0x9e: {  	_ =	swait.ge [sflag:s22], s20  }
0x9f: {  	s3 =	ssub.s32 $0x0, s20;
	[sflag:s22] =	ssyncset.done $0x0  }
0xa0: {  	[sflag:s22] =	ssyncadd.s32 s3;
	_ =	sdelay $0x1  }
0xa1: {  	s23 =	simm.s32 $0x1B8B  }
0xa2: {  	_ =	swait.ge [sflag:s23], $0x1  }
0xa3: {  	[sflag:s23] =	ssyncset.done $0x0  }
0xa4: {  	s25 =	simm.s32 $0x1B8E;
	s24 =	sld [smem:$0x3FFE];
	[sflag:s23] =	ssyncadd.s32 $0xFFFFFFFF  }
0xa5: {  	s26 =	simm.s32 $execute0_lowered;
	[smem:$0x3FD2] =	sst s25  }
0xa6: {  	s4 =	sshll.u32 s26, $0x1;
	_ =	strace $0x80000046;
	[dreg:$0x1] =	wrdreg $0xFFFFFFFF  }
0xa7: {  	s28 =	simm.s32 $_size_execute0_lowered;
	s2 =	sadd.s32 s2, s4;
	[dreg:$0x0] =	wrdreg $0x0  }
0xa8: {  	s4 =	sshll.u32 s28, $0x1;
	[dreg:$0x2] =	wrdreg s2  }
0xa9: {  	[dreg:$0x3] =	wrdreg s4  }
0xaa: {  	[dreg:$0x4] =	wrdreg $0xC0  }
0xab: {  	_ =	task [dreg:s6], $0x5FFFF  }
0xac: {  	[dreg:$0x1] =	wrdreg $0xFFFFFFFF  }
0xad: {  	[dreg:$0x0] =	wrdreg $0x60  }
0xae: {  	[dreg:$0x2] =	wrdreg s24  }
0xaf: {  	[dreg:$0x3] =	wrdreg $0x9  }
0xb0: {  	_ =	task.clear_ibuf [dreg:s6], $0x4FFFF;
	_ =	strace $0x90000046  }
0xb1: {  	s29 =	simm.s32 $0x9;
	_ =	strace $0x80000048  }
0xb2: {  	_ =	swait.ge [sflag:s29], $0x1  }
0xb3: {  	[sflag:s29] =	ssyncadd.s32 $0xFFFFFFFF  }
0xb4: {  	_ =	strace $0x90000048  }
0xb5: {  	_ =	sfence  }
0xb6: {  	s30 =	sld [smem:$0x0];
	_ =	sdelay $0x2  }
0xb7: {  	s31 =	sshll.u32 s1, $0xD;
	s1 =	sshrl.u32 s1, $0x2  }
0xb8: {  	s3 =	sand.u32 $0x4000, s31;
	s1 =	sadd.s32 s1, s30  }
0xb9: {  	s0 =	sor.u32 s3, s0;
	s1 =	sshll.u32 s1, $0x11  }
0xba: {  	s0 =	sor.u32 s1, s0  }
0xbb: {  	s0 =	sadd.s32 $0x8F2B, s0  }
0xbc: {  	[sflag:s0] =	ssyncadd.remote.s32 $0x1  }
0xbd: {  	_ =	sfence.sel $0xFFFF  }
0xbe: {  	[dreg:$0x0] =	wrdreg $0xFFFFFFFF;
	(pc) =	sbr.abs _section_cstart, $3  }
0xbf: {  	[dreg:$0x1] =	wrdreg $0xFFFFFFFF  }
0xc0: {  	_ =	task.clear_ibuf [dreg:s6], $0x2FFFF;
	_ =	strace $0x9FFFFFFF  }
0xc1: {  	(tm) =	ssettm $0x7FFFFFFF  }
tec
execute0_lowered:
.L_overlay_start_1:
0x0: {  	(tag) =	ssettag $0x1  }
0x1: {  	s0 =	srdreg.scid;
	s1 =	stileid.u32  }
0x2: {  	s3 =	rddreg [dreg:$0x0];
	s11 =	simm.s32 $0x0;
	s0 =	sand.u32 $0x1, s0  }
0x3: {  	s1 =	sshll.u32 s1, $0xC;
	[smem:$0x7FF] =	sst s11;
	s13 =	sadd.s32 $0x9A800, s3  }
0x4: {  	v0 =	vimm.s32 $0xECA86420;
	s2 =	sshll.u32 s0, $0xB;
	s0 =	ssub.s32 $0x2, s0;
	_ =	strace $0x80000047  }
.Ltmp0:
0x5: {  	v1 =	vlaneseq.u32;
	v0 =	vunpack.c.l.s4.s8 v0;
	s12 =	sor.u32 s2, s1;
	s31 =	sshrl.u32 s0, $0x1;
	(pc) =	sbr.rel .LBB2_1-.Ltmp0, $4  }
0x6: {  	vm0 =	vcmask $0xB08;
	v1 =	vmul.u32 $0x2, v1;
	[dreg:$0x3] =	wrdreg s13;
	s1 =	sshrl.u32 s12, $0x3;
	s0 =	ssub.s32 s0, s31  }
0x7: {  	vm1 =	vcmask $0x1310;
	vm2 =	vcmask $0x1B18;
	v0 =	vunpack.c.0.s8.s32 v0;
	[dreg:$0x2] =	wrdreg s12;
	s1 =	sadd.s32 s1, s3;
	s0 =	smax.u32 s0, $0x1  }
0x8: {  	vm3 =	vcmask $0x300;
	vm4 =	vcmask $0x2320;
	vm5 =	vcmask $0x2B28;
	[tilespmem:$0x1FFF0] =	vst v1;
	s1 =	sadd.s32 $0x92800, s1;
	[dreg:$0x5] =	wrdreg s0  }
0x9: {  	s14 =	simm.s32 $0x9;
	vm6 =	vcmask $0x3330;
	vm7 =	vcmask $0x3B38;
	vm8 =	vmmov $0xff;
	[tilespmem:$0x1FFE0] =	vst v0;
	[dreg:$0x4] =	wrdreg s1;
	s1 =	simm.s32 $0x0  }
.LBB2_6:
0xa: {  	s1 =	rddreg [dreg:$0x6]  }
0xb: {  	s0 =	rddreg [dreg:$0x5];
	s1 =	sadd.s32 $0x1, s1  }
0xc: {  	p0 =	sne.s32 s1, s0  }
.Ltmp1:
0xd: {  	_ = 	snop;
	(pc) =	sbr.rel @!p0 .LBB2_7-.Ltmp1, $1  }
0xe: {  	_ =	sdelay $0x3  }
.LBB2_1:
0xf: {  	[dreg:$0x6] =	wrdreg s1  }
0x10: {  	s0 =	rddreg [dreg:$0x4];
	s31 =	simm.s32 $0x800;
	s2 =	simm.s32 $0x10000  }
0x11: {  	[tilespmem:s11], [sflag:$0x9] =	stream.strided.gather [hbm4b:s0+s31], $0x2000, s2, s31, $0x38;
	[tilespmem:$0x11000] =	vst v63  }
0x12: {  	_ =	swait.ge [sflag:s14], $0x2000  }
0x13: {  	s3 =	simm.s32 $0x0;
	[sflag:s14] =	ssyncset.done $0x0  }
0x14: {  	s0 =	simm.s32 $0x1000;
	s2 =	simm.s32 $0x0;
	[sflag:s14] =	ssyncadd.s32 $0xFFFFE000  }
.LBB2_2:
0x15: {  	v2 =	vld [tilespmem:s0+$0xFFFFF000]  }
0x16: {  	v3 =	vld [tilespmem:s0+$0xFFFFF800]  }
0x17: {  	v4 =	vld [tilespmem:s0+$0x0]  }
0x18: {  	v5 =	vld [tilespmem:s0+$0x800];
	_ =	sdelay $0x2  }
0x19: {  	v2 =	vmul.u32 $0x38F, v2;
	v3 =	vmul.u32 $0x4D5, v3  }
0x1a: {  	v4 =	vmul.u32 $0x7D3, v4  }
0x1b: {  	v7 =	vmul.u32 $0x151, v5;
	v2 =	vadd.s32 v2, v3  }
0x1c: {  	v0 =	vadd.s32 v4, v2  }
0x1d: {  	v2 =	vadd.s32 v7, v0  }
0x1e: {  	v14 =	vsub.s32 $0x0, v2  }
0x1f: {  	v1 =	vmin.u32 v2, v14  }
0x20: {  	(v2sf) =	vpush v1, $0xD;
	_ =	sdelay $0x1  }
0x21: {  	(v2sf) =	vpush v1, $0xC;
	_ =	sdelay $0x1  }
0x22: {  	(v2sf) =	vpush v1, $0xE;
	_ =	sdelay $0x1  }
0x23: {  	(v2sf) =	vpush v1, $0xF;
	_ =	sdelay $0x1  }
0x24: {  	(v2sf) =	vpush v1, $0x9;
	_ =	sdelay $0x1  }
0x25: {  	(v2sf) =	vpush v1, $0x8  }
0x26: {  	(v2sf) =	vpush v1, $0xA;
	_ =	sdelay $0x2  }
0x27: {  	(v2sf) =	vpush v1, $0xB  }
0x28: {  	s7 =	spop (v2sf)  }
0x29: {  	[dreg:$0x7] =	wrdreg s0;
	s16 =	smulhi.u32 $0x14F8B589, s7;
	s0 =	sshra.s32 s7, $0x1F  }
0x2a: {  	(v2sf) =	vpush v1, $0x0;
	s8 =	spop (v2sf);
	s18 =	smul.u32 $0x14F8B589, s0  }
0x2b: {  	s17 =	smulhi.u32 $0x14F8B589, s8;
	s0 =	sshra.s32 s8, $0x1F  }
0x2c: {  	(v2sf) =	vpush v1, $0x1;
	s9 =	spop (v2sf);
	s19 =	smul.u32 $0x14F8B589, s0  }
0x2d: {  	s20 =	smulhi.u32 $0x14F8B589, s9;
	s0 =	sshra.s32 s9, $0x1F  }
0x2e: {  	(v2sf) =	vpush v1, $0x2;
	s10 =	spop (v2sf);
	s21 =	smul.u32 $0x14F8B589, s0  }
0x2f: {  	(v2sf) =	vpush v1, $0x3;
	s23 =	smulhi.u32 $0x14F8B589, s10;
	s0 =	sshra.s32 s10, $0x1F  }
0x30: {  	s11 =	spop (v2sf);
	s28 =	smul.u32 $0x14F8B589, s0  }
0x31: {  	(v2sf) =	vpush v1, $0x4;
	s25 =	smulhi.u32 $0x14F8B589, s11;
	s0 =	sshra.s32 s11, $0x1F  }
0x32: {  	s12 =	spop (v2sf);
	s29 =	smul.u32 $0x14F8B589, s0  }
0x33: {  	(v2sf) =	vpush v1, $0x5;
	s31 =	smulhi.u32 $0x14F8B589, s12;
	s1 =	spop (v2sf)  }
0x34: {  	[dreg:$0x9] =	wrdreg s3;
	s13 =	smulhi.u32 $0x14F8B589, s1;
	s1 =	sshra.s32 s1, $0x1F  }
0x35: {  	[dreg:$0x8] =	wrdreg s2;
	v6 =	vshll.u32 v0, $0x1;
	s0 =	sshra.s32 s12, $0x1F;
	s1 =	smul.u32 $0x14F8B589, s1  }
0x36: {  	v15 =	vadd.s32 v7, v6;
	(v2sf) =	vpush v1, $0x6;
	s0 =	smul.u32 $0x14F8B589, s0;
	s14 =	spop (v2sf)  }
0x37: {  	v16 =	vsub.s32 $0x0, v15;
	s15 =	smulhi.u32 $0x14F8B589, s14;
	[smem:$0x6D5] =	sst s1;
	s1 =	sshra.s32 s14, $0x1F  }
0x38: {  	v17 =	vmin.u32 v15, v16;
	(v2sf) =	vpush v1, $0x7;
	[smem:$0x6D4] =	sst s13;
	s1 =	smul.u32 $0x14F8B589, s1  }
0x39: {  	s22 =	spop (v2sf);
	(v2sf) =	vpush v17, $0xD;
	[smem:$0x6D6] =	sst s15  }
0x3a: {  	s24 =	smulhi.u32 $0x14F8B589, s22;
	[smem:$0x6D7] =	sst s1;
	s1 =	sshra.s32 s22, $0x1F  }
0x3b: {  	s4 =	smul.u32 $0x14F8B589, s1;
	s26 =	spop (v2sf)  }
0x3c: {  	[smem:$0x6D8] =	sst s24;
	s30 =	smulhi.u32 $0x14F8B589, s26;
	s1 =	sshra.s32 s26, $0x1F  }
0x3d: {  	s3 =	spop (v2sf);
	s1 =	smul.u32 $0x14F8B589, s1  }
0x3e: {  	(v2sf) =	vpush v17, $0xC;
	s5 =	smulhi.u32 $0x14F8B589, s3;
	s6 =	spop (v2sf)  }
0x3f: {  	[smem:$0x6D9] =	sst s30;
	s7 =	smulhi.u32 $0x14F8B589, s6  }
0x40: {  	s8 =	spop (v2sf);
	[smem:$0x6DA] =	sst s1;
	s1 =	sshra.s32 s3, $0x1F  }
0x41: {  	[smem:$0x6DB] =	sst s5;
	s1 =	smul.u32 $0x14F8B589, s1  }
0x42: {  	(v2sf) =	vpush v17, $0xE;
	s9 =	smulhi.u32 $0x14F8B589, s8;
	s10 =	spop (v2sf)  }
0x43: {  	s11 =	smulhi.u32 $0x14F8B589, s10;
	[smem:$0x6DC] =	sst s1;
	s1 =	sshra.s32 s6, $0x1F  }
0x44: {  	[smem:$0x6DD] =	sst s7;
	s1 =	smul.u32 $0x14F8B589, s1  }
0x45: {  	s12 =	spop (v2sf);
	[smem:$0x6DF] =	sst s9  }
0x46: {  	s13 =	smulhi.u32 $0x14F8B589, s12;
	[smem:$0x6DE] =	sst s1;
	s1 =	sshra.s32 s8, $0x1F  }
0x47: {  	(v2sf) =	vpush v17, $0xF;
	s14 =	spop (v2sf);
	s1 =	smul.u32 $0x14F8B589, s1  }
0x48: {  	s15 =	smulhi.u32 $0x14F8B589, s14;
	s22 =	spop (v2sf)  }
0x49: {  	s24 =	smulhi.u32 $0x14F8B589, s22;
	[smem:$0x6E0] =	sst s1;
	s1 =	sshra.s32 s10, $0x1F  }
0x4a: {  	[smem:$0x6E1] =	sst s11;
	s26 =	sshra.s32 s22, $0x1F;
	s1 =	smul.u32 $0x14F8B589, s1  }
0x4b: {  	(v2sf) =	vpush v17, $0x9;
	s30 =	smul.u32 $0x14F8B589, s26;
	[smem:$0x6E7] =	sst s24  }
0x4c: {  	s24 =	smulhi.u32 $0x55555556, s22;
	[smem:$0x6E2] =	sst s1;
	s1 =	sshra.s32 s12, $0x1F  }
0x4d: {  	(v2sf) =	vpush v17, $0x8;
	s3 =	spop (v2sf);
	s1 =	smul.u32 $0x14F8B589, s1  }
0x4e: {  	[smem:$0x6E3] =	sst s13;
	s5 =	smulhi.u32 $0x14F8B589, s3  }
0x4f: {  	[smem:$0x6E8] =	sst s30;
	s6 =	sshra.s32 s3, $0x1F;
	s30 =	smulhi.u32 $0x55555556, s3  }
0x50: {  	[smem:$0x6E5] =	sst s15;
	s7 =	smul.u32 $0x14F8B589, s6  }
0x51: {  	s9 =	spop (v2sf);
	s8 =	smul.u32 $0x55555556, s6  }
0x52: {  	(v2sf) =	vpush v17, $0xA;
	s10 =	smulhi.u32 $0x14F8B589, s9;
	s11 =	sshra.s32 s9, $0x1F;
	[smem:$0x6E4] =	sst s1  }
0x53: {  	[smem:$0x6E9] =	sst s5;
	s12 =	smul.u32 $0x14F8B589, s11  }
0x54: {  	s1 =	sshra.s32 s14, $0x1F;
	s13 =	smul.u32 $0x55555556, s11;
	[smem:$0x6EA] =	sst s7  }
0x55: {  	s1 =	smul.u32 $0x14F8B589, s1;
	[smem:$0x6FB] =	sst s8  }
0x56: {  	[smem:$0x6EB] =	sst s10;
	s14 =	spop (v2sf)  }
0x57: {  	[smem:$0x6EC] =	sst s12;
	s15 =	smulhi.u32 $0x14F8B589, s14  }
0x58: {  	s22 =	sshra.s32 s14, $0x1F;
	[smem:$0x6E6] =	sst s1;
	s1 =	smulhi.u32 $0x55555556, s9  }
0x59: {  	[smem:$0x6FD] =	sst s13;
	s3 =	smul.u32 $0x14F8B589, s22  }
0x5a: {  	(v2sf) =	vpush v17, $0xB;
	s5 =	smul.u32 $0x55555556, s22;
	s6 =	spop (v2sf)  }
0x5b: {  	[smem:$0x6ED] =	sst s15;
	s7 =	smulhi.u32 $0x14F8B589, s6  }
0x5c: {  	s11 =	spop (v2sf);
	[smem:$0x6FC] =	sst s1  }
0x5d: {  	s8 =	sshra.s32 s6, $0x1F;
	s1 =	smulhi.u32 $0x55555556, s14;
	[smem:$0x6EE] =	sst s3  }
0x5e: {  	(v2sf) =	vpush v17, $0x0;
	[smem:$0x6FF] =	sst s5;
	s9 =	smul.u32 $0x14F8B589, s8  }
0x5f: {  	(v2sf) =	vpush v17, $0x1;
	s10 =	smul.u32 $0x55555556, s8;
	[smem:$0x6EF] =	sst s7  }
0x60: {  	s12 =	smulhi.u32 $0x14F8B589, s11;
	[smem:$0x6FE] =	sst s1  }
0x61: {  	s13 =	sshra.s32 s11, $0x1F;
	s22 =	spop (v2sf);
	[smem:$0x6F0] =	sst s9  }
0x62: {  	(v2sf) =	vpush v17, $0x2;
	s14 =	smul.u32 $0x14F8B589, s13;
	[smem:$0x701] =	sst s10  }
0x63: {  	s15 =	smul.u32 $0x55555556, s13;
	[smem:$0x6F1] =	sst s12  }
0x64: {  	s1 =	smulhi.u32 $0x55555556, s6;
	[smem:$0x6F2] =	sst s14  }
0x65: {  	s3 =	smulhi.u32 $0x14F8B589, s22;
	[smem:$0x703] =	sst s15  }
0x66: {  	s5 =	sshra.s32 s22, $0x1F;
	[smem:$0x700] =	sst s1;
	s1 =	smulhi.u32 $0x55555556, s11  }
0x67: {  	s6 =	smul.u32 $0x14F8B589, s5;
	[smem:$0x6F3] =	sst s3  }
0x68: {  	s7 =	smul.u32 $0x55555556, s5;
	[smem:$0x702] =	sst s1  }
0x69: {  	(v2sf) =	vpush v17, $0x3;
	s1 =	smulhi.u32 $0x55555556, s22;
	s8 =	spop (v2sf)  }
0x6a: {  	[smem:$0x6F4] =	sst s6;
	s9 =	smulhi.u32 $0x14F8B589, s8  }
0x6b: {  	[smem:$0x704] =	sst s1;
	s10 =	sshra.s32 s8, $0x1F;
	s1 =	smulhi.u32 $0x55555556, s8  }
0x6c: {  	[smem:$0x705] =	sst s7;
	s11 =	smul.u32 $0x14F8B589, s10  }
0x6d: {  	s12 =	spop (v2sf);
	s2 =	smul.u32 $0x55555556, s10  }
0x6e: {  	(v2sf) =	vpush v17, $0x4;
	s13 =	spop (v2sf);
	s6 =	smulhi.u32 $0x14F8B589, s12  }
0x6f: {  	[smem:$0x6F5] =	sst s9;
	s14 =	smulhi.u32 $0x14F8B589, s13  }
0x70: {  	s7 =	sshra.s32 s12, $0x1F;
	[smem:$0x706] =	sst s1;
	s1 =	smulhi.u32 $0x55555556, s12  }
0x71: {  	(v2sf) =	vpush v17, $0x5;
	s8 =	smul.u32 $0x55555556, s7;
	s9 =	spop (v2sf)  }
0x72: {  	s15 =	sshra.s32 s13, $0x1F;
	[smem:$0x707] =	sst s2;
	s2 =	smulhi.u32 $0x55555556, s13  }
0x73: {  	[smem:$0x6F6] =	sst s11;
	s22 =	smul.u32 $0x14F8B589, s15  }
0x74: {  	s5 =	smul.u32 $0x55555556, s15;
	[smem:$0x6F7] =	sst s6  }
0x75: {  	s10 =	smulhi.u32 $0x14F8B589, s9;
	[smem:$0x6F8] =	sst s14  }
0x76: {  	(v2sf) =	vpush v17, $0x6;
	s11 =	sshra.s32 s9, $0x1F;
	[smem:$0x70A] =	sst s1;
	s1 =	smulhi.u32 $0x55555556, s9  }
0x77: {  	[smem:$0x70B] =	sst s8;
	s12 =	smul.u32 $0x14F8B589, s11  }
0x78: {  	s13 =	smul.u32 $0x55555556, s11;
	s14 =	spop (v2sf)  }
0x79: {  	[smem:$0x708] =	sst s2;
	s2 =	smul.u32 $0x14F8B589, s7  }
0x7a: {  	v18 =	vmul.u32 $0x3, v0;
	(v2sf) =	vpush v17, $0x7;
	[smem:$0x6F9] =	sst s22;
	s22 =	smulhi.u32 $0x14F8B589, s14  }
0x7b: {  	s15 =	sshra.s32 s14, $0x1F;
	[smem:$0x70C] =	sst s1;
	s1 =	smulhi.u32 $0x55555556, s14  }
0x7c: {  	v4 =	vadd.s32 v7, v18;
	[smem:$0x709] =	sst s5;
	s8 =	smul.u32 $0x14F8B589, s15  }
0x7d: {  	v19 =	vsub.s32 $0x0, v4;
	s5 =	spop (v2sf);
	s3 =	smul.u32 $0x55555556, s15  }
0x7e: {  	v4 =	vmin.u32 v4, v19;
	[smem:$0x6FA] =	sst s10;
	s6 =	smulhi.u32 $0x14F8B589, s5;
	s7 =	sshra.s32 s5, $0x1F  }
0x7f: {  	(v2sf) =	vpush v4, $0xD;
	[smem:$0x70D] =	sst s13;
	s9 =	smul.u32 $0x14F8B589, s7  }
0x80: {  	s11 =	spop (v2sf);
	s10 =	smul.u32 $0x55555556, s7  }
0x81: {  	[smem:$0x70E] =	sst s1;
	s1 =	smulhi.u32 $0x55555556, s5  }
0x82: {  	[smem:$0x70F] =	sst s3;
	s3 =	smulhi.u32 $0x14F8B589, s11;
	s5 =	sshra.s32 s11, $0x1F  }
0x83: {  	[smem:$0x711] =	sst s10;
	s10 =	smul.u32 $0x14F8B589, s5  }
0x84: {  	(v2sf) =	vpush v4, $0xC;
	s13 =	smul.u32 $0x55555556, s5;
	[smem:$0x710] =	sst s1  }
0x85: {  	s16 =	sadd.s32 s18, s16;
	s1 =	smulhi.u32 $0x55555556, s11;
	s14 =	spop (v2sf)  }
0x86: {  	[smem:$0x758] =	sst s16;
	s19 =	sadd.s32 s19, s17;
	s5 =	smulhi.u32 $0x14F8B589, s14  }
0x87: {  	[smem:$0x712] =	sst s1;
	s7 =	sshra.s32 s14, $0x1F;
	s1 =	smulhi.u32 $0x55555556, s14  }
0x88: {  	[smem:$0x756] =	sst s19;
	s11 =	smul.u32 $0x14F8B589, s7  }
0x89: {  	(v2sf) =	vpush v4, $0xE;
	s15 =	smul.u32 $0x55555556, s7;
	s7 =	spop (v2sf)  }
0x8a: {  	s16 =	sadd.s32 s28, s23;
	[smem:$0x713] =	sst s13;
	s13 =	smulhi.u32 $0x14F8B589, s7  }
0x8b: {  	[smem:$0x714] =	sst s1;
	s14 =	sshra.s32 s7, $0x1F;
	s1 =	smulhi.u32 $0x55555556, s7  }
0x8c: {  	[smem:$0x761] =	sst s16;
	s0 =	sadd.s32 s0, s31;
	s7 =	smul.u32 $0x14F8B589, s14  }
0x8d: {  	[smem:$0x75A] =	sst s0;
	s14 =	smul.u32 $0x55555556, s14  }
0x8e: {  	(v2sf) =	vpush v4, $0xF;
	[smem:$0x716] =	sst s1;
	s1 =	spop (v2sf)  }
0x8f: {  	[smem:$0x715] =	sst s15;
	s15 =	smulhi.u32 $0x14F8B589, s1  }
0x90: {  	[smem:$0x717] =	sst s14;
	s14 =	sshra.s32 s1, $0x1F;
	s1 =	smulhi.u32 $0x55555556, s1  }
0x91: {  	[smem:$0x718] =	sst s15  }
0x92: {  	[smem:$0x72E] =	sst s1;
	s15 =	smul.u32 $0x14F8B589, s14  }
0x93: {  	(v2sf) =	vpush v4, $0x9;
	s14 =	smul.u32 $0x55555556, s14;
	s1 =	spop (v2sf)  }
0x94: {  	[smem:$0x719] =	sst s15;
	s15 =	smulhi.u32 $0x14F8B589, s1  }
0x95: {  	[smem:$0x72F] =	sst s14;
	s14 =	sshra.s32 s1, $0x1F;
	s1 =	smulhi.u32 $0x55555556, s1  }
0x96: {  	[smem:$0x71A] =	sst s15  }
0x97: {  	[smem:$0x730] =	sst s1;
	s15 =	smul.u32 $0x14F8B589, s14  }
0x98: {  	(v2sf) =	vpush v4, $0x8;
	s14 =	smul.u32 $0x55555556, s14;
	s1 =	spop (v2sf)  }
0x99: {  	[smem:$0x71B] =	sst s15;
	s15 =	smulhi.u32 $0x14F8B589, s1  }
0x9a: {  	[smem:$0x731] =	sst s14;
	s14 =	sshra.s32 s1, $0x1F;
	s1 =	smulhi.u32 $0x55555556, s1  }
0x9b: {  	[smem:$0x71C] =	sst s15  }
0x9c: {  	[smem:$0x732] =	sst s1;
	s15 =	smul.u32 $0x14F8B589, s14  }
0x9d: {  	(v2sf) =	vpush v4, $0xA;
	s14 =	smul.u32 $0x55555556, s14;
	s1 =	spop (v2sf)  }
0x9e: {  	[smem:$0x71D] =	sst s15;
	s15 =	smulhi.u32 $0x14F8B589, s1  }
0x9f: {  	[smem:$0x733] =	sst s14;
	s14 =	sshra.s32 s1, $0x1F;
	s1 =	smulhi.u32 $0x55555556, s1  }
0xa0: {  	[smem:$0x71E] =	sst s15  }
0xa1: {  	[smem:$0x734] =	sst s1;
	s15 =	smul.u32 $0x14F8B589, s14  }
0xa2: {  	(v2sf) =	vpush v4, $0xB;
	s14 =	smul.u32 $0x55555556, s14;
	s1 =	spop (v2sf)  }
0xa3: {  	[smem:$0x71F] =	sst s15;
	s15 =	smulhi.u32 $0x14F8B589, s1  }
0xa4: {  	[smem:$0x735] =	sst s14;
	s14 =	sshra.s32 s1, $0x1F;
	s1 =	smulhi.u32 $0x55555556, s1  }
0xa5: {  	[smem:$0x720] =	sst s15  }
0xa6: {  	[smem:$0x736] =	sst s1;
	s15 =	smul.u32 $0x14F8B589, s14  }
0xa7: {  	(v2sf) =	vpush v4, $0x0;
	s14 =	smul.u32 $0x55555556, s14;
	s1 =	spop (v2sf)  }
0xa8: {  	(v2sf) =	vpush v4, $0x1;
	[smem:$0x721] =	sst s15;
	s15 =	smulhi.u32 $0x14F8B589, s1  }
0xa9: {  	(v2sf) =	vpush v4, $0x2;
	[smem:$0x737] =	sst s14;
	s14 =	sshra.s32 s1, $0x1F;
	s1 =	smulhi.u32 $0x55555556, s1  }
0xaa: {  	[smem:$0x722] =	sst s15  }
0xab: {  	(v2sf) =	vpush v4, $0x3;
	[smem:$0x738] =	sst s1;
	s15 =	smul.u32 $0x14F8B589, s14  }
0xac: {  	s14 =	smul.u32 $0x55555556, s14;
	s1 =	spop (v2sf)  }
0xad: {  	[smem:$0x723] =	sst s15;
	s15 =	smulhi.u32 $0x14F8B589, s1  }
0xae: {  	[smem:$0x739] =	sst s14;
	s14 =	sshra.s32 s1, $0x1F;
	s1 =	smulhi.u32 $0x55555556, s1  }
0xaf: {  	[smem:$0x724] =	sst s15  }
0xb0: {  	[smem:$0x73A] =	sst s1;
	s15 =	smul.u32 $0x14F8B589, s14  }
0xb1: {  	s14 =	smul.u32 $0x55555556, s14;
	s1 =	spop (v2sf)  }
0xb2: {  	[smem:$0x725] =	sst s15;
	s15 =	smulhi.u32 $0x14F8B589, s1  }
0xb3: {  	[smem:$0x73B] =	sst s14;
	s14 =	sshra.s32 s1, $0x1F;
	s1 =	smulhi.u32 $0x55555556, s1  }
0xb4: {  	[smem:$0x726] =	sst s15;
	s15 =	smul.u32 $0x14F8B589, s14  }
0xb5: {  	[smem:$0x73C] =	sst s1;
	s14 =	smul.u32 $0x55555556, s14  }
0xb6: {  	s1 =	spop (v2sf);
	[smem:$0x727] =	sst s15  }
0xb7: {  	[smem:$0x73D] =	sst s14;
	s14 =	spop (v2sf)  }
0xb8: {  	s15 =	smulhi.u32 $0x14F8B589, s14;
	s17 =	spop (v2sf)  }
0xb9: {  	s28 =	sld [smem:$0x6D7];
	s19 =	smulhi.u32 $0x14F8B589, s17  }
0xba: {  	s23 =	sshra.s32 s17, $0x1F;
	s16 =	spop (v2sf);
	[smem:$0x729] =	sst s15  }
0xbb: {  	s15 =	sshra.s32 s14, $0x1F;
	s14 =	smulhi.u32 $0x55555556, s14;
	[smem:$0x72B] =	sst s19  }
0xbc: {  	s31 =	smul.u32 $0x14F8B589, s23;
	s19 =	sld [smem:$0x6DD]  }
0xbd: {  	[smem:$0x73E] =	sst s14;
	s14 =	smul.u32 $0x14F8B589, s15  }
0xbe: {  	s15 =	smul.u32 $0x55555556, s15;
	[smem:$0x72C] =	sst s31  }
0xbf: {  	s31 =	smulhi.u32 $0x55555556, s16;
	[smem:$0x72A] =	sst s14  }
0xc0: {  	[smem:$0x73F] =	sst s15  }
0xc1: {  	s15 =	smulhi.u32 $0x14F8B589, s1;
	[smem:$0x744] =	sst s31  }
0xc2: {  	s18 =	sshra.s32 s1, $0x1F;
	s1 =	smulhi.u32 $0x55555556, s1;
	s31 =	sld [smem:$0x6EA]  }
0xc3: {  	s14 =	smul.u32 $0x55555556, s18;
	[smem:$0x728] =	sst s15  }
0xc4: {  	[smem:$0x740] =	sst s1  }
0xc5: {  	[smem:$0x741] =	sst s14  }
0xc6: {  	s15 =	sadd.s32 s21, s20;
	s20 =	sld [smem:$0x6D4]  }
0xc7: {  	s21 =	sld [smem:$0x6D5]  }
0xc8: {  	s1 =	smul.u32 $0x14F8B589, s18;
	s18 =	sadd.s32 s29, s25;
	s25 =	sld [smem:$0x6D6]  }
0xc9: {  	s29 =	sld [smem:$0x6D8]  }
0xca: {  	s14 =	smulhi.u32 $0x55555556, s17;
	s17 =	sld [smem:$0x6DB]  }
0xcb: {  	[smem:$0x75C] =	sst s15  }
0xcc: {  	[smem:$0x75D] =	sst s18  }
0xcd: {  	s15 =	sld [smem:$0x6DA]  }
0xce: {  	s18 =	sld [smem:$0x6DC]  }
0xcf: {  	[smem:$0x742] =	sst s14  }
0xd0: {  	s0 =	sadd.s32 s21, s20;
	s20 =	sld [smem:$0x6DE]  }
0xd1: {  	s14 =	sadd.s32 s28, s25;
	s25 =	sld [smem:$0x6E0]  }
0xd2: {  	s21 =	smulhi.u32 $0x14F8B589, s16;
	s28 =	sshra.s32 s16, $0x1F;
	s16 =	sld [smem:$0x6E3]  }
0xd3: {  	[smem:$0x75F] =	sst s0  }
0xd4: {  	s4 =	sadd.s32 s4, s29;
	[smem:$0x762] =	sst s14  }
0xd5: {  	[smem:$0x755] =	sst s4  }
0xd6: {  	s14 =	sld [smem:$0x6D9]  }
0xd7: {  	s0 =	smul.u32 $0x55555556, s23;
	s23 =	sld [smem:$0x6DF]  }
0xd8: {  	[smem:$0x72D] =	sst s21  }
0xd9: {  	[smem:$0x743] =	sst s0  }
0xda: {  	s0 =	sadd.s32 s18, s17;
	s17 =	sld [smem:$0x6E4]  }
0xdb: {  	s18 =	sld [smem:$0x6E5]  }
0xdc: {  	[smem:$0x759] =	sst s0  }
0xdd: {  	s4 =	sadd.s32 s15, s14;
	s15 =	sld [smem:$0x6E2]  }
0xde: {  	s29 =	smul.u32 $0x14F8B589, s28;
	s0 =	sadd.s32 s20, s19;
	s19 =	sld [smem:$0x6E6]  }
0xdf: {  	(v2sf) =	vpush v4, $0x4;
	s20 =	smul.u32 $0x55555556, s28;
	s28 =	sld [smem:$0x6E9]  }
0xe0: {  	s14 =	sld [smem:$0x6F9]  }
0xe1: {  	[smem:$0x757] =	sst s4  }
0xe2: {  	[smem:$0x75B] =	sst s0  }
0xe3: {  	s4 =	sld [smem:$0x6E1]  }
0xe4: {  	s0 =	sadd.s32 s25, s23;
	s23 =	sld [smem:$0x6E7]  }
0xe5: {  	s25 =	sld [smem:$0x6E8]  }
0xe6: {  	[smem:$0x75E] =	sst s0  }
0xe7: {  	[smem:$0x745] =	sst s20  }
0xe8: {  	s20 =	sld [smem:$0x6EE]  }
0xe9: {  	s0 =	sadd.s32 s15, s4;
	s15 =	sld [smem:$0x6EB]  }
0xea: {  	s4 =	sld [smem:$0x6F8]  }
0xeb: {  	[smem:$0x760] =	sst s0  }
0xec: {  	s0 =	sadd.s32 s17, s16;
	s16 =	sld [smem:$0x6EC]  }
0xed: {  	[smem:$0x763] =	sst s0  }
0xee: {  	s21 =	spop (v2sf);
	s0 =	sadd.s32 s19, s18;
	s19 =	sld [smem:$0x6ED]  }
0xef: {  	s17 =	sshra.s32 s21, $0x1F;
	s18 =	smulhi.u32 $0x55555556, s21;
	[smem:$0x764] =	sst s0  }
0xf0: {  	s0 =	sadd.s32 s25, s23;
	s23 =	smulhi.u32 $0x14F8B589, s21;
	s21 =	sld [smem:$0x6EF]  }
0xf1: {  	(v2sf) =	vpush v4, $0x5;
	s25 =	sld [smem:$0x6F0]  }
0xf2: {  	[smem:$0x765] =	sst s0  }
0xf3: {  	[smem:$0x746] =	sst s18  }
0xf4: {  	s0 =	sadd.s32 s31, s28;
	s28 =	sld [smem:$0x6F1]  }
0xf5: {  	s31 =	sld [smem:$0x6F2]  }
0xf6: {  	s18 =	sld [smem:$0x6F4]  }
0xf7: {  	[smem:$0x766] =	sst s0;
	s0 =	sadd.s32 s16, s15  }
0xf8: {  	s15 =	smul.u32 $0x55555556, s17;
	[smem:$0x767] =	sst s0  }
0xf9: {  	s0 =	sadd.s32 s20, s19;
	s20 =	smul.u32 $0x14F8B589, s17;
	s17 =	sld [smem:$0x6F3]  }
0xfa: {  	s19 =	sld [smem:$0x6F5]  }
0xfb: {  	[smem:$0x768] =	sst s0  }
0xfc: {  	[smem:$0x747] =	sst s15  }
0xfd: {  	s0 =	sadd.s32 s25, s21;
	s21 =	sld [smem:$0x6F6]  }
0xfe: {  	s25 =	sld [smem:$0x6F7]  }
0xff: {  	s15 =	sld [smem:$0x6FA]  }
0x100: {  	s16 =	spop (v2sf);
	[smem:$0x769] =	sst s0  }
0x101: {  	s0 =	sadd.s32 s31, s28;
	s28 =	sshra.s32 s16, $0x1F;
	s31 =	smulhi.u32 $0x55555556, s16  }
0x102: {  	[smem:$0x76A] =	sst s0;
	s0 =	sadd.s32 s18, s17;
	s18 =	smulhi.u32 $0x14F8B589, s16  }
0x103: {  	s16 =	sadd.s32 s8, s22;
	s22 =	sadd.s32 s10, s3;
	s10 =	sld [smem:$0x6FD]  }
0x104: {  	[smem:$0x76B] =	sst s0  }
0x105: {  	(v2sf) =	vpush v4, $0x6;
	[smem:$0x748] =	sst s31  }
0x106: {  	[smem:$0x770] =	sst s16  }
0x107: {  	[smem:$0x772] =	sst s22  }
0x108: {  	(v2sf) =	vpush v4, $0x7;
	s0 =	sadd.s32 s21, s19;
	s21 =	sadd.s32 s9, s6;
	s9 =	sld [smem:$0x6FC]  }
0x109: {  	s16 =	sld [smem:$0x701]  }
0x10a: {  	s17 =	smul.u32 $0x55555556, s28;
	s22 =	sld [smem:$0x703]  }
0x10b: {  	v20 =	vsub.s32 v7, v0;
	[smem:$0x76D] =	sst s0  }
0x10c: {  	v9 =	vsub.s32 $0x0, v20;
	[smem:$0x749] =	sst s17  }
0x10d: {  	v5 =	vmin.u32 v20, v9;
	[smem:$0x771] =	sst s21  }
0x10e: {  	(v2sf) =	vpush v5, $0xD;
	s0 =	sadd.s32 s2, s25;
	s25 =	sadd.s32 s11, s5;
	s5 =	sld [smem:$0x6FB]  }
0x10f: {  	s11 =	sld [smem:$0x6FE]  }
0x110: {  	s2 =	sadd.s32 s7, s13;
	s13 =	sld [smem:$0x6FF]  }
0x111: {  	s21 =	sld [smem:$0x702]  }
0x112: {  	[smem:$0x76C] =	sst s0  }
0x113: {  	s26 =	smul.u32 $0x55555556, s26;
	[smem:$0x773] =	sst s25  }
0x114: {  	s19 =	spop (v2sf);
	[smem:$0x774] =	sst s2  }
0x115: {  	s0 =	sadd.s32 s14, s4;
	s4 =	sadd.s32 s26, s24;
	s24 =	sld [smem:$0x704]  }
0x116: {  	s31 =	smulhi.u32 $0x55555556, s19;
	s25 =	sld [smem:$0x705]  }
0x117: {  	s7 =	spop (v2sf);
	s26 =	sld [smem:$0x706]  }
0x118: {  	s14 =	smul.u32 $0x14F8B589, s28;
	s28 =	sshra.s32 s19, $0x1F;
	[smem:$0x76E] =	sst s0  }
0x119: {  	s0 =	sadd.s32 s12, s15;
	s12 =	smulhi.u32 $0x14F8B589, s19;
	[smem:$0x74A] =	sst s31  }
0x11a: {  	[smem:$0x778] =	sst s4;
	s8 =	smul.u32 $0x14F8B589, s28  }
0x11b: {  	s6 =	smul.u32 $0x55555556, s28;
	s15 =	sld [smem:$0x700]  }
0x11c: {  	s19 =	smulhi.u32 $0x55555556, s7;
	s28 =	sld [smem:$0x707]  }
0x11d: {  	s17 =	sshra.s32 s7, $0x1F;
	s31 =	spop (v2sf);
	s4 =	sld [smem:$0x708]  }
0x11e: {  	[smem:$0x76F] =	sst s0;
	s0 =	sadd.s32 s5, s30;
	s5 =	smulhi.u32 $0x14F8B589, s7  }
0x11f: {  	s7 =	smulhi.u32 $0x14F8B589, s31;
	s3 =	sshra.s32 s31, $0x1F;
	s31 =	sld [smem:$0x713]  }
0x120: {  	(v2sf) =	vpush v5, $0xC;
	[smem:$0x777] =	sst s0  }
0x121: {  	[smem:$0x74B] =	sst s6  }
0x122: {  	[smem:$0x74C] =	sst s19  }
0x123: {  	s6 =	sld [smem:$0x709]  }
0x124: {  	s0 =	sadd.s32 s10, s9;
	s9 =	sld [smem:$0x70A]  }
0x125: {  	s10 =	sld [smem:$0x70B]  }
0x126: {  	s30 =	smul.u32 $0x55555556, s17;
	s19 =	sld [smem:$0x70E]  }
0x127: {  	(v2sf) =	vpush v5, $0xE;
	[smem:$0x77A] =	sst s0  }
0x128: {  	[smem:$0x74D] =	sst s30  }
0x129: {  	[smem:$0x74E] =	sst s7  }
0x12a: {  	s0 =	sadd.s32 s13, s11;
	s30 =	sld [smem:$0x712]  }
0x12b: {  	[smem:$0x77E] =	sst s0  }
0x12c: {  	s0 =	sadd.s32 s16, s15;
	s15 =	sld [smem:$0x70C]  }
0x12d: {  	s11 =	smul.u32 $0x14F8B589, s3;
	s16 =	sld [smem:$0x70D]  }
0x12e: {  	s2 =	smul.u32 $0x14F8B589, s17;
	[smem:$0x78B] =	sst s0  }
0x12f: {  	s13 =	spop (v2sf);
	[smem:$0x74F] =	sst s11  }
0x130: {  	s17 =	smulhi.u32 $0x14F8B589, s13;
	s0 =	sadd.s32 s22, s21;
	s21 =	sld [smem:$0x70F]  }
0x131: {  	[smem:$0x782] =	sst s0  }
0x132: {  	s3 =	sshra.s32 s13, $0x1F;
	[smem:$0x750] =	sst s17  }
0x133: {  	s22 =	smul.u32 $0x14F8B589, s3;
	s0 =	sadd.s32 s25, s24;
	s25 =	sld [smem:$0x710]  }
0x134: {  	[smem:$0x795] =	sst s0  }
0x135: {  	[smem:$0x751] =	sst s22  }
0x136: {  	s24 =	spop (v2sf);
	s0 =	sadd.s32 s28, s26;
	s26 =	sld [smem:$0x711]  }
0x137: {  	s28 =	smulhi.u32 $0x14F8B589, s24;
	[smem:$0x797] =	sst s0;
	s0 =	sadd.s32 s6, s4  }
0x138: {  	(v2sf) =	vpush v5, $0xF;
	[smem:$0x78D] =	sst s0  }
0x139: {  	(v2sf) =	vpush v5, $0x9;
	s0 =	sadd.s32 s10, s9;
	[smem:$0x752] =	sst s28  }
0x13a: {  	(v2sf) =	vpush v5, $0x8;
	[smem:$0x785] =	sst s0;
	s0 =	sadd.s32 s16, s15  }
0x13b: {  	(v2sf) =	vpush v5, $0xA;
	[smem:$0x791] =	sst s0;
	s0 =	sadd.s32 s21, s19  }
0x13c: {  	(v2sf) =	vpush v5, $0xB;
	s3 =	sshra.s32 s24, $0x1F;
	[smem:$0x793] =	sst s0;
	s0 =	sadd.s32 s26, s25  }
0x13d: {  	(v2sf) =	vpush v5, $0x0;
	s4 =	smul.u32 $0x14F8B589, s3;
	[smem:$0x796] =	sst s0;
	s0 =	sadd.s32 s31, s30  }
0x13e: {  	[tilespmem:$0x1FFC0] =	vst v1;
	(v2sf) =	vpush v5, $0x1;
	[smem:$0x798] =	sst s0  }
0x13f: {  	[tilespmem:$0x1FFD0] =	vst v17;
	(v2sf) =	vpush v5, $0x2;
	[smem:$0x753] =	sst s4  }
0x140: {  	s0 =	sld [smem:$0x714]  }
0x141: {  	s7 =	sld [smem:$0x715]  }
0x142: {  	s10 =	sld [smem:$0x716]  }
0x143: {  	s11 =	sld [smem:$0x717]  }
0x144: {  	s15 =	sld [smem:$0x718]  }
0x145: {  	s16 =	sld [smem:$0x719]  }
0x146: {  	s17 =	sld [smem:$0x71A]  }
0x147: {  	s19 =	sld [smem:$0x71B]  }
0x148: {  	s22 =	sld [smem:$0x71C]  }
0x149: {  	s6 =	spop (v2sf);
	s24 =	sld [smem:$0x71D]  }
0x14a: {  	s30 =	sld [smem:$0x71E];
	s9 =	smulhi.u32 $0x14F8B589, s6  }
0x14b: {  	s31 =	sld [smem:$0x71F]  }
0x14c: {  	[smem:$0x754] =	sst s9  }
0x14d: {  	s0 =	sadd.s32 s7, s0;
	s7 =	sld [smem:$0x720]  }
0x14e: {  	s9 =	sld [smem:$0x721]  }
0x14f: {  	s3 =	sshra.s32 s6, $0x1F;
	[smem:$0x79A] =	sst s0  }
0x150: {  	s13 =	spop (v2sf);
	s0 =	sadd.s32 s11, s10;
	s10 =	sld [smem:$0x722]  }
0x151: {  	s28 =	smul.u32 $0x14F8B589, s3;
	s11 =	sld [smem:$0x723]  }
0x152: {  	s26 =	smulhi.u32 $0x14F8B589, s13;
	s3 =	sshra.s32 s13, $0x1F;
	[smem:$0x79C] =	sst s0  }
0x153: {  	s21 =	spop (v2sf);
	s0 =	sadd.s32 s16, s15;
	s15 =	sld [smem:$0x724]  }
0x154: {  	s25 =	smul.u32 $0x14F8B589, s3;
	s16 =	sld [smem:$0x725]  }
0x155: {  	s3 =	sshra.s32 s21, $0x1F;
	s6 =	spop (v2sf);
	[smem:$0x79E] =	sst s0  }
0x156: {  	s25 =	sadd.s32 s25, s26;
	s0 =	sadd.s32 s19, s17;
	s17 =	sld [smem:$0x726]  }
0x157: {  	[smem:$0x79B] =	sst s0;
	s0 =	sadd.s32 s24, s22;
	s24 =	smulhi.u32 $0x14F8B589, s21  }
0x158: {  	[smem:$0x7BE] =	sst s25;
	s22 =	smul.u32 $0x14F8B589, s3  }
0x159: {  	s21 =	smulhi.u32 $0x14F8B589, s6;
	s3 =	sshra.s32 s6, $0x1F;
	s6 =	sld [smem:$0x728]  }
0x15a: {  	s13 =	spop (v2sf);
	[smem:$0x79F] =	sst s0  }
0x15b: {  	s19 =	smulhi.u32 $0x14F8B589, s13;
	s0 =	sadd.s32 s31, s30;
	s30 =	sld [smem:$0x727]  }
0x15c: {  	s31 =	smul.u32 $0x14F8B589, s3;
	s3 =	sshra.s32 s13, $0x1F;
	s13 =	sld [smem:$0x72B]  }
0x15d: {  	[smem:$0x7A1] =	sst s0  }
0x15e: {  	s0 =	sadd.s32 s9, s7;
	s9 =	sld [smem:$0x729]  }
0x15f: {  	s4 =	spop (v2sf);
	[smem:$0x7A4] =	sst s0  }
0x160: {  	s22 =	sadd.s32 s22, s24;
	s0 =	sadd.s32 s11, s10;
	s10 =	sld [smem:$0x72A]  }
0x161: {  	s7 =	sshra.s32 s4, $0x1F;
	[dreg:$0x1a] =	wrdreg s22  }
0x162: {  	[smem:$0x7A2] =	sst s0;
	s0 =	sadd.s32 s16, s15;
	s16 =	smulhi.u32 $0x14F8B589, s4  }
0x163: {  	(v2sf) =	vpush v5, $0x3;
	s15 =	smul.u32 $0x14F8B589, s7;
	s4 =	sld [smem:$0x72D]  }
0x164: {  	s7 =	sadd.s32 s20, s23;
	s23 =	sadd.s32 s2, s5;
	s2 =	sld [smem:$0x72E]  }
0x165: {  	s5 =	sld [smem:$0x731]  }
0x166: {  	(v2sf) =	vpush v5, $0x4;
	[smem:$0x7A6] =	sst s0  }
0x167: {  	s0 =	sadd.s32 s30, s17;
	s30 =	sld [smem:$0x72C]  }
0x168: {  	[smem:$0x7A8] =	sst s7  }
0x169: {  	[smem:$0x7AC] =	sst s23  }
0x16a: {  	(v2sf) =	vpush v5, $0x5;
	s17 =	smul.u32 $0x14F8B589, s3;
	s3 =	sld [smem:$0x72F]  }
0x16b: {  	s7 =	sld [smem:$0x732]  }
0x16c: {  	[smem:$0x7A9] =	sst s0;
	s0 =	sadd.s32 s1, s6  }
0x16d: {  	s11 =	spop (v2sf);
	[smem:$0x7A0] =	sst s0;
	s0 =	sadd.s32 s10, s9  }
0x16e: {  	(v2sf) =	vpush v5, $0x6;
	s9 =	sadd.s32 s14, s18;
	s18 =	sadd.s32 s8, s12;
	s8 =	sld [smem:$0x733]  }
0x16f: {  	s6 =	spop (v2sf);
	[smem:$0x7A3] =	sst s0  }
0x170: {  	s20 =	smulhi.u32 $0x14F8B589, s6;
	[smem:$0x7AA] =	sst s9  }
0x171: {  	s1 =	sadd.s32 s30, s13;
	s13 =	smulhi.u32 $0x14F8B589, s11;
	[smem:$0x7AB] =	sst s18  }
0x172: {  	s0 =	sshra.s32 s11, $0x1F;
	s10 =	spop (v2sf);
	s9 =	sld [smem:$0x734]  }
0x173: {  	(v2sf) =	vpush v5, $0x7;
	[smem:$0x7A5] =	sst s1;
	s1 =	sadd.s32 s29, s4;
	s29 =	smul.u32 $0x14F8B589, s0  }
0x174: {  	s11 =	smulhi.u32 $0x14F8B589, s10;
	s4 =	sld [smem:$0x730]  }
0x175: {  	s0 =	sshra.s32 s6, $0x1F;
	s30 =	spop (v2sf);
	[smem:$0x7A7] =	sst s1  }
0x176: {  	s14 =	smul.u32 $0x14F8B589, s0;
	s1 =	sadd.s32 s3, s2;
	s2 =	sld [smem:$0x73E]  }
0x177: {  	s0 =	sshra.s32 s10, $0x1F;
	s12 =	smulhi.u32 $0x14F8B589, s30;
	[smem:$0x7AF] =	sst s1  }
0x178: {  	s10 =	smul.u32 $0x14F8B589, s0;
	s0 =	sshra.s32 s30, $0x1F;
	s30 =	sld [smem:$0x735]  }
0x179: {  	s6 =	spop (v2sf);
	s1 =	sadd.s32 s5, s4;
	s4 =	sld [smem:$0x736]  }
0x17a: {  	s23 =	smulhi.u32 $0x14F8B589, s6;
	s5 =	sld [smem:$0x737]  }
0x17b: {  	s18 =	smul.u32 $0x14F8B589, s0;
	s0 =	sshra.s32 s6, $0x1F;
	s6 =	sld [smem:$0x738]  }
0x17c: {  	[smem:$0x7AE] =	sst s1  }
0x17d: {  	s3 =	spop (v2sf);
	s1 =	sadd.s32 s8, s7;
	s7 =	sld [smem:$0x739]  }
0x17e: {  	v6 =	vsub.s32 v7, v6;
	s8 =	smulhi.u32 $0x14F8B589, s3;
	[smem:$0x7B0] =	sst s1;
	s1 =	sadd.s32 s30, s9  }
0x17f: {  	v21 =	vsub.s32 $0x0, v6;
	s9 =	smul.u32 $0x14F8B589, s0;
	s0 =	sshra.s32 s3, $0x1F;
	s3 =	sld [smem:$0x73A]  }
0x180: {  	v6 =	vmin.u32 v6, v21;
	[smem:$0x7B2] =	sst s1  }
0x181: {  	(v2sf) =	vpush v6, $0xD;
	s1 =	sadd.s32 s5, s4;
	s4 =	sld [smem:$0x73B]  }
0x182: {  	s30 =	spop (v2sf);
	s5 =	sld [smem:$0x73C]  }
0x183: {  	[smem:$0x7B5] =	sst s1;
	s1 =	sadd.s32 s7, s6;
	s7 =	smul.u32 $0x14F8B589, s0  }
0x184: {  	s6 =	smulhi.u32 $0x14F8B589, s30;
	s0 =	sshra.s32 s30, $0x1F;
	s30 =	sld [smem:$0x73D]  }
0x185: {  	[smem:$0x7B3] =	sst s1  }
0x186: {  	s1 =	sadd.s32 s4, s3;
	s3 =	sld [smem:$0x73F]  }
0x187: {  	s4 =	sld [smem:$0x740]  }
0x188: {  	[smem:$0x7B7] =	sst s1  }
0x189: {  	s1 =	sadd.s32 s30, s5;
	s30 =	sld [smem:$0x741]  }
0x18a: {  	[dreg:$0x1e] =	wrdreg s1  }
0x18b: {  	s1 =	sadd.s32 s3, s2;
	s3 =	sld [smem:$0x742]  }
0x18c: {  	[smem:$0x7B4] =	sst s1  }
0x18d: {  	s21 =	sadd.s32 s31, s21;
	s1 =	sadd.s32 s30, s4;
	s30 =	sld [smem:$0x743]  }
0x18e: {  	[dreg:$0x18] =	wrdreg s21  }
0x18f: {  	s5 =	smul.u32 $0x14F8B589, s0;
	[smem:$0x7B1] =	sst s1  }
0x190: {  	s0 =	spop (v2sf);
	s1 =	sadd.s32 s30, s3;
	s3 =	sld [smem:$0x744]  }
0x191: {  	s17 =	sadd.s32 s17, s19;
	s4 =	smulhi.u32 $0x14F8B589, s0;
	s30 =	sld [smem:$0x745]  }
0x192: {  	[smem:$0x7B6] =	sst s1;
	s1 =	sshra.s32 s0, $0x1F;
	s0 =	smulhi.u32 $0x55555556, s0  }
0x193: {  	[dreg:$0x13] =	wrdreg s17  }
0x194: {  	[smem:$0x77C] =	sst s0  }
0x195: {  	s0 =	sadd.s32 s30, s3;
	s3 =	sld [smem:$0x746]  }
0x196: {  	s30 =	sld [smem:$0x747]  }
0x197: {  	s2 =	sld [smem:$0x748]  }
0x198: {  	[smem:$0x7B8] =	sst s0  }
0x199: {  	(v2sf) =	vpush v6, $0xC;
	s19 =	sadd.s32 s15, s16;
	s0 =	sadd.s32 s30, s3;
	s30 =	sld [smem:$0x749]  }
0x19a: {  	[smem:$0x7BF] =	sst s19  }
0x19b: {  	[smem:$0x7B9] =	sst s0  }
0x19c: {  	s0 =	sadd.s32 s30, s2;
	s2 =	sld [smem:$0x74A]  }
0x19d: {  	s13 =	sadd.s32 s29, s13;
	s30 =	sld [smem:$0x74B]  }
0x19e: {  	[dreg:$0x1b] =	wrdreg s13  }
0x19f: {  	[smem:$0x7BA] =	sst s0  }
0x1a0: {  	s0 =	sadd.s32 s30, s2;
	s2 =	sld [smem:$0x74C]  }
0x1a1: {  	s24 =	sadd.s32 s14, s20;
	s30 =	sld [smem:$0x74D]  }
0x1a2: {  	[dreg:$0x19] =	wrdreg s24  }
0x1a3: {  	[smem:$0x7BB] =	sst s0  }
0x1a4: {  	s0 =	sadd.s32 s30, s2;
	s30 =	sld [smem:$0x74F]  }
0x1a5: {  	s3 =	smul.u32 $0x14F8B589, s1;
	[dreg:$0x1f] =	wrdreg s0  }
0x1a6: {  	s10 =	sadd.s32 s10, s11;
	s1 =	smul.u32 $0x55555556, s1;
	s0 =	sld [smem:$0x74E]  }
0x1a7: {  	[dreg:$0x17] =	wrdreg s10  }
0x1a8: {  	s26 =	sadd.s32 s18, s12;
	[smem:$0x77D] =	sst s1;
	s1 =	spop (v2sf)  }
0x1a9: {  	s12 =	sld [smem:$0x758];
	s2 =	smulhi.u32 $0x14F8B589, s1;
	s0 =	sadd.s32 s30, s0  }
0x1aa: {  	(v2sf) =	vpush v6, $0xE;
	[dreg:$0x1d] =	wrdreg s0;
	s0 =	sshra.s32 s1, $0x1F;
	s1 =	smulhi.u32 $0x55555556, s1  }
0x1ab: {  	s30 =	sld [smem:$0x751]  }
0x1ac: {  	[smem:$0x780] =	sst s1  }
0x1ad: {  	(v2sf) =	vpush v6, $0xF;
	s1 =	sld [smem:$0x750]  }
0x1ae: {  	[dreg:$0x16] =	wrdreg s26;
	s9 =	sadd.s32 s9, s23  }
0x1af: {  	[dreg:$0x15] =	wrdreg s9  }
0x1b0: {  	(v2sf) =	vpush v6, $0x9;
	s1 =	sadd.s32 s30, s1;
	s30 =	sld [smem:$0x753]  }
0x1b1: {  	(v2sf) =	vpush v6, $0x8;
	[smem:$0x7BC] =	sst s1  }
0x1b2: {  	s7 =	sadd.s32 s7, s8;
	(v2sf) =	vpush v6, $0xA;
	s1 =	sld [smem:$0x752]  }
0x1b3: {  	[dreg:$0x14] =	wrdreg s7;
	s5 =	sadd.s32 s5, s6  }
0x1b4: {  	(v2sf) =	vpush v6, $0xB;
	[dreg:$0x12] =	wrdreg s5  }
0x1b5: {  	s1 =	sadd.s32 s30, s1;
	s30 =	sld [smem:$0x754]  }
0x1b6: {  	[smem:$0x7BD] =	sst s1;
	s1 =	smul.u32 $0x14F8B589, s0  }
0x1b7: {  	s5 =	sld [smem:$0x762];
	s3 =	sadd.s32 s3, s4;
	s0 =	smul.u32 $0x55555556, s0  }
0x1b8: {  	[dreg:$0x10] =	wrdreg s3  }
0x1b9: {  	s28 =	sadd.s32 s28, s30;
	[smem:$0x781] =	sst s0;
	s30 =	spop (v2sf)  }
0x1ba: {  	s1 =	sadd.s32 s1, s2;
	s2 =	sld [smem:$0x756];
	s22 =	smulhi.u32 $0x14F8B589, s30  }
0x1bb: {  	[dreg:$0x1c] =	wrdreg s28;
	s31 =	sshra.s32 s30, $0x1F;
	s0 =	smulhi.u32 $0x55555556, s30  }
0x1bc: {  	s15 =	spop (v2sf);
	s21 =	smul.u32 $0x55555556, s31  }
0x1bd: {  	[dreg:$0xf] =	wrdreg s1;
	s14 =	smulhi.u32 $0x14F8B589, s15  }
0x1be: {  	s16 =	sshra.s32 s15, $0x1F;
	[smem:$0x783] =	sst s0;
	s0 =	smul.u32 $0x14F8B589, s31  }
0x1bf: {  	s17 =	spop (v2sf);
	s25 =	smul.u32 $0x14F8B589, s16  }
0x1c0: {  	s18 =	sshra.s32 s17, $0x1F;
	s19 =	spop (v2sf);
	[smem:$0x784] =	sst s21  }
0x1c1: {  	s29 =	smul.u32 $0x14F8B589, s18;
	s21 =	spop (v2sf)  }
0x1c2: {  	s11 =	smul.u32 $0x55555556, s18;
	s18 =	sld [smem:$0x75E];
	s8 =	sshra.s32 s21, $0x1F  }
0x1c3: {  	s13 =	spop (v2sf);
	[smem:$0x779] =	sst s8  }
0x1c4: {  	s0 =	sadd.s32 s0, s22;
	[smem:$0x77B] =	sst s13  }
0x1c5: {  	s25 =	sadd.s32 s25, s14;
	[dreg:$0x11] =	wrdreg s0  }
0x1c6: {  	s28 =	smulhi.u32 $0x14F8B589, s17;
	[dreg:$0xd] =	wrdreg s25  }
0x1c7: {  	s23 =	smulhi.u32 $0x14F8B589, s13;
	s24 =	sshra.s32 s13, $0x1F;
	s13 =	sld [smem:$0x755]  }
0x1c8: {  	[smem:$0x78A] =	sst s11  }
0x1c9: {  	s26 =	sadd.s32 s29, s28;
	s29 =	smulhi.u32 $0x55555556, s15;
	s15 =	sld [smem:$0x75A]  }
0x1ca: {  	s11 =	sld [smem:$0x75D]  }
0x1cb: {  	s10 =	smul.u32 $0x14F8B589, s8;
	s8 =	sld [smem:$0x76A]  }
0x1cc: {  	s30 =	smulhi.u32 $0x14F8B589, s19;
	s20 =	sshra.s32 s19, $0x1F;
	[smem:$0x77F] =	sst s24  }
0x1cd: {  	s31 =	smul.u32 $0x14F8B589, s20;
	[dreg:$0xe] =	wrdreg s26  }
0x1ce: {  	s4 =	smul.u32 $0x14F8B589, s24;
	s24 =	sld [smem:$0x757]  }
0x1cf: {  	s28 =	sadd.s32 s31, s30;
	s31 =	smul.u32 $0x55555556, s16;
	s16 =	sld [smem:$0x759]  }
0x1d0: {  	s6 =	smulhi.u32 $0x14F8B589, s21;
	[dreg:$0xc] =	wrdreg s28  }
0x1d1: {  	[smem:$0x787] =	sst s29  }
0x1d2: {  	s1 =	sadd.s32 s10, s6;
	s28 =	smulhi.u32 $0x55555556, s19;
	s19 =	sld [smem:$0x75B]  }
0x1d3: {  	[dreg:$0xb] =	wrdreg s1  }
0x1d4: {  	[smem:$0x788] =	sst s31  }
0x1d5: {  	s31 =	sld [smem:$0x75C]  }
0x1d6: {  	s0 =	sadd.s32 s4, s23;
	s23 =	sld [smem:$0x760]  }
0x1d7: {  	s30 =	sshrl.u32 s13, $0x1F;
	v13 =	vmov s13;
	s13 =	sld [smem:$0x766]  }
0x1d8: {  	s29 =	sshrl.u32 s15, $0x1F;
	v14 =	vmov s15;
	s15 =	sld [smem:$0x76B]  }
0x1d9: {  	[dreg:$0xa] =	wrdreg s0  }
0x1da: {  	(v2sf) =	vpush v6, $0x0;
	[smem:$0x78F] =	sst s28  }
0x1db: {  	s1 =	smulhi.u32 $0x55555556, s17;
	s0 =	sld [smem:$0x764]  }
0x1dc: {  	s9 =	sshrl.u32 s2, $0x1F;
	v11 =	vmov s29;
	s29 =	sld [smem:$0x768]  }
0x1dd: {  	v10 =	vmov s9;
	s25 =	sshrl.u32 s12, $0x1F;
	s7 =	sshrl.u32 s11, $0x1F;
	v22 =	vmov s30;
	[smem:$0x789] =	sst s1  }
0x1de: {  	v10 =	vsel vm0, s25, v10;
	s10 =	sshrl.u32 s24, $0x1F;
	v9 =	vnsel vm3, $0x0, v22;
	v11 =	vsel vm0, s7, v11;
	s7 =	sld [smem:$0x76E];
	s6 =	sshrl.u32 s31, $0x1F  }
0x1df: {  	(v2sf) =	vpush v6, $0x1;
	s26 =	sshrl.u32 s16, $0x1F;
	v9 =	vsel vm0, s10, v9;
	s10 =	smul.u32 $0x55555556, s20;
	v10 =	vsel vm1, s6, v10;
	s6 =	sld [smem:$0x761]  }
0x1e0: {  	s4 =	sshrl.u32 s13, $0x1F;
	v9 =	vsel vm1, s26, v9;
	s26 =	smulhi.u32 $0x55555556, s21;
	s21 =	sld [smem:$0x767]  }
0x1e1: {  	(v2sf) =	vpush v6, $0x2;
	v16 =	vmov s4;
	s4 =	sld [smem:$0x770]  }
0x1e2: {  	s30 =	sshrl.u32 s19, $0x1F;
	[smem:$0x790] =	sst s10  }
0x1e3: {  	s9 =	sshrl.u32 s18, $0x1F;
	v9 =	vsel vm2, s30, v9;
	s10 =	sld [smem:$0x763]  }
0x1e4: {  	v9 =	vsel vm4, s9, v9;
	s9 =	sld [smem:$0x75F]  }
0x1e5: {  	(v2sf) =	vpush v6, $0x3;
	[smem:$0x792] =	sst s26  }
0x1e6: {  	(v2sf) =	vpush v6, $0x4;
	s17 =	sshrl.u32 s23, $0x1F;
	s26 =	sld [smem:$0x76C]  }
0x1e7: {  	v9 =	vsel vm5, s17, v9;
	s20 =	sshrl.u32 s6, $0x1F;
	s17 =	sld [smem:$0x769]  }
0x1e8: {  	v14 =	vsel vm0, s11, v14;
	v10 =	vsel vm2, s20, v10;
	s20 =	sld [smem:$0x765]  }
0x1e9: {  	v12 =	vmov s2;
	v13 =	vnsel vm3, $0x0, v13;
	s14 =	sshrl.u32 s9, $0x1F;
	s30 =	spop (v2sf);
	v14 =	vsel vm1, s9, v14;
	s9 =	sld [smem:$0x76D]  }
0x1ea: {  	v12 =	vsel vm0, s12, v12;
	s22 =	sshrl.u32 s5, $0x1F;
	v13 =	vsel vm0, s24, v13;
	s24 =	sshrl.u32 s15, $0x1F;
	[smem:$0x78C] =	sst s30  }
0x1eb: {  	v12 =	vsel vm1, s31, v12;
	s28 =	sshrl.u32 s0, $0x1F;
	s1 =	sshra.s32 s30, $0x1F;
	v14 =	vsel vm2, s5, v14;
	s5 =	sld [smem:$0x76F]  }
0x1ec: {  	v19 =	vmov s13;
	v12 =	vsel vm2, s6, v12;
	s6 =	sshrl.u32 s7, $0x1F;
	s11 =	sshrl.u32 s26, $0x1F;
	[smem:$0x78E] =	sst s1  }
0x1ed: {  	v13 =	vsel vm1, s16, v13;
	v11 =	vsel vm1, s14, v11;
	s31 =	smulhi.u32 $0x14F8B589, s30;
	s3 =	sshrl.u32 s20, $0x1F;
	v19 =	vsel vm0, s20, v19;
	s20 =	sld [smem:$0x777]  }
0x1ee: {  	v20 =	vmov s8;
	v13 =	vsel vm2, s19, v13;
	s12 =	spop (v2sf);
	v11 =	vsel vm2, s22, v11;
	s22 =	sshrl.u32 s8, $0x1F;
	s8 =	sld [smem:$0x77E]  }
0x1ef: {  	(v2sf) =	vpush v6, $0x5;
	v13 =	vsel vm4, s18, v13;
	s19 =	smulhi.u32 $0x14F8B589, s12;
	s30 =	sshra.s32 s12, $0x1F;
	[smem:$0x775] =	sst s31  }
0x1f0: {  	v13 =	vsel vm5, s23, v13;
	s23 =	sshrl.u32 s4, $0x1F;
	v18 =	vmov s26;
	v15 =	vmov s11;
	s18 =	spop (v2sf);
	[smem:$0x786] =	sst s30  }
0x1f1: {  	(v2sf) =	vpush v6, $0x6;
	s25 =	sshrl.u32 s10, $0x1F;
	v18 =	vnsel vm3, $0x0, v18;
	v15 =	vnsel vm3, $0x0, v15;
	s31 =	smul.u32 $0x14F8B589, s1;
	s1 =	sld [smem:$0x772]  }
0x1f2: {  	(v2sf) =	vpush v6, $0x7;
	v18 =	vsel vm0, s7, v18;
	v15 =	vsel vm0, s6, v15;
	[smem:$0x776] =	sst s19;
	s11 =	sshrl.u32 s5, $0x1F;
	s19 =	sshra.s32 s18, $0x1F  }
0x1f3: {  	s14 =	sshrl.u32 s21, $0x1F;
	v18 =	vsel vm1, s5, v18;
	[smem:$0x794] =	sst s19;
	v17 =	vsel vm1, s11, v15;
	s11 =	smul.u32 $0x14F8B589, s19  }
0x1f4: {  	s2 =	sshrl.u32 s17, $0x1F;
	v16 =	vsel vm0, s3, v16;
	s19 =	spop (v2sf);
	v18 =	vsel vm2, s4, v18;
	s4 =	sld [smem:$0x77B]  }
0x1f5: {  	v26 =	vmov s22;
	v24 =	vsel vm1, s14, v16;
	v25 =	vsel vm2, s23, v17;
	s23 =	sld [smem:$0x771];
	s14 =	sshra.s32 s19, $0x1F;
	s22 =	spop (v2sf)  }
0x1f6: {  	v9 =	vsel vm6, s25, v9;
	s16 =	smulhi.u32 $0x14F8B589, s18;
	v17 =	vsel vm0, s2, v26;
	[smem:$0x799] =	sst s14;
	s26 =	sshra.s32 s22, $0x1F  }
0x1f7: {  	v23 =	vsel vm7, s28, v9;
	s28 =	sshrl.u32 s9, $0x1F;
	v17 =	vsel vm1, s24, v17;
	[smem:$0x79D] =	sst s26  }
0x1f8: {  	s5 =	sadd.s32 s11, s16;
	v17 =	vsel vm2, s28, v17;
	s28 =	sld [smem:$0x776]  }
0x1f9: {  	v13 =	vsel vm6, s10, v13;
	v20 =	vsel vm0, s17, v20;
	v19 =	vsel vm1, s21, v19;
	s10 =	smulhi.u32 $0x14F8B589, s19;
	[smem:$0x7C2] =	sst s5  }
0x1fa: {  	s25 =	sshrl.u32 s29, $0x1F;
	v20 =	vsel vm1, s15, v20;
	s14 =	smul.u32 $0x14F8B589, s14;
	v21 =	vsel vm4, s23, v18;
	v18 =	vsel vm2, s29, v19;
	s29 =	sld [smem:$0x779]  }
0x1fb: {  	v19 =	vsel vm2, s9, v20;
	s9 =	sld [smem:$0x77F]  }
0x1fc: {  	s6 =	sshrl.u32 s23, $0x1F;
	s11 =	sadd.s32 s14, s10;
	s10 =	sld [smem:$0x780]  }
0x1fd: {  	s30 =	smul.u32 $0x14F8B589, s30;
	v16 =	vsel vm4, s6, v25;
	s6 =	sld [smem:$0x773]  }
0x1fe: {  	s24 =	spop (v2sf);
	[smem:$0x7C3] =	sst s11  }
0x1ff: {  	v15 =	vsel vm7, s0, v13;
	v13 =	vsel vm2, s25, v24;
	s25 =	sshrl.u32 s1, $0x1F;
	s26 =	smul.u32 $0x14F8B589, s26;
	s11 =	sld [smem:$0x781]  }
0x200: {  	v16 =	vsel vm5, s25, v16;
	s25 =	smulhi.u32 $0x14F8B589, s22;
	s30 =	sadd.s32 s30, s28;
	s28 =	spop (v2sf)  }
0x201: {  	[smem:$0x7C1] =	sst s30;
	s30 =	spop (v2sf)  }
0x202: {  	s5 =	smul.u32 $0x55555556, s29;
	s29 =	sld [smem:$0x788]  }
0x203: {  	s2 =	sshrl.u32 s6, $0x1F;
	s14 =	sadd.s32 s26, s25;
	s25 =	sld [smem:$0x778]  }
0x204: {  	v27 =	vsel vm5, s1, v21;
	s15 =	smulhi.u32 $0x14F8B589, s30;
	s26 =	sshra.s32 s30, $0x1F;
	v16 =	vsel vm6, s2, v16;
	s2 =	sld [smem:$0x774]  }
0x205: {  	v20 =	vsel vm6, s6, v27;
	s6 =	sld [smem:$0x77C];
	s21 =	smul.u32 $0x14F8B589, s26  }
0x206: {  	[smem:$0x7C4] =	sst s14  }
0x207: {  	s3 =	sshrl.u32 s2, $0x1F;
	v9 =	vsel vm7, s2, v20;
	s2 =	sadd.s32 s21, s15;
	s15 =	sld [smem:$0x782]  }
0x208: {  	v16 =	vsel vm7, s3, v16;
	s3 =	sld [smem:$0x775]  }
0x209: {  	s16 =	sshra.s32 s28, $0x1F;
	s21 =	sld [smem:$0x785]  }
0x20a: {  	s13 =	smul.u32 $0x14F8B589, s16;
	[smem:$0x7C7] =	sst s2  }
0x20b: {  	s7 =	sadd.s32 s31, s3;
	s3 =	smulhi.u32 $0x14F8B589, s24;
	s31 =	sshra.s32 s24, $0x1F  }
0x20c: {  	s2 =	sld [smem:$0x789];
	s0 =	smul.u32 $0x14F8B589, s31  }
0x20d: {  	[smem:$0x7C0] =	sst s7;
	s7 =	smulhi.u32 $0x14F8B589, s28  }
0x20e: {  	s17 =	sadd.s32 s0, s3;
	s3 =	sld [smem:$0x77A]  }
0x20f: {  	s23 =	sadd.s32 s13, s7;
	s7 =	sld [smem:$0x77D]  }
0x210: {  	v28 =	vmov s20;
	s0 =	sshrl.u32 s20, $0x1F;
	s13 =	smulhi.u32 $0x55555556, s4;
	s20 =	sld [smem:$0x784]  }
0x211: {  	s4 =	smulhi.u32 $0x55555556, s12;
	s12 =	sld [smem:$0x78E]  }
0x212: {  	[smem:$0x7C5] =	sst s17  }
0x213: {  	[smem:$0x7C6] =	sst s23  }
0x214: {  	s17 =	sld [smem:$0x783]  }
0x215: {  	s23 =	sld [smem:$0x786]  }
0x216: {  	v21 =	vsel vm0, s25, v28;
	v29 =	vmov s0;
	s0 =	sshrl.u32 s25, $0x1F;
	s25 =	sld [smem:$0x787]  }
0x217: {  	v20 =	vsel vm0, s0, v29;
	v21 =	vsel vm1, s3, v21;
	s0 =	sshrl.u32 s3, $0x1F;
	s3 =	sld [smem:$0x78A]  }
0x218: {  	v30 =	vsel vm1, s0, v20;
	s0 =	sadd.s32 s7, s6;
	s6 =	sld [smem:$0x78B]  }
0x219: {  	s7 =	sld [smem:$0x78C]  }
0x21a: {  	[smem:$0x7CA] =	sst s0  }
0x21b: {  	v20 =	vsel vm2, s8, v21;
	s0 =	sshrl.u32 s8, $0x1F;
	s8 =	sld [smem:$0x78D]  }
0x21c: {  	v21 =	vsel vm2, s0, v30;
	s0 =	sadd.s32 s11, s10;
	s10 =	smul.u32 $0x55555556, s23;
	s23 =	sld [smem:$0x792]  }
0x21d: {  	v22 =	vmul.u32 $0xFFFFFFFD, v0;
	[smem:$0x7C9] =	sst s0  }
0x21e: {  	v31 =	vmov s15;
	s0 =	sshrl.u32 s15, $0x1F;
	s15 =	sld [smem:$0x78F]  }
0x21f: {  	v7 =	vadd.s32 v7, v22;
	s14 =	smul.u32 $0x55555556, s9;
	v22 =	vsel vm0, s6, v31;
	s9 =	sshrl.u32 s6, $0x1F;
	s6 =	sld [smem:$0x795]  }
0x220: {  	s1 =	smulhi.u32 $0x55555556, s7;
	s7 =	sld [smem:$0x796]  }
0x221: {  	v32 =	vmov s0;
	s0 =	sadd.s32 s20, s17;
	s17 =	sld [smem:$0x790]  }
0x222: {  	s20 =	sld [smem:$0x791]  }
0x223: {  	[smem:$0x7CB] =	sst s0  }
0x224: {  	[smem:$0x7AD] =	sst s1  }
0x225: {  	s4 =	sadd.s32 s10, s4;
	s1 =	smul.u32 $0x55555556, s12;
	s12 =	sld [smem:$0x798]  }
0x226: {  	s0 =	sshrl.u32 s21, $0x1F;
	[smem:$0x7D0] =	sst s4  }
0x227: {  	v25 =	vmov s0;
	s0 =	sadd.s32 s29, s25;
	s25 =	sld [smem:$0x793]  }
0x228: {  	[smem:$0x7CE] =	sst s0  }
0x229: {  	s0 =	sadd.s32 s3, s2;
	s3 =	sld [smem:$0x794]  }
0x22a: {  	s2 =	smulhi.u32 $0x55555556, s18;
	s18 =	sld [smem:$0x799]  }
0x22b: {  	s11 =	sshrl.u32 s8, $0x1F;
	v25 =	vnsel vm3, $0x0, v25;
	[smem:$0x7CF] =	sst s0  }
0x22c: {  	v25 =	vsel vm0, s11, v25;
	s0 =	sadd.s32 s17, s15;
	s11 =	sld [smem:$0x797]  }
0x22d: {  	v24 =	vmov s21;
	s21 =	sshrl.u32 s20, $0x1F;
	[smem:$0x7CD] =	sst s0  }
0x22e: {  	s0 =	sadd.s32 s5, s23;
	s5 =	smulhi.u32 $0x55555556, s19;
	s19 =	sld [smem:$0x79A]  }
0x22f: {  	v25 =	vsel vm1, s21, v25;
	s21 =	sld [smem:$0x79B]  }
0x230: {  	s23 =	sld [smem:$0x79C]  }
0x231: {  	v24 =	vnsel vm3, $0x0, v24;
	s29 =	sshrl.u32 s25, $0x1F;
	[smem:$0x7D1] =	sst s0  }
0x232: {  	v24 =	vsel vm0, s8, v24;
	v22 =	vsel vm1, s6, v22;
	s8 =	sshrl.u32 s6, $0x1F;
	v25 =	vsel vm2, s29, v25;
	s6 =	smul.u32 $0x55555556, s18;
	s29 =	sld [smem:$0x79D]  }
0x233: {  	s18 =	sadd.s32 s14, s13;
	s14 =	smulhi.u32 $0x55555556, s30;
	s30 =	sld [smem:$0x7A8]  }
0x234: {  	[tilespmem:$0x1FFB0] =	vst v23;
	v23 =	vsub.s32 $0x0, v7;
	v24 =	vsel vm1, s20, v24;
	[smem:$0x7D4] =	sst s18  }
0x235: {  	v7 =	vmin.u32 v7, v23;
	v23 =	vsel vm0, s9, v32;
	s4 =	smul.u32 $0x55555556, s26;
	s9 =	sshrl.u32 s7, $0x1F;
	v24 =	vsel vm2, s25, v24;
	s18 =	sld [smem:$0x7A1]  }
0x236: {  	s17 =	sshrl.u32 s12, $0x1F;
	v24 =	vsel vm4, s7, v24;
	v25 =	vsel vm4, s9, v25;
	s9 =	smulhi.u32 $0x55555556, s24;
	s24 =	sld [smem:$0x7A2]  }
0x237: {  	(v2sf) =	vpush v7, $0xD;
	s7 =	smulhi.u32 $0x55555556, s22;
	v24 =	vsel vm5, s12, v24;
	v33 =	vsel vm5, s17, v25;
	s17 =	sld [smem:$0x79E]  }
0x238: {  	v24 =	vsel vm6, s19, v24;
	s20 =	sshrl.u32 s19, $0x1F;
	s22 =	sshrl.u32 s21, $0x1F;
	s19 =	sld [smem:$0x79F]  }
0x239: {  	s3 =	smul.u32 $0x55555556, s3;
	v27 =	vmov s22;
	s22 =	sld [smem:$0x7A0]  }
0x23a: {  	s25 =	sshrl.u32 s23, $0x1F;
	s4 =	sadd.s32 s4, s14;
	s14 =	sld [smem:$0x7B8];
	v25 =	vsel vm6, s20, v33  }
0x23b: {  	v26 =	vsel vm1, s8, v23;
	s15 =	sshrl.u32 s11, $0x1F;
	v23 =	vsel vm7, s23, v24;
	v24 =	vsel vm7, s25, v25;
	s25 =	sld [smem:$0x7A3];
	s0 =	sshrl.u32 s17, $0x1F  }
0x23c: {  	v26 =	vsel vm2, s15, v26;
	s2 =	sadd.s32 s3, s2;
	v34 =	vsel vm0, s0, v27;
	s15 =	sshrl.u32 s22, $0x1F;
	s0 =	sld [smem:$0x7A5]  }
0x23d: {  	[smem:$0x7D2] =	sst s2;
	s12 =	sshrl.u32 s19, $0x1F;
	v35 =	vmov s15  }
0x23e: {  	s20 =	sshrl.u32 s18, $0x1F;
	v25 =	vsel vm1, s12, v34;
	s12 =	smulhi.u32 $0x55555556, s28;
	s28 =	sshrl.u32 s25, $0x1F;
	v27 =	vnsel vm3, $0x0, v35  }
0x23f: {  	v22 =	vsel vm2, s11, v22;
	s11 =	smul.u32 $0x55555556, s31;
	v25 =	vsel vm2, s20, v25;
	s20 =	sld [smem:$0x7A4];
	v27 =	vsel vm0, s28, v27;
	s31 =	sshrl.u32 s0, $0x1F  }
0x240: {  	s8 =	smul.u32 $0x55555556, s29;
	v27 =	vsel vm1, s31, v27;
	s31 =	sld [smem:$0x7A7]  }
0x241: {  	[smem:$0x7DD] =	sst s4;
	s23 =	sshrl.u32 s24, $0x1F  }
0x242: {  	(v2sf) =	vpush v7, $0xC;
	v28 =	vmov s23;
	s23 =	sld [smem:$0x7A6];
	s8 =	sadd.s32 s8, s7  }
0x243: {  	v30 =	vmov s22;
	s22 =	sld [smem:$0x7A9];
	s29 =	sshrl.u32 s20, $0x1F;
	s28 =	sshrl.u32 s31, $0x1F  }
0x244: {  	v38 =	vmov s21;
	[smem:$0x7D7] =	sst s8;
	v28 =	vsel vm0, s29, v28;
	s29 =	sshrl.u32 s30, $0x1F;
	v27 =	vsel vm2, s28, v27  }
0x245: {  	s13 =	smul.u32 $0x55555556, s16;
	v37 =	vnsel vm3, $0x0, v30;
	v30 =	vsel vm0, s17, v38;
	s16 =	sshrl.u32 s23, $0x1F;
	v29 =	vsel vm4, s29, v27;
	s29 =	sld [smem:$0x7AA]  }
0x246: {  	v30 =	vsel vm1, s19, v30;
	s19 =	sld [smem:$0x7AF];
	s15 =	sshrl.u32 s22, $0x1F;
	v28 =	vsel vm1, s16, v28;
	s16 =	spop (v2sf)  }
0x247: {  	[smem:$0x7D3] =	sst s16;
	v27 =	vsel vm2, s15, v28;
	s15 =	smulhi.u32 $0x14F8B589, s16;
	s16 =	sshra.s32 s16, $0x1F  }
0x248: {  	[smem:$0x7D6] =	sst s16;
	s26 =	sshrl.u32 s29, $0x1F  }
0x249: {  	s21 =	smul.u32 $0x14F8B589, s16;
	v36 =	vsel vm5, s26, v29;
	s26 =	sld [smem:$0x7AB];
	v29 =	vsel vm0, s25, v37  }
0x24a: {  	(v2sf) =	vpush v7, $0xE;
	v31 =	vmov s24;
	s25 =	sld [smem:$0x7AC];
	v29 =	vsel vm1, s0, v29  }
0x24b: {  	v39 =	vsel vm0, s20, v31;
	v32 =	vsel vm2, s31, v29;
	v29 =	vsel vm2, s18, v30;
	s18 =	sadd.s32 s21, s15;
	s21 =	sld [smem:$0x7B0]  }
0x24c: {  	v30 =	vsel vm1, s23, v39;
	[smem:$0x7E2] =	sst s18  }
0x24d: {  	v40 =	vsel vm4, s30, v32;
	s30 =	sadd.s32 s6, s5;
	v30 =	vsel vm2, s22, v30;
	s22 =	sld [smem:$0x7B1]  }
0x24e: {  	[smem:$0x7D5] =	sst s30  }
0x24f: {  	s28 =	sshrl.u32 s26, $0x1F;
	v31 =	vsel vm5, s29, v40;
	s29 =	sld [smem:$0x7B4]  }
0x250: {  	s10 =	sshrl.u32 s25, $0x1F;
	v28 =	vsel vm6, s28, v36;
	s30 =	sld [smem:$0x7B5]  }
0x251: {  	s28 =	spop (v2sf);
	v28 =	vsel vm7, s10, v28;
	s10 =	sld [smem:$0x7AD]  }
0x252: {  	[smem:$0x7D8] =	sst s28;
	s17 =	sshra.s32 s28, $0x1F  }
0x253: {  	[smem:$0x7DA] =	sst s17  }
0x254: {  	s0 =	sadd.s32 s1, s10;
	s10 =	sadd.s32 s11, s9;
	s11 =	sld [smem:$0x7AE]  }
0x255: {  	s1 =	smul.u32 $0x14F8B589, s17;
	s17 =	sadd.s32 s13, s12;
	s13 =	sld [smem:$0x7B7]  }
0x256: {  	[smem:$0x7CC] =	sst s0  }
0x257: {  	(v2sf) =	vpush v7, $0xF;
	[smem:$0x7D9] =	sst s10  }
0x258: {  	(v2sf) =	vpush v7, $0x9;
	[smem:$0x7DB] =	sst s17  }
0x259: {  	s0 =	smulhi.u32 $0x14F8B589, s28;
	s17 =	rddreg [dreg:$0x1e]  }
0x25a: {  	(v2sf) =	vpush v7, $0x8;
	s28 =	spop (v2sf);
	s10 =	rddreg [dreg:$0x13]  }
0x25b: {  	(v2sf) =	vpush v7, $0xA;
	[smem:$0x7DC] =	sst s28  }
0x25c: {  	s31 =	smulhi.u32 $0x14F8B589, s28;
	s5 =	sshra.s32 s28, $0x1F;
	s28 =	sld [smem:$0x7B3]  }
0x25d: {  	(v2sf) =	vpush v7, $0xB;
	[smem:$0x7DE] =	sst s5;
	s0 =	sadd.s32 s1, s0  }
0x25e: {  	v31 =	vsel vm6, s26, v31;
	v34 =	vmov s22;
	v41 =	vmov s11;
	s26 =	sshrl.u32 s11, $0x1F;
	s11 =	sshrl.u32 s22, $0x1F;
	s22 =	sld [smem:$0x7BB]  }
0x25f: {  	[smem:$0x7E0] =	sst s0  }
0x260: {  	s23 =	sshrl.u32 s19, $0x1F;
	v32 =	vsel vm0, s19, v41;
	s19 =	sld [smem:$0x7B9]  }
0x261: {  	s16 =	smul.u32 $0x14F8B589, s5;
	v36 =	vmov s26;
	s26 =	sld [smem:$0x7BA]  }
0x262: {  	v33 =	vsel vm1, s21, v32;
	v32 =	vsel vm7, s25, v31;
	s25 =	sld [smem:$0x7B2]  }
0x263: {  	s20 =	sadd.s32 s16, s31;
	s31 =	sld [smem:$0x7B6]  }
0x264: {  	v36 =	vsel vm0, s23, v36;
	s23 =	rddreg [dreg:$0x1f]  }
0x265: {  	v43 =	vmov s28;
	[smem:$0x7E4] =	sst s20  }
0x266: {  	v42 =	vnsel vm3, $0x0, v34;
	s5 =	sshrl.u32 s30, $0x1F;
	s16 =	spop (v2sf);
	v34 =	vsel vm0, s30, v43;
	s30 =	sld [smem:$0x7BF]  }
0x267: {  	s20 =	spop (v2sf);
	[smem:$0x7DF] =	sst s16  }
0x268: {  	(v2sf) =	vpush v7, $0x0;
	[smem:$0x7E3] =	sst s20  }
0x269: {  	s15 =	sshrl.u32 s29, $0x1F;
	s18 =	spop (v2sf);
	v31 =	vsel vm2, s25, v33;
	v33 =	vsel vm0, s29, v42;
	s29 =	sld [smem:$0x7BC]  }
0x26a: {  	s24 =	spop (v2sf);
	[smem:$0x7E9] =	sst s18  }
0x26b: {  	s9 =	sshrl.u32 s17, $0x1F;
	v33 =	vsel vm1, s31, v33;
	[smem:$0x7EC] =	sst s24  }
0x26c: {  	v34 =	vsel vm1, s13, v34;
	s3 =	sshrl.u32 s25, $0x1F;
	s25 =	sshrl.u32 s14, $0x1F;
	v35 =	vsel vm2, s14, v33;
	s14 =	sld [smem:$0x7BD]  }
0x26d: {  	s7 =	sshrl.u32 s13, $0x1F;
	v44 =	vmov s11;
	s13 =	spop (v2sf);
	v33 =	vsel vm2, s17, v34;
	s17 =	sld [smem:$0x7BE]  }
0x26e: {  	v34 =	vnsel vm3, $0x0, v44;
	[smem:$0x7EE] =	sst s13  }
0x26f: {  	s2 =	sshrl.u32 s21, $0x1F;
	s4 =	sshrl.u32 s28, $0x1F;
	v37 =	vsel vm0, s15, v34;
	s15 =	rddreg [dreg:$0x1d]  }
0x270: {  	s28 =	sshrl.u32 s19, $0x1F;
	s21 =	sshrl.u32 s31, $0x1F;
	v35 =	vsel vm4, s19, v35;
	s19 =	rddreg [dreg:$0x1a]  }
0x271: {  	s6 =	sshrl.u32 s29, $0x1F;
	v47 =	vsel vm1, s21, v37;
	s21 =	rddreg [dreg:$0x1c]  }
0x272: {  	(v2sf) =	vpush v7, $0x1;
	v50 =	vmov s29;
	s29 =	sshra.s32 s13, $0x1F;
	s1 =	sshrl.u32 s19, $0x1F;
	v43 =	vmov s19;
	s19 =	rddreg [dreg:$0x10]  }
0x273: {  	v46 =	vsel vm1, s2, v36;
	v48 =	vmov s4;
	v35 =	vsel vm5, s26, v35;
	[smem:$0x7EF] =	sst s29  }
0x274: {  	s2 =	sshrl.u32 s15, $0x1F;
	v45 =	vsel vm6, s22, v35;
	v35 =	vsel vm2, s3, v46;
	v36 =	vsel vm2, s25, v47;
	s3 =	rddreg [dreg:$0x19]  }
0x275: {  	v37 =	vsel vm0, s5, v48;
	s5 =	smulhi.u32 $0x14F8B589, s16;
	v39 =	vmov s6;
	v36 =	vsel vm4, s28, v36;
	s28 =	sshra.s32 s16, $0x1F;
	s16 =	rddreg [dreg:$0x18]  }
0x276: {  	s8 =	sshrl.u32 s23, $0x1F;
	s12 =	sshrl.u32 s14, $0x1F;
	v39 =	vsel vm0, s2, v39;
	v34 =	vsel vm7, s23, v45;
	s23 =	rddreg [dreg:$0x1b]  }
0x277: {  	s0 =	sshrl.u32 s22, $0x1F;
	s22 =	spop (v2sf);
	v39 =	vsel vm1, s12, v39;
	s12 =	rddreg [dreg:$0x14]  }
0x278: {  	v37 =	vsel vm1, s7, v37;
	[smem:$0x7F1] =	sst s22  }
0x279: {  	v42 =	vmov s30;
	s25 =	sshrl.u32 s30, $0x1F;
	v37 =	vsel vm2, s9, v37;
	s9 =	smulhi.u32 $0x14F8B589, s20;
	[smem:$0x7E1] =	sst s28  }
0x27a: {  	v42 =	vnsel vm3, $0x0, v42;
	s11 =	smul.u32 $0x14F8B589, s28;
	s28 =	sshra.s32 s20, $0x1F;
	s20 =	rddreg [dreg:$0x17]  }
0x27b: {  	s31 =	sshrl.u32 s26, $0x1F;
	v43 =	vsel vm0, s17, v43;
	v38 =	vmov s25;
	s25 =	sshrl.u32 s3, $0x1F;
	v42 =	vsel vm0, s23, v42;
	[smem:$0x7E7] =	sst s28  }
0x27c: {  	v36 =	vsel vm5, s31, v36;
	s7 =	sshrl.u32 s16, $0x1F;
	v43 =	vsel vm1, s16, v43;
	s16 =	sshra.s32 s22, $0x1F;
	v42 =	vsel vm1, s3, v42;
	s3 =	sld [smem:$0x7C0]  }
0x27d: {  	(v2sf) =	vpush v7, $0x2;
	s2 =	smulhi.u32 $0x14F8B589, s18;
	v38 =	vnsel vm3, $0x0, v38;
	s31 =	sshrl.u32 s23, $0x1F;
	v36 =	vsel vm6, s0, v36;
	[smem:$0x7F2] =	sst s16  }
0x27e: {  	v38 =	vsel vm0, s31, v38;
	v36 =	vsel vm7, s8, v36;
	s8 =	smul.u32 $0x14F8B589, s28;
	s28 =	sshra.s32 s18, $0x1F;
	s18 =	rddreg [dreg:$0x15]  }
0x27f: {  	s0 =	sshrl.u32 s10, $0x1F;
	s31 =	sshrl.u32 s20, $0x1F;
	v38 =	vsel vm1, s25, v38;
	v44 =	vsel vm2, s20, v42;
	v42 =	vsel vm2, s10, v43;
	s10 =	sld [smem:$0x7C1]  }
0x280: {  	s4 =	sshrl.u32 s17, $0x1F;
	v40 =	vmov s1;
	v38 =	vsel vm2, s31, v38;
	s31 =	rddreg [dreg:$0x16]  }
0x281: {  	(v2sf) =	vpush v7, $0x3;
	v40 =	vsel vm0, s4, v40;
	[smem:$0x7EB] =	sst s28;
	s4 =	smul.u32 $0x14F8B589, s28;
	s28 =	sshra.s32 s24, $0x1F  }
0x282: {  	[smem:$0x7ED] =	sst s28  }
0x283: {  	(v2sf) =	vpush v7, $0x4;
	s25 =	sshrl.u32 s31, $0x1F;
	s30 =	sadd.s32 s8, s9;
	s8 =	rddreg [dreg:$0x12]  }
0x284: {  	s6 =	sshrl.u32 s18, $0x1F;
	v38 =	vsel vm4, s25, v38;
	s25 =	spop (v2sf);
	[smem:$0x7E8] =	sst s30  }
0x285: {  	v41 =	vsel vm5, s6, v38;
	s6 =	smulhi.u32 $0x14F8B589, s24;
	s24 =	sadd.s32 s11, s5;
	s11 =	rddreg [dreg:$0xe]  }
0x286: {  	[smem:$0x7F0] =	sst s25  }
0x287: {  	v40 =	vsel vm1, s7, v40;
	s7 =	sshrl.u32 s12, $0x1F;
	[smem:$0x7E5] =	sst s24  }
0x288: {  	s26 =	sshrl.u32 s21, $0x1F;
	v49 =	vsel vm6, s7, v41;
	v41 =	vsel vm0, s15, v50;
	s15 =	rddreg [dreg:$0x11]  }
0x289: {  	v38 =	vsel vm2, s26, v39;
	s26 =	smul.u32 $0x14F8B589, s28;
	s7 =	sadd.s32 s4, s2;
	s4 =	sld [smem:$0x7C4]  }
0x28a: {  	s5 =	sshrl.u32 s8, $0x1F;
	[smem:$0x7E6] =	sst s7  }
0x28b: {  	v39 =	vsel vm2, s0, v40;
	s0 =	sadd.s32 s26, s6;
	s26 =	smulhi.u32 $0x14F8B589, s13;
	s13 =	rddreg [dreg:$0xf]  }
0x28c: {  	s24 =	spop (v2sf);
	v40 =	vsel vm7, s5, v49;
	s5 =	sld [smem:$0x7C2]  }
0x28d: {  	[smem:$0x7F3] =	sst s24  }
0x28e: {  	v47 =	vmov s3;
	v41 =	vsel vm1, s14, v41;
	s14 =	sshrl.u32 s3, $0x1F;
	s3 =	sld [smem:$0x7C6]  }
0x28f: {  	[smem:$0x7EA] =	sst s0  }
0x290: {  	s28 =	spop (v2sf);
	v52 =	vmov s14;
	s14 =	rddreg [dreg:$0xd]  }
0x291: {  	s23 =	smulhi.u32 $0x14F8B589, s25;
	[smem:$0x7F5] =	sst s28  }
0x292: {  	s30 =	spop (v2sf);
	s0 =	sshrl.u32 s13, $0x1F;
	[smem:$0x7C8] =	sst s26  }
0x293: {  	s9 =	sshrl.u32 s19, $0x1F;
	s26 =	smul.u32 $0x14F8B589, s29;
	v45 =	vmov s0;
	s0 =	rddreg [dreg:$0xa]  }
0x294: {  	(v2sf) =	vpush v7, $0x5;
	v51 =	vsel vm4, s31, v44;
	s31 =	sshra.s32 s25, $0x1F;
	s29 =	smulhi.u32 $0x14F8B589, s22;
	[smem:$0x7F7] =	sst s30  }
0x295: {  	(v2sf) =	vpush v7, $0x6;
	v43 =	vsel vm5, s18, v51;
	s22 =	smul.u32 $0x14F8B589, s16;
	s16 =	sshra.s32 s24, $0x1F;
	v45 =	vsel vm0, s9, v45;
	s9 =	rddreg [dreg:$0xc]  }
0x296: {  	v43 =	vsel vm6, s12, v43;
	s20 =	sshrl.u32 s11, $0x1F;
	v41 =	vsel vm2, s21, v41;
	s21 =	sshrl.u32 s10, $0x1F;
	v44 =	vnsel vm3, $0x0, v52;
	[smem:$0x7F4] =	sst s16  }
0x297: {  	s18 =	smulhi.u32 $0x14F8B589, s24;
	v48 =	vmov s13;
	v46 =	vsel vm0, s21, v44;
	s6 =	sshrl.u32 s5, $0x1F;
	v44 =	vsel vm7, s8, v43;
	s8 =	rddreg [dreg:$0xb]  }
0x298: {  	v47 =	vnsel vm3, $0x0, v47;
	s7 =	sshrl.u32 s15, $0x1F;
	v48 =	vsel vm0, s19, v48;
	s21 =	smul.u32 $0x14F8B589, s31;
	v54 =	vsel vm1, s6, v46;
	s6 =	sld [smem:$0x7C3]  }
0x299: {  	s17 =	sshrl.u32 s14, $0x1F;
	v48 =	vsel vm1, s15, v48;
	s25 =	sshrl.u32 s9, $0x1F;
	v53 =	vsel vm1, s7, v45;
	s7 =	sld [smem:$0x7C5];
	v49 =	vmov s9  }
0x29a: {  	v43 =	vsel vm2, s17, v53;
	v55 =	vmov s25;
	s17 =	sshrl.u32 s8, $0x1F;
	v49 =	vsel vm0, s11, v49;
	s15 =	sadd.s32 s21, s23;
	s11 =	sld [smem:$0x7C9]  }
0x29b: {  	v47 =	vsel vm0, s10, v47;
	s21 =	sld [smem:$0x7CA];
	v46 =	vsel vm0, s20, v55;
	s20 =	smulhi.u32 $0x14F8B589, s28;
	s28 =	sshra.s32 s28, $0x1F  }
0x29c: {  	s2 =	sshrl.u32 s0, $0x1F;
	v47 =	vsel vm1, s5, v47;
	s12 =	sshrl.u32 s6, $0x1F;
	[smem:$0x7F6] =	sst s28;
	v46 =	vsel vm1, s17, v46  }
0x29d: {  	s24 =	sshrl.u32 s4, $0x1F;
	v47 =	vsel vm2, s6, v47;
	v45 =	vsel vm2, s12, v54;
	s12 =	smul.u32 $0x14F8B589, s16;
	v46 =	vsel vm2, s2, v46;
	s2 =	sld [smem:$0x7C7]  }
0x29e: {  	(v2sf) =	vpush v7, $0x7;
	s13 =	sadd.s32 s22, s29;
	s16 =	smul.u32 $0x14F8B589, s28;
	s28 =	sld [smem:$0x7C8];
	v50 =	vsel vm4, s4, v47  }
0x29f: {  	v47 =	vsel vm2, s14, v48;
	v58 =	vmov s11;
	v50 =	vsel vm5, s7, v50;
	s14 =	sadd.s32 s12, s18;
	s12 =	sshrl.u32 s11, $0x1F;
	s11 =	sld [smem:$0x7CF]  }
0x2a0: {  	s25 =	sshrl.u32 s7, $0x1F;
	s22 =	sshrl.u32 s21, $0x1F;
	v45 =	vsel vm4, s24, v45;
	v57 =	vsel vm6, s3, v50;
	v50 =	vsel vm0, s21, v58;
	s21 =	sld [smem:$0x7D6]  }
0x2a1: {  	s17 =	sshrl.u32 s3, $0x1F;
	v45 =	vsel vm5, s25, v45;
	s25 =	sshra.s32 s30, $0x1F;
	s3 =	sld [smem:$0x7D8]  }
0x2a2: {  	v45 =	vsel vm6, s17, v45;
	s17 =	smulhi.u32 $0x14F8B589, s30;
	[smem:$0x7F8] =	sst s25  }
0x2a3: {  	s10 =	smul.u32 $0x14F8B589, s25;
	s25 =	sld [smem:$0x7CB]  }
0x2a4: {  	s26 =	sadd.s32 s26, s28;
	s30 =	spop (v2sf);
	v51 =	vmov s12;
	s28 =	sld [smem:$0x7CC]  }
0x2a5: {  	s1 =	sshra.s32 s30, $0x1F;
	v51 =	vsel vm0, s22, v51;
	s22 =	sld [smem:$0x7D7]  }
0x2a6: {  	s4 =	spop (v2sf);
	[smem:$0x7F9] =	sst s1  }
0x2a7: {  	[smem:$0x7FA] =	sst s4  }
0x2a8: {  	s7 =	sadd.s32 s10, s17;
	s10 =	sld [smem:$0x7CE]  }
0x2a9: {  	s5 =	smul.u32 $0x14F8B589, s1;
	s9 =	sshra.s32 s4, $0x1F;
	s17 =	sld [smem:$0x7D0]  }
0x2aa: {  	v56 =	vsel vm1, s8, v49;
	s8 =	smulhi.u32 $0x14F8B589, s4;
	[smem:$0x7FB] =	sst s9  }
0x2ab: {  	s6 =	smul.u32 $0x14F8B589, s9;
	v50 =	vsel vm1, s25, v50;
	s1 =	sshrl.u32 s25, $0x1F;
	s25 =	sld [smem:$0x7D2]  }
0x2ac: {  	s29 =	smulhi.u32 $0x14F8B589, s30;
	s9 =	sld [smem:$0x7D4]  }
0x2ad: {  	s16 =	sadd.s32 s16, s20;
	s20 =	sadd.s32 s6, s8;
	s6 =	sld [smem:$0x7CD]  }
0x2ae: {  	s12 =	sadd.s32 s5, s29;
	s5 =	sshrl.u32 s28, $0x1F;
	s8 =	sld [smem:$0x7D3]  }
0x2af: {  	s24 =	sshrl.u32 s2, $0x1F;
	s18 =	spop (v2sf);
	v55 =	vmov s5;
	s5 =	sld [smem:$0x7D9]  }
0x2b0: {  	v45 =	vsel vm7, s24, v45;
	[smem:$0x7FC] =	sst s18;
	s24 =	sshra.s32 s18, $0x1F  }
0x2b1: {  	[smem:$0x7FD] =	sst s24  }
0x2b2: {  	v48 =	vsel vm7, s2, v57;
	v52 =	vmov s28;
	s2 =	smul.u32 $0x14F8B589, s24;
	s24 =	sld [smem:$0x7D1]  }
0x2b3: {  	v49 =	vsel vm2, s0, v56;
	v52 =	vnsel vm3, $0x0, v52;
	v54 =	vmov s6;
	s29 =	sshrl.u32 s6, $0x1F;
	s6 =	smul.u32 $0x55555556, s21;
	s21 =	sld [smem:$0x7DC]  }
0x2b4: {  	s19 =	sshrl.u32 s11, $0x1F;
	v53 =	vsel vm1, s1, v51;
	v52 =	vsel vm0, s17, v52;
	s23 =	smulhi.u32 $0x14F8B589, s18;
	v54 =	vsel vm0, s11, v54;
	s11 =	sld [smem:$0x7D5]  }
0x2b5: {  	v55 =	vnsel vm3, $0x0, v55;
	v62 =	vmov s29;
	v59 =	vsel vm1, s24, v54;
	s18 =	sshrl.u32 s24, $0x1F;
	s24 =	sshrl.u32 s17, $0x1F;
	s17 =	sld [smem:$0x7DB]  }
0x2b6: {  	v51 =	vsel vm2, s10, v50;
	s0 =	sshrl.u32 s10, $0x1F;
	v54 =	vsel vm0, s19, v62;
	v55 =	vsel vm0, s24, v55;
	s24 =	sld [smem:$0x7DD]  }
0x2b7: {  	v50 =	vsel vm2, s0, v53;
	v60 =	vsel vm1, s25, v52;
	s23 =	sadd.s32 s2, s23;
	s29 =	sshrl.u32 s25, $0x1F;
	v54 =	vsel vm1, s18, v54;
	s18 =	sld [smem:$0x7E0]  }
0x2b8: {  	v52 =	vsel vm2, s9, v59;
	s9 =	sshrl.u32 s9, $0x1F;
	v59 =	vmov s13;
	v61 =	vsel vm2, s11, v60;
	s10 =	sshrl.u32 s11, $0x1F;
	s11 =	sld [smem:$0x7DA]  }
0x2b9: {  	s2 =	sshrl.u32 s22, $0x1F;
	v55 =	vsel vm1, s29, v55;
	v54 =	vsel vm2, s9, v54;
	s9 =	sld [smem:$0x7DF];
	v53 =	vsel vm4, s22, v61;
	s22 =	sshrl.u32 s13, $0x1F  }
0x2ba: {  	v55 =	vsel vm2, s10, v55;
	s13 =	sld [smem:$0x7E9];
	v53 =	vsel vm5, s5, v53;
	v56 =	vmov s22;
	s10 =	sshrl.u32 s18, $0x1F  }
0x2bb: {  	s29 =	sshrl.u32 s17, $0x1F;
	v53 =	vsel vm6, s17, v53;
	v56 =	vnsel vm3, $0x0, v56;
	s17 =	sshrl.u32 s15, $0x1F;
	v57 =	vmov s10;
	s10 =	sld [smem:$0x7E2]  }
0x2bc: {  	s28 =	smulhi.u32 $0x55555556, s8;
	v56 =	vsel vm0, s17, v56;
	s17 =	sld [smem:$0x7E4]  }
0x2bd: {  	s25 =	smulhi.u32 $0x55555556, s3;
	s19 =	sshrl.u32 s5, $0x1F;
	s5 =	sld [smem:$0x7DE];
	v55 =	vsel vm4, s2, v55  }
0x2be: {  	s21 =	smulhi.u32 $0x55555556, s21;
	v59 =	vnsel vm3, $0x0, v59;
	v55 =	vsel vm5, s19, v55;
	s19 =	sld [smem:$0x7E1];
	s22 =	sshrl.u32 s10, $0x1F  }
0x2bf: {  	v59 =	vsel vm0, s15, v59;
	s4 =	smul.u32 $0x55555556, s11;
	v55 =	vsel vm6, s29, v55;
	s29 =	sld [smem:$0x7E3];
	v57 =	vsel vm0, s22, v57;
	s1 =	sshrl.u32 s17, $0x1F  }
0x2c0: {  	s0 =	sshrl.u32 s7, $0x1F;
	v59 =	vsel vm1, s14, v59;
	s11 =	smulhi.u32 $0x55555556, s9;
	v63 =	vsel vm1, s1, v57;
	s1 =	sld [smem:$0x7E6]  }
0x2c1: {  	s8 =	sshrl.u32 s24, $0x1F;
	v59 =	vsel vm2, s16, v59;
	v53 =	vsel vm7, s24, v53;
	s24 =	sshrl.u32 s14, $0x1F;
	s3 =	smul.u32 $0x55555556, s5  }
0x2c2: {  	v59 =	vsel vm4, s7, v59;
	s7 =	sld [smem:$0x7EF];
	v58 =	vsel vm1, s24, v56;
	s2 =	smul.u32 $0x55555556, s19;
	s19 =	sshrl.u32 s16, $0x1F  }
0x2c3: {  	s5 =	smulhi.u32 $0x55555556, s29;
	v0 =	vsel vm2, s19, v58;
	s19 =	sld [smem:$0x7E5];
	s29 =	sshrl.u32 s1, $0x1F  }
0x2c4: {  	s9 =	smulhi.u32 $0x55555556, s13;
	v1 =	vmov s29;
	s29 =	sld [smem:$0x7E8]  }
0x2c5: {  	v60 =	vmov s18;
	s4 =	sadd.s32 s4, s25;
	s22 =	sld [smem:$0x7E7];
	v57 =	vsel vm4, s0, v0;
	s0 =	sshrl.u32 s12, $0x1F  }
0x2c6: {  	v56 =	vsel vm7, s8, v55;
	v60 =	vsel vm0, s10, v60;
	s3 =	sadd.s32 s3, s21;
	v57 =	vsel vm5, s0, v57;
	s0 =	sld [smem:$0x7EA];
	s24 =	sshrl.u32 s19, $0x1F  }
0x2c7: {  	v60 =	vsel vm1, s17, v60;
	s7 =	smul.u32 $0x55555556, s7;
	s17 =	sld [smem:$0x7F0];
	v55 =	vsel vm2, s24, v63;
	v61 =	vmov s1;
	s24 =	sshrl.u32 s29, $0x1F  }
0x2c8: {  	s21 =	smul.u32 $0x55555556, s31;
	v61 =	vsel vm0, s29, v61;
	s29 =	sld [smem:$0x7EE];
	v58 =	vsel vm0, s24, v1;
	s24 =	sshrl.u32 s20, $0x1F  }
0x2c9: {  	s8 =	smul.u32 $0x55555556, s22;
	s22 =	sshrl.u32 s0, $0x1F;
	v57 =	vsel vm6, s24, v57;
	s24 =	sld [smem:$0x7EB]  }
0x2ca: {  	s25 =	sld [smem:$0x7F1];
	s18 =	smulhi.u32 $0x55555556, s17;
	v58 =	vsel vm1, s22, v58;
	s22 =	sshrl.u32 s26, $0x1F  }
0x2cb: {  	v58 =	vsel vm2, s22, v58;
	s22 =	sld [smem:$0x7EC];
	s10 =	smulhi.u32 $0x55555556, s29  }
0x2cc: {  	v59 =	vsel vm5, s12, v59;
	s29 =	sld [smem:$0x7F2];
	s13 =	smul.u32 $0x55555556, s24;
	s24 =	sshrl.u32 s23, $0x1F  }
0x2cd: {  	v59 =	vsel vm6, s20, v59;
	s20 =	sadd.s32 s8, s5;
	s8 =	smulhi.u32 $0x55555556, s25;
	v57 =	vsel vm7, s24, v57;
	s24 =	sld [smem:$0x7ED]  }
0x2ce: {  	v12 =	vcombine.low v14, v12;
	s15 =	smulhi.u32 $0x55555556, s22  }
0x2cf: {  	v3 =	vcombine.low v11, v10;
	v22 =	vcombine.low v22, v20;
	s6 =	sadd.s32 s6, s28;
	v62 =	vmov s4;
	s5 =	smul.u32 $0x55555556, s29  }
0x2d0: {  	v26 =	vcombine.low v26, v21;
	v62 =	vsel vm0, s6, v62;
	v60 =	vsel vm2, s19, v60;
	s19 =	sshrl.u32 s4, $0x1F;
	s14 =	smul.u32 $0x55555556, s24;
	s24 =	sadd.s32 s13, s9  }
0x2d1: {  	s31 =	sld [smem:$0x7F3];
	s16 =	sadd.s32 s2, s11;
	v62 =	vsel vm1, s3, v62;
	v63 =	vmov s19;
	s5 =	sadd.s32 s5, s8;
	v0 =	vmov s24  }
0x2d2: {  	s2 =	sadd.s32 s21, s18;
	v61 =	vsel vm1, s0, v61;
	s9 =	sld [smem:$0x7F4];
	v2 =	vmov s5;
	s28 =	sadd.s32 s14, s15;
	v0 =	vsel vm0, s20, v0  }
0x2d3: {  	v61 =	vsel vm2, s26, v61;
	s12 =	sadd.s32 s7, s10;
	s22 =	sshrl.u32 s6, $0x1F;
	s6 =	sshrl.u32 s24, $0x1F;
	v1 =	vnsel vm3, $0x0, v2;
	v0 =	vsel vm1, s28, v0  }
0x2d4: {  	s26 =	sshrl.u32 s3, $0x1F;
	s0 =	sshrl.u32 s20, $0x1F;
	v8 =	vmov s6;
	s6 =	smulhi.u32 $0x55555556, s31;
	v10 =	vsel vm2, s12, v0;
	v0 =	vsel vm0, s2, v1;
	v1 =	vld [tilespmem:$0x1FFF0]  }
0x2d5: {  	v62 =	vsel vm2, s16, v62;
	v63 =	vsel vm0, s22, v63;
	s5 =	sshrl.u32 s5, $0x1F;
	v8 =	vsel vm0, s0, v8;
	s0 =	smul.u32 $0x55555556, s9;
	s11 =	sshrl.u32 s28, $0x1F  }
0x2d6: {  	s1 =	sshrl.u32 s16, $0x1F;
	s3 =	sshrl.u32 s12, $0x1F;
	v63 =	vsel vm1, s26, v63;
	v11 =	vmov s5;
	v8 =	vsel vm1, s11, v8  }
0x2d7: {  	v63 =	vsel vm2, s1, v63;
	v2 =	vnsel vm3, $0x0, v11;
	s2 =	sshrl.u32 s2, $0x1F;
	s0 =	sadd.s32 s0, s6;
	v11 =	vsel vm2, s3, v8  }
0x2d8: {  	v14 =	vsel vm0, s2, v2;
	v10 =	vcombine.low v10, v62;
	v2 =	vsel vm1, s0, v0;
	s0 =	sshrl.u32 s0, $0x1F  }
0x2d9: {  	s13 =	sld [smem:$0x7F5];
	v11 =	vcombine.low v11, v63;
	v8 =	vsel vm1, s0, v14;
	v14 =	vperm.xlane v15, v1  }
0x2da: {  	s14 =	sld [smem:$0x7F6];
	v16 =	vperm.xlane v16, v1;
	v9 =	vperm.xlane v9, v1  }
0x2db: {  	s15 =	sld [smem:$0x7F7];
	v21 =	vperm.xlane v23, v1;
	v23 =	vcombine.low v27, v25  }
0x2dc: {  	s16 =	sld [smem:$0x7F8];
	s1 =	smulhi.u32 $0x55555556, s13;
	v0 =	vld [tilespmem:$0x1FFE0];
	v25 =	vcombine.low v30, v29;
	v27 =	vperm.xlane v28, v1  }
0x2dd: {  	s4 =	smul.u32 $0x55555556, s14;
	v28 =	vperm.xlane v32, v1;
	v32 =	vcombine.low v33, v31  }
0x2de: {  	s5 =	smulhi.u32 $0x55555556, s15;
	v15 =	vld [tilespmem:$0x1FFB0];
	v33 =	vcombine.low v37, v35;
	v37 =	vperm.xlane v34, v1  }
0x2df: {  	v59 =	vsel vm7, s23, v59;
	s2 =	smul.u32 $0x55555556, s16;
	s1 =	sadd.s32 s4, s1;
	v31 =	vperm.xlane v40, v1;
	v34 =	vcombine.low v49, v47  }
0x2e0: {  	v2 =	vsel vm2, s1, v2;
	s1 =	sshrl.u32 s1, $0x1F;
	v40 =	vcombine.low v54, v50;
	v47 =	vcombine.low v58, v55  }
0x2e1: {  	s19 =	sld [smem:$0x7F9];
	s17 =	sadd.s32 s2, s5;
	v8 =	vsel vm2, s1, v8;
	v50 =	vperm.xlane v57, v1;
	v12 =	vperm.xlane v12, v0  }
0x2e2: {  	s0 =	sshrl.u32 s17, $0x1F;
	v2 =	vsel vm4, s17, v2;
	v3 =	vperm.xlane v3, v0;
	v20 =	vperm.xlane v22, v0  }
0x2e3: {  	s18 =	smulhi.u32 $0x55555556, s30;
	v8 =	vsel vm4, s0, v8;
	v22 =	vperm.xlane v24, v1;
	v15 =	vperm.xlane v15, v1  }
0x2e4: {  	s0 =	smul.u32 $0x55555556, s19;
	v35 =	vperm.xlane v32, v0;
	v10 =	vperm.xlane v10, v0;
	v12 =	vsel vm8, v14, v12  }
0x2e5: {  	v11 =	vperm.xlane v11, v0;
	v12 =	vshra.s32 v12, $0xD;
	v3 =	vsel vm8, v15, v3  }
0x2e6: {  	s0 =	sadd.s32 s0, s18;
	v14 =	vperm.xlane v34, v0;
	v15 =	vperm.xlane v26, v0;
	v3 =	vadd.s32 v3, v12  }
0x2e7: {  	v12 =	vcombine.low v17, v13;
	v13 =	vcombine.low v19, v18;
	v19 =	vsel vm5, s0, v2;
	s0 =	sshrl.u32 s0, $0x1F  }
0x2e8: {  	v2 =	vsel vm8, v21, v20;
	v3 =	vmul.u32 $0x186A0, v3;
	v8 =	vsel vm5, s0, v8  }
0x2e9: {  	v18 =	vld [tilespmem:$0x1FFC0];
	v24 =	vsel vm8, v22, v15;
	v15 =	vperm.xlane v25, v0;
	v22 =	vperm.xlane v36, v1  }
0x2ea: {  	v21 =	vld [tilespmem:$0x1FFD0];
	v12 =	vperm.xlane v12, v0;
	v13 =	vperm.xlane v13, v0;
	v2 =	vadd.s32 v24, v2  }
0x2eb: {  	v30 =	vsel vm8, v28, v15;
	v15 =	vperm.xlane v33, v0;
	v28 =	vcombine.low v39, v38  }
0x2ec: {  	v2 =	vmul.u32 $0x3, v2;
	v33 =	vcombine.low v46, v43;
	v38 =	vperm.xlane v48, v1  }
0x2ed: {  	v48 =	vcombine.low v61, v60;
	v12 =	vsel vm8, v16, v12;
	v9 =	vsel vm8, v9, v13  }
0x2ee: {  	s23 =	sld [smem:$0x7FD];
	v13 =	vperm.xlane v23, v0;
	v3 =	vsub.s32 v18, v3;
	v9 =	vshra.s32 v9, $0xD  }
0x2ef: {  	s21 =	sld [smem:$0x7FB];
	v23 =	vsel vm8, v22, v15;
	v2 =	vsub.s32 v21, v2;
	v15 =	vperm.xlane v28, v0  }
0x2f0: {  	s20 =	sld [smem:$0x7FA];
	v14 =	vsel vm8, v38, v14;
	vm9 =	vlt.s32 v3, $0x0;
	v26 =	vadd.s32 $0x186A0, v3  }
0x2f1: {  	s22 =	sld [smem:$0x7FC];
	s3 =	smul.u32 $0x55555556, s23;
	v9 =	vadd.s32 v12, v9;
	v29 =	vsel vm8, v27, v13;
	v13 =	vshra.s32 v30, $0xD  }
0x2f2: {  	s1 =	smul.u32 $0x55555556, s21;
	v27 =	vadd.s32 $0x3, v2;
	v30 =	vperm.xlane v44, v1;
	v14 =	vshra.s32 v14, $0xD  }
0x2f3: {  	s0 =	smulhi.u32 $0x55555556, s20;
	v20 =	vsel vm9, v26, v3;
	v9 =	vmul.u32 $0x186A0, v9;
	v12 =	vadd.s32 v29, v13  }
0x2f4: {  	s2 =	smulhi.u32 $0x55555556, s22;
	v13 =	vsel vm8, v37, v35;
	v26 =	vcombine.low v42, v41;
	v35 =	vcombine.low v52, v51  }
0x2f5: {  	s0 =	sadd.s32 s1, s0;
	v32 =	vsel vm8, v31, v15;
	v37 =	vperm.xlane v45, v1;
	v41 =	vperm.xlane v53, v1  }
0x2f6: {  	s24 =	sadd.s32 s3, s2;
	v42 =	vperm.xlane v56, v1;
	v51 =	vsel vm6, s0, v19;
	v52 =	vperm.xlane v59, v1  }
0x2f7: {  	s0 =	sshrl.u32 s0, $0x1F;
	v12 =	vmul.u32 $0x186A0, v12;
	v25 =	vadd.s32 v23, v13;
	v18 =	vsel vm7, s24, v51  }
0x2f8: {  	v8 =	vsel vm6, s0, v8;
	v9 =	vsub.s32 v21, v9;
	v13 =	vperm.xlane v26, v0  }
0x2f9: {  	s28 =	sshrl.u32 s24, $0x1F;
	v3 =	vmul.u32 $0x3, v25;
	v15 =	vperm.xlane v35, v0;
	v18 =	vperm.xlane v18, v1  }
0x2fa: {  	v8 =	vsel vm7, s28, v8;
	vm9 =	vlt.s32 v9, $0x0;
	v24 =	vadd.s32 $0x186A0, v9  }
0x2fb: {  	v12 =	vsub.s32 v4, v12;
	v8 =	vperm.xlane v8, v1;
	v9 =	vsel vm9, v24, v9  }
0x2fc: {  	vm9 =	vlt.s32 v2, $0x0;
	vm10 =	vlt.s32 v12, $0x0;
	v29 =	vadd.s32 $0x186A0, v12  }
0x2fd: {  	v13 =	vsel vm8, v30, v13;
	v3 =	vsub.s32 v4, v3;
	v43 =	vsel vm8, v41, v15  }
0x2fe: {  	v55 =	vsel vm8, v18, v10;
	v2 =	vsel vm9, v27, v2;
	v13 =	vshra.s32 v13, $0xD  }
0x2ff: {  	v12 =	vsel vm10, v29, v12;
	vm9 =	vlt.s32 v3, $0x0;
	v4 =	vadd.s32 v32, v13  }
0x300: {  	v36 =	vadd.s32 $0x3, v3;
	v13 =	vperm.xlane v33, v0;
	v4 =	vmul.u32 $0x186A0, v4  }
0x301: {  	v8 =	vsel vm8, v8, v11;
	v3 =	vsel vm9, v36, v3;
	vm9 =	veq.s32 v2, $0x0  }
0x302: {  	v39 =	vsel vm8, v37, v13;
	v13 =	vperm.xlane v40, v0;
	v4 =	vsub.s32 v5, v4  }
0x303: {  	v5 =	vadd.s32 v39, v14;
	v14 =	vperm.xlane v48, v0;
	vm10 =	vlt.s32 v4, $0x0  }
0x304: {  	v13 =	vsel vm8, v42, v13;
	v44 =	vadd.s32 $0x186A0, v4;
	v5 =	vmul.u32 $0x186A0, v5  }
0x305: {  	v45 =	vsel vm10, v44, v4;
	v46 =	vadd.s32 v13, v43;
	v13 =	vperm.xlane v47, v0  }
0x306: {  	s25 =	rddreg [dreg:$0x9];
	v54 =	vsel vm8, v52, v14;
	v0 =	vadd.s32 v8, v55;
	v5 =	vsub.s32 v6, v5  }
0x307: {  	s29 =	sshrl.u32 s25, $0x3;
	v4 =	vmul.u32 $0x3, v46;
	v57 =	vshra.s32 v54, $0xD;
	v0 =	vmul.u32 $0x3, v0  }
0x308: {  	s0 =	smul.u32 $0xC00, s29;
	vm10 =	vlt.s32 v5, $0x0;
	v49 =	vadd.s32 $0x186A0, v5;
	v53 =	vsel vm8, v50, v13  }
0x309: {  	s26 =	rddreg [dreg:$0x8];
	v5 =	vsel vm10, v49, v5;
	v4 =	vsub.s32 v6, v4;
	v6 =	vadd.s32 v53, v57  }
0x30a: {  	s30 =	sand.u32 $0x70, s26;
	s0 =	sshra.s32 s0, $0x2;
	v0 =	vsub.s32 v7, v0;
	vm10 =	vlt.s32 v4, $0x0;
	v56 =	vadd.s32 $0x3, v4  }
0x30b: {  	s0 =	sor.u32 s30, s0;
	v6 =	vmul.u32 $0x186A0, v6;
	v4 =	vsel vm10, v56, v4;
	vm10 =	veq.s32 v3, $0x0  }
0x30c: {  	p0 =	sne.s32 s25, $0x7F;
	[tilespmem:s0+$0x2000] =	vst v20;
	v58 =	vnsel vm9, $0x186A0, v9;
	v61 =	vadd.s32 $0x3, v0;
	v59 =	vnsel vm10, $0x186A0, v12  }
.Ltmp2:
0x30d: {  	[tilespmem:s0+$0x2080] =	vst v58;
	vm9 =	veq.s32 v4, $0x0;
	v60 =	vsub.s32 v7, v6;
	vm10 =	vlt.s32 v0, $0x0;
	(pc) =	sbr.rel @p0 .LBB2_2-.Ltmp2, $4  }
0x30e: {  	[tilespmem:s0+$0x2180] =	vst v45;
	v0 =	vsel vm10, v61, v0;
	vm10 =	vlt.s32 v60, $0x0;
	v62 =	vadd.s32 $0x186A0, v60  }
0x30f: {  	[tilespmem:s0+$0x2100] =	vst v59;
	v63 =	vnsel vm9, $0x186A0, v5;
	v1 =	vsel vm10, v62, v60;
	vm9 =	veq.s32 v0, $0x0  }
0x310: {  	s31 =	rddreg [dreg:$0x7];
	[tilespmem:s0+$0x2200] =	vst v63;
	v0 =	vnsel vm9, $0x186A0, v1  }
0x311: {  	s2 =	sadd.s32 $0x10, s26;
	s3 =	sadd.s32 $0x1, s25;
	[tilespmem:s0+$0x2280] =	vst v0;
	s0 =	sadd.s32 $0x10, s31  }
0x312: {  	s10 =	rddreg [dreg:$0x0]  }
0x313: {  	s15 =	simm.s32 $0x80;
	s0 =	simm.s32 $0x2000;
	s16 =	simm.s32 $0x5000  }
0x314: {  	s20 =	simm.s32 $0x2080;
	s17 =	simm.s32 $0x6800;
	s21 =	simm.s32 $0x2100  }
0x315: {  	[tilespmem:s16], [sflag:$0x1] =	stream.indirect.gather [hbm4b:s10+s15], $0x30, s0, s15, $0xb8;
	[tilespmem:$0x11000] =	vst v63  }
0x316: {  	s18 =	simm.s32 $0x8000;
	s22 =	simm.s32 $0x2180;
	s19 =	simm.s32 $0x9800  }
0x317: {  	[tilespmem:s17], [sflag:$0x2] =	stream.indirect.gather [hbm4b:s10+s15], $0x30, s20, s15, $0xb8;
	[tilespmem:$0x11000] =	vst v63  }
0x318: {  	s23 =	simm.s32 $0x2200;
	s24 =	simm.s32 $0x2280;
	s25 =	simm.s32 $0x2300  }
0x319: {  	[tilespmem:s18], [sflag:$0x3] =	stream.indirect.gather [hbm4b:s10+s15], $0x30, s21, s15, $0xb8;
	[tilespmem:$0x11000] =	vst v63  }
0x31a: {  	s26 =	simm.s32 $0x2380;
	s1 =	simm.s32 $0x0;
	s12 =	rddreg [dreg:$0x2]  }
0x31b: {  	[tilespmem:s19], [sflag:$0x4] =	stream.indirect.gather [hbm4b:s10+s15], $0x30, s22, s15, $0xb8;
	[tilespmem:$0x11000] =	vst v63  }
0x31c: {  	s11 =	simm.s32 $0x0;
	s13 =	rddreg [dreg:$0x3];
	s20 =	simm.s32 $0xB000  }
0x31d: {  	[tilespmem:s20], [sflag:$0x5] =	stream.indirect.gather [hbm4b:s10+s15], $0x30, s23, s15, $0xb8;
	[tilespmem:$0x11000] =	vst v63  }
0x31e: {  	s14 =	simm.s32 $0x9;
	s28 =	simm.s32 $0x4;
	s21 =	simm.s32 $0xC800  }
0x31f: {  	[tilespmem:s21], [sflag:$0x6] =	stream.indirect.gather [hbm4b:s10+s15], $0x30, s24, s15, $0xb8;
	[tilespmem:$0x11000] =	vst v63  }
0x320: {  	s29 =	simm.s32 $0x5;
	s30 =	simm.s32 $0x6;
	s22 =	simm.s32 $0xE000  }
0x321: {  	[tilespmem:s22], [sflag:$0x7] =	stream.indirect.gather [hbm4b:s10+s15], $0x30, s25, s15, $0xb8;
	[tilespmem:$0x11000] =	vst v63  }
0x322: {  	s31 =	simm.s32 $0x7;
	s0 =	simm.s32 $0x0;
	s23 =	simm.s32 $0xF800  }
0x323: {  	[tilespmem:s23], [sflag:$0x8] =	stream.indirect.gather [hbm4b:s10+s15], $0x30, s26, s15, $0xb8;
	[tilespmem:$0x11000] =	vst v63  }
0x324: {  	s24 =	simm.s32 $0x1;
	s25 =	simm.s32 $0x2;
	s26 =	simm.s32 $0x3  }
.LBB2_4:
0x325: {  	s2 =	sshll.u32 s1, $0x3  }
0x326: {  	s3 =	sand.u32 $0xF8, s2  }
0x327: {  	s3 =	smul.u32 $0xAB, s3;
	_ =	sdelay $0x1  }
0x328: {  	s3 =	sshrl.u32 s3, $0xA  }
0x329: {  	s9 =	sor.u32 $0x1, s2;
	s4 =	smul.u32 $0x6, s3  }
0x32a: {  	s6 =	sand.u32 $0xFF, s9;
	s3 =	sshll.u32 s3, $0x7  }
0x32b: {  	s6 =	smul.u32 $0xAB, s6;
	s3 =	sadd.s32 s12, s3;
	s4 =	ssub.s32 s2, s4  }
0x32c: {  	s5 =	smul.u32 $0x30, s3;
	s4 =	sand.u32 $0xFE, s4  }
0x32d: {  	s4 =	smul.u32 $0x300000, s4  }
0x32e: {  	s7 =	sshrl.u32 s6, $0xA  }
0x32f: {  	_ =	swait.ge [sflag:s24], $0x1800;
	s6 =	smul.u32 $0x6, s7;
	s3 =	sadd.s32 s4, s5  }
0x330: {  	p0 =	seq.s32 s0, $0xB000;
	[sflag:s24] =	ssyncset.done $0x0;
	s3 =	sshrl.u32 s3, $0x3  }
0x331: {  	[sflag:s24] =	ssyncadd.s32 $0xFFFFE800;
	s4 =	ssub.s32 s9, s6;
	s3 =	sadd.s32 s13, s3  }
0x332: {  	[hbm4b:s3+s11] =	stream.linear.scatter [tilespmem:s16], [sflag:$0x9], $0x1800, $0x38;
	[tilespmem:$0x11000] =	vst v63  }
0x333: {  	s8 =	simm.s32 @!p0 $0x5000;
	s7 =	sand.u32 $0xFF, s4;
	_ =	swait.ge [sflag:s14], $0x1800  }
0x334: {  	s4 =	simm.s32 @!p0 $0x80;
	s3 =	sshra.s32 @!p0 s0, $0x2;
	[sflag:s14] =	ssyncset.done $0x0  }
0x335: {  	s7 =	smul.u32 $0x300000, s7;
	s6 =	sadd.s32 @!p0 $0x2400, s3;
	[sflag:s14] =	ssyncadd.s32 $0xFFFFE800  }
0x336: {  	[tilespmem:s8], [sflag:$0x1] =	stream.indirect.gather @!p0 [hbm4b:s10+s4], $0x30, s6, s4, $0xb8;
	[tilespmem:$0x11000] =	vst v63  }
0x337: {  	s5 =	sadd.s32 s7, s5;
	_ =	swait.ge [sflag:s25], $0x1800  }
0x338: {  	s5 =	sshrl.u32 s5, $0x3;
	[sflag:s25] =	ssyncset.done $0x0  }
0x339: {  	s5 =	sadd.s32 s13, s5;
	[sflag:s25] =	ssyncadd.s32 $0xFFFFE800  }
0x33a: {  	[hbm4b:s5+s11] =	stream.linear.scatter [tilespmem:s17], [sflag:$0x9], $0x1800, $0x38;
	[tilespmem:$0x11000] =	vst v63  }
0x33b: {  	s5 =	sor.u32 $0x2, s2  }
0x33c: {  	s8 =	sand.u32 $0xFF, s5  }
0x33d: {  	_ =	swait.ge [sflag:s14], $0x1800;
	s6 =	smul.u32 $0xAB, s8  }
0x33e: {  	s7 =	sadd.s32 @!p0 $0x2480, s3;
	[sflag:s14] =	ssyncset.done $0x0  }
0x33f: {  	s8 =	simm.s32 @!p0 $0x6800;
	[sflag:s14] =	ssyncadd.s32 $0xFFFFE800;
	s6 =	sshrl.u32 s6, $0xA  }
0x340: {  	[tilespmem:s8], [sflag:$0x2] =	stream.indirect.gather @!p0 [hbm4b:s10+s4], $0x30, s7, s4, $0xb8;
	[tilespmem:$0x11000] =	vst v63  }
0x341: {  	s9 =	smul.u32 $0x6, s6;
	s6 =	sshll.u32 s6, $0x7  }
0x342: {  	s7 =	sor.u32 $0x3, s2;
	s6 =	sadd.s32 s12, s6  }
0x343: {  	s5 =	ssub.s32 s5, s9;
	s6 =	smul.u32 $0x30, s6;
	s9 =	sand.u32 $0xFF, s7  }
0x344: {  	s5 =	sand.u32 $0xFF, s5;
	s8 =	smul.u32 $0xAB, s9  }
0x345: {  	s5 =	smul.u32 $0x300000, s5  }
0x346: {  	_ =	swait.ge [sflag:s26], $0x1800  }
0x347: {  	[sflag:s26] =	ssyncset.done $0x0;
	s9 =	sshrl.u32 s8, $0xA;
	s5 =	sadd.s32 s5, s6  }
0x348: {  	[sflag:s26] =	ssyncadd.s32 $0xFFFFE800;
	s6 =	sshll.u32 s9, $0x7;
	s5 =	sshrl.u32 s5, $0x3  }
0x349: {  	s8 =	smul.u32 $0x6, s9;
	s6 =	sadd.s32 s12, s6;
	s5 =	sadd.s32 s13, s5  }
0x34a: {  	[hbm4b:s5+s11] =	stream.linear.scatter [tilespmem:s18], [sflag:$0x9], $0x1800, $0x38;
	[tilespmem:$0x11000] =	vst v63  }
0x34b: {  	s7 =	ssub.s32 s7, s8;
	s8 =	simm.s32 @!p0 $0x8000;
	_ =	swait.ge [sflag:s14], $0x1800  }
0x34c: {  	s6 =	smul.u32 $0x30, s6;
	s5 =	sand.u32 $0xFF, s7;
	[sflag:s14] =	ssyncset.done $0x0  }
0x34d: {  	s7 =	sadd.s32 @!p0 $0x2500, s3;
	s5 =	smul.u32 $0x300000, s5;
	[sflag:s14] =	ssyncadd.s32 $0xFFFFE800  }
0x34e: {  	[tilespmem:s8], [sflag:$0x3] =	stream.indirect.gather @!p0 [hbm4b:s10+s4], $0x30, s7, s4, $0xb8;
	[tilespmem:$0x11000] =	vst v63  }
0x34f: {  	s5 =	sadd.s32 s5, s6;
	_ =	swait.ge [sflag:s28], $0x1800  }
0x350: {  	s5 =	sshrl.u32 s5, $0x3;
	[sflag:s28] =	ssyncset.done $0x0  }
0x351: {  	s5 =	sadd.s32 s13, s5;
	[sflag:s28] =	ssyncadd.s32 $0xFFFFE800  }
0x352: {  	[hbm4b:s5+s11] =	stream.linear.scatter [tilespmem:s19], [sflag:$0x9], $0x1800, $0x38;
	[tilespmem:$0x11000] =	vst v63  }
0x353: {  	s5 =	sor.u32 $0x4, s2  }
0x354: {  	s8 =	sand.u32 $0xFF, s5  }
0x355: {  	_ =	swait.ge [sflag:s14], $0x1800;
	s6 =	smul.u32 $0xAB, s8  }
0x356: {  	s7 =	sadd.s32 @!p0 $0x2580, s3;
	[sflag:s14] =	ssyncset.done $0x0  }
0x357: {  	s8 =	simm.s32 @!p0 $0x9800;
	[sflag:s14] =	ssyncadd.s32 $0xFFFFE800;
	s6 =	sshrl.u32 s6, $0xA  }
0x358: {  	[tilespmem:s8], [sflag:$0x4] =	stream.indirect.gather @!p0 [hbm4b:s10+s4], $0x30, s7, s4, $0xb8;
	[tilespmem:$0x11000] =	vst v63  }
0x359: {  	s9 =	smul.u32 $0x6, s6;
	s6 =	sshll.u32 s6, $0x7  }
0x35a: {  	s7 =	sor.u32 $0x5, s2;
	s6 =	sadd.s32 s12, s6  }
0x35b: {  	s5 =	ssub.s32 s5, s9;
	s6 =	smul.u32 $0x30, s6;
	s9 =	sand.u32 $0xFF, s7  }
0x35c: {  	s5 =	sand.u32 $0xFF, s5;
	s8 =	smul.u32 $0xAB, s9  }
0x35d: {  	s5 =	smul.u32 $0x300000, s5  }
0x35e: {  	_ =	swait.ge [sflag:s29], $0x1800  }
0x35f: {  	[sflag:s29] =	ssyncset.done $0x0;
	s5 =	sadd.s32 s5, s6;
	s6 =	sshrl.u32 s8, $0xA  }
0x360: {  	s5 =	sshrl.u32 s5, $0x3;
	s8 =	smul.u32 $0x6, s6;
	s6 =	sshll.u32 s6, $0x7  }
0x361: {  	[sflag:s29] =	ssyncadd.s32 $0xFFFFE800;
	s5 =	sadd.s32 s13, s5;
	s6 =	sadd.s32 s12, s6  }
0x362: {  	[hbm4b:s5+s11] =	stream.linear.scatter [tilespmem:s20], [sflag:$0x9], $0x1800, $0x38;
	[tilespmem:$0x11000] =	vst v63  }
0x363: {  	s9 =	ssub.s32 s7, s8;
	s7 =	sadd.s32 @!p0 $0x2600, s3;
	_ =	swait.ge [sflag:s14], $0x1800  }
0x364: {  	s6 =	smul.u32 $0x30, s6;
	s5 =	sand.u32 $0xFF, s9;
	[sflag:s14] =	ssyncset.done $0x0  }
0x365: {  	s8 =	simm.s32 @!p0 $0xB000;
	s5 =	smul.u32 $0x300000, s5;
	[sflag:s14] =	ssyncadd.s32 $0xFFFFE800  }
0x366: {  	[tilespmem:s8], [sflag:$0x5] =	stream.indirect.gather @!p0 [hbm4b:s10+s4], $0x30, s7, s4, $0xb8;
	[tilespmem:$0x11000] =	vst v63  }
0x367: {  	s5 =	sadd.s32 s5, s6;
	_ =	swait.ge [sflag:s30], $0x1800  }
0x368: {  	s5 =	sshrl.u32 s5, $0x3;
	[sflag:s30] =	ssyncset.done $0x0  }
0x369: {  	s5 =	sadd.s32 s13, s5;
	[sflag:s30] =	ssyncadd.s32 $0xFFFFE800  }
0x36a: {  	[hbm4b:s5+s11] =	stream.linear.scatter [tilespmem:s21], [sflag:$0x9], $0x1800, $0x38;
	[tilespmem:$0x11000] =	vst v63  }
0x36b: {  	s5 =	sor.u32 $0x6, s2  }
0x36c: {  	s7 =	sand.u32 $0xFF, s5  }
0x36d: {  	_ =	swait.ge [sflag:s14], $0x1800;
	s6 =	smul.u32 $0xAB, s7  }
0x36e: {  	s8 =	simm.s32 @!p0 $0xC800;
	[sflag:s14] =	ssyncset.done $0x0  }
0x36f: {  	s7 =	sadd.s32 @!p0 $0x2680, s3;
	[sflag:s14] =	ssyncadd.s32 $0xFFFFE800;
	s6 =	sshrl.u32 s6, $0xA  }
0x370: {  	[tilespmem:s8], [sflag:$0x6] =	stream.indirect.gather @!p0 [hbm4b:s10+s4], $0x30, s7, s4, $0xb8;
	[tilespmem:$0x11000] =	vst v63  }
0x371: {  	s2 =	sor.u32 $0x7, s2;
	s9 =	smul.u32 $0x6, s6  }
0x372: {  	s8 =	sand.u32 $0xFF, s2;
	s6 =	sshll.u32 s6, $0x7  }
0x373: {  	s7 =	smul.u32 $0xAB, s8;
	s6 =	sadd.s32 s12, s6;
	s5 =	ssub.s32 s5, s9  }
0x374: {  	s6 =	smul.u32 $0x30, s6;
	s5 =	sand.u32 $0xFF, s5  }
0x375: {  	s5 =	smul.u32 $0x300000, s5  }
0x376: {  	_ =	swait.ge [sflag:s31], $0x1800;
	s9 =	sshrl.u32 s7, $0xA  }
0x377: {  	[sflag:s31] =	ssyncset.done $0x0;
	s7 =	smul.u32 $0x6, s9;
	s5 =	sadd.s32 s5, s6  }
0x378: {  	s3 =	sadd.s32 @!p0 $0x2700, s3;
	[sflag:s31] =	ssyncadd.s32 $0xFFFFE800;
	s5 =	sshrl.u32 s5, $0x3  }
0x379: {  	s8 =	sshll.u32 s9, $0x7;
	s2 =	ssub.s32 s2, s7;
	s5 =	sadd.s32 s13, s5  }
0x37a: {  	[hbm4b:s5+s11] =	stream.linear.scatter [tilespmem:s22], [sflag:$0x9], $0x1800, $0x38;
	[tilespmem:$0x11000] =	vst v63  }
0x37b: {  	s9 =	simm.s32 $0x8;
	s2 =	sand.u32 $0xFF, s2;
	_ =	swait.ge [sflag:s14], $0x1800  }
0x37c: {  	s2 =	smul.u32 $0x300000, s2;
	s5 =	sadd.s32 s12, s8;
	[sflag:s14] =	ssyncset.done $0x0  }
0x37d: {  	s6 =	simm.s32 @!p0 $0xE000;
	s5 =	smul.u32 $0x30, s5;
	[sflag:s14] =	ssyncadd.s32 $0xFFFFE800  }
0x37e: {  	[tilespmem:s6], [sflag:$0x7] =	stream.indirect.gather @!p0 [hbm4b:s10+s4], $0x30, s3, s4, $0xb8;
	[tilespmem:$0x11000] =	vst v63  }
0x37f: {  	s2 =	sadd.s32 s2, s5;
	_ =	swait.ge [sflag:s9], $0x1800  }
0x380: {  	s2 =	sshrl.u32 s2, $0x3;
	[sflag:s9] =	ssyncset.done $0x0  }
.Ltmp3:
0x381: {  	s2 =	sadd.s32 s13, s2;
	[sflag:s9] =	ssyncadd.s32 $0xFFFFE800;
	(pc) =	sbr.rel @p0 .LBB2_6-.Ltmp3, $4  }
0x382: {  	[hbm4b:s2+s11] =	stream.linear.scatter [tilespmem:s23], [sflag:$0x9], $0x1800, $0x38;
	[tilespmem:$0x11000] =	vst v63  }
0x383: {  	_ =	swait.ge [sflag:s14], $0x1800  }
0x384: {  	[sflag:s14] =	ssyncset.done $0x0  }
0x385: {  	[sflag:s14] =	ssyncadd.s32 $0xFFFFE800  }
.Ltmp4:
0x386: {  	(pc) =	sbr.rel .LBB2_4-.Ltmp4, $4  }
0x387: {  	_ = 	snop  }
0x388: {  	s2 =	sshra.s32 s0, $0x2  }
0x389: {  	s1 =	sadd.s32 $0x1, s1;
	s0 =	sadd.s32 $0x1000, s0;
	s2 =	sadd.s32 $0x2780, s2  }
0x38a: {  	[tilespmem:s23], [sflag:$0x8] =	stream.indirect.gather [hbm4b:s10+s15], $0x30, s2, s15, $0xb8;
	[tilespmem:$0x11000] =	vst v63  }
.LBB2_7:
0x38b: {  	_ =	sfence.sel $0x180000  }
0x38c: {  	[bflag:$0x0] =	sbarrier.arrive $0xFFFF  }
0x38d: {  	_ =	strace $0x90000047  }
0x38e: {  	s0 =	stileid.u32;
	[bflag:$0x2] =	sbarrier.arrive $0xFFFF  }
0x38f: {  	p0 =	sne.s32 s0, $0x0;
	s0 =	rddreg [dreg:$0x1]  }
0x390: {  	s0 =	sadd.s32 @!p0 $0x100000, s0  }
0x391: {  	[sflag:s0] =	ssyncadd.tile.s32 @!p0 $0x1;
	_ =	shalt  }
.Lfunc_end2:
_tile_overlayer_lowered:
.L_overlay_start_2:
0x392: {  	(tag) =	ssettag $0x2  }
0x393: {  	s0 =	rddreg [dreg:$0x0];
	s2 =	stileid.u32  }
0x394: {  	s1 =	rddreg [dreg:$0x1];
	p0 =	sne.s32 s2, $0x0  }
0x395: {  	s3 =	rddreg [dreg:$0x2];
	[bflag:$0x3] =	sbarrier.arrive $0xFFFF;
	s2 =	simm.s32 @!p0 $0x1C09  }
0x396: {  	[timem:s3], [sflag:s2] =	dma.local @!p0 [hbm:s0], s1  }
0x397: {  	s0 =	simm.s32 @!p0 $0x9  }
0x398: {  	_ =	swait.ge @!p0 [sflag:s0], s1  }
0x399: {  	s1 =	ssub.s32 @!p0 $0x0, s1;
	[sflag:s0] =	ssyncset.done @!p0 $0x0  }
0x39a: {  	[sflag:s0] =	ssyncadd.s32 @!p0 s1  }
0x39b: {  	[bflag:$0x3] =	sbarrier.arrive $0xFFFF  }
0x39c: {  	_ =	shalt  }

</sc_bundles>
